<compile_context>
chip_gen: v7x
topology: tpu7x:2x2x1
jax: 0.10.2.dev20260603
libtpu: 0.0.44.dev20260713+nightly
codegen_flags: <defaults>
</compile_context>

<pallas_src>
import functools

import jax
import jax.numpy as jnp
from jax import lax
from jax.experimental import pallas as pl
from jax.experimental.pallas import tpu as pltpu
from jax.experimental.pallas import tpu_sc as plsc

N = 10000
E = 160000
FN = 256
FE = 16
FG = 32
H = 512
FEO = 128
FNO = 256
G = 4

NB = 400
EBLK = 1600
NW = 32
NPT = 624
NREM = N - 16 * NPT
ZR = 24

_F32 = jnp.float32



def _pack(v):
    vb = v.astype(jnp.bfloat16)
    lo = lax.bitcast_convert_type(vb[:, :H // 2], jnp.uint16).astype(jnp.uint32)
    hi = lax.bitcast_convert_type(vb[:, H // 2:], jnp.uint16).astype(jnp.uint32)
    return lax.bitcast_convert_type(lo | (hi << 16), _F32)


def _unpack(p):
    u = lax.bitcast_convert_type(p, jnp.uint32)
    lo = lax.bitcast_convert_type(u << 16, _F32)
    hi = lax.bitcast_convert_type(u & jnp.uint32(0xFFFF0000), _F32)
    return lo, hi


def _pre_body(x_ref, bf_ref, g_ref, w_ref, b0_ref, xa_ref, xb_ref):
    x = x_ref[...]
    wsrc = w_ref[0:FN, :]
    wtgt = w_ref[FN:2 * FN, :]
    wu = w_ref[2 * FN + FE:, :]
    gu = jnp.dot(g_ref[...], wu, preferred_element_type=_F32)
    oh = (bf_ref[...] == lax.broadcasted_iota(jnp.int32, (1, G), 1).astype(_F32)).astype(_F32)
    xa_ref[...] = _pack(jnp.dot(x, wsrc, preferred_element_type=_F32)
                        + jnp.dot(oh, gu, preferred_element_type=_F32)
                        + b0_ref[...])
    xb_ref[...] = _pack(jnp.dot(x, wtgt, preferred_element_type=_F32))


def _edge_body(sa_ref, sb_ref, attr_ref, wat_ref, b1_ref, w1_ref, w2_ref,
               b2_ref, eg_ref, ebeta_ref, out_ref):
    a_lo, a_hi = _unpack(sa_ref[...])
    b_lo, b_hi = _unpack(sb_ref[...])
    aw = jnp.dot(attr_ref[...], wat_ref[...], preferred_element_type=_F32)
    h0_lo = jnp.maximum(a_lo + b_lo + aw[:, :H // 2], 0.0).astype(jnp.bfloat16)
    h0_hi = jnp.maximum(a_hi + b_hi + aw[:, H // 2:], 0.0).astype(jnp.bfloat16)
    h1 = jnp.maximum(
        jnp.dot(h0_lo, w1_ref[0:H // 2, :], preferred_element_type=_F32)
        + jnp.dot(h0_hi, w1_ref[H // 2:, :], preferred_element_type=_F32)
        + b1_ref[...],
        0.0)
    eh = jnp.dot(h1.astype(jnp.bfloat16), w2_ref[...],
                 preferred_element_type=_F32) + b2_ref[...]
    mu = jnp.mean(eh, axis=1, keepdims=True)
    var = jnp.mean((eh - mu) ** 2, axis=1, keepdims=True)
    out_ref[...] = (eh - mu) * lax.rsqrt(var + 1e-5) * eg_ref[...] + ebeta_ref[...]


def _node_body(x_ref, agg_ref, bf_ref, g_ref, w0_ref, b0_ref, w1_ref, b1_ref,
               w2_ref, b2_ref, ng_ref, nbeta_ref, out_ref):
    agg = agg_ref[0] + agg_ref[1]
    w0x = w0_ref[0:FN, :]
    w0a = w0_ref[FN:FN + FEO, :]
    w0u = w0_ref[FN + FEO:, :]
    gu = jnp.dot(g_ref[...], w0u, preferred_element_type=_F32)
    oh = (bf_ref[...] == lax.broadcasted_iota(jnp.int32, (1, G), 1).astype(_F32)).astype(_F32)
    h = jnp.maximum(
        jnp.dot(x_ref[...], w0x, preferred_element_type=_F32)
        + jnp.dot(agg, w0a, preferred_element_type=_F32)
        + jnp.dot(oh, gu, preferred_element_type=_F32)
        + b0_ref[...],
        0.0)
    h = jnp.maximum(
        jnp.dot(h, w1_ref[...], preferred_element_type=_F32) + b1_ref[...],
        0.0)
    nh = jnp.dot(h, w2_ref[...], preferred_element_type=_F32) + b2_ref[...]
    mu = jnp.mean(nh, axis=1, keepdims=True)
    var = jnp.mean((nh - mu) ** 2, axis=1, keepdims=True)
    out_ref[...] = (nh - mu) * lax.rsqrt(var + 1e-5) * ng_ref[...] + nbeta_ref[...]


def _full(shape):
    return pl.BlockSpec(shape, lambda i: tuple(0 for _ in shape))


def _precompute(x, bf, g, w, b0):
    return pl.pallas_call(
        _pre_body,
        grid=(N // NB,),
        in_specs=[
            pl.BlockSpec((NB, FN), lambda i: (i, 0)),
            pl.BlockSpec((NB, 1), lambda i: (i, 0)),
            _full((G, FG)),
            _full((2 * FN + FE + FG, H)),
            _full((1, H)),
        ],
        out_specs=[pl.BlockSpec((NB, H // 2), lambda i: (i, 0)),
                   pl.BlockSpec((NB, H // 2), lambda i: (i, 0))],
        out_shape=[jax.ShapeDtypeStruct((N, H // 2), _F32),
                   jax.ShapeDtypeStruct((N, H // 2), _F32)],
    )(x, bf, g, w, b0)


def _edge_mlp(sa, sb, attr, wat, w1, b1, w2, b2, eg, ebeta):
    return pl.pallas_call(
        _edge_body,
        grid=(sa.shape[0] // EBLK,),
        in_specs=[
            pl.BlockSpec((EBLK, H // 2), lambda i: (i, 0)),
            pl.BlockSpec((EBLK, H // 2), lambda i: (i, 0)),
            pl.BlockSpec((EBLK, FE), lambda i: (i, 0)),
            _full((FE, H)),
            _full((1, H)),
            _full((H, H)),
            _full((H, FEO)),
            _full((1, FEO)),
            _full((1, FEO)),
            _full((1, FEO)),
        ],
        out_specs=pl.BlockSpec((EBLK, FEO), lambda i: (i, 0)),
        out_shape=jax.ShapeDtypeStruct((sa.shape[0], FEO), _F32),
    )(sa, sb, attr, wat, b1, w1, w2, b2, eg, ebeta)


def _node_mlp(x, agg, bf, g, w0, b0, w1, b1, w2, b2, ng, nbeta):
    return pl.pallas_call(
        _node_body,
        grid=(N // NB,),
        in_specs=[
            pl.BlockSpec((NB, FN), lambda i: (i, 0)),
            pl.BlockSpec((2, NB, FEO), lambda i: (0, i, 0)),
            pl.BlockSpec((NB, 1), lambda i: (i, 0)),
            _full((G, FG)),
            _full((FN + FEO + FG, H)),
            _full((1, H)),
            _full((H, H)),
            _full((1, H)),
            _full((H, FNO)),
            _full((1, FNO)),
            _full((1, FNO)),
            _full((1, FNO)),
        ],
        out_specs=pl.BlockSpec((NB, FNO), lambda i: (i, 0)),
        out_shape=jax.ShapeDtypeStruct((N, FNO), _F32),
    )(x, agg, bf, g, w0, b0, w1, b1, w2, b2, ng, nbeta)



_MESH = plsc.VectorSubcoreMesh(core_axis_name="c", subcore_axis_name="s")


G_C = 64
G_NCH = E // G_C
G_NQMAX = 79
_NSLOT = 3


@functools.partial(
    pl.kernel, mesh=_MESH,
    out_type=(jax.ShapeDtypeStruct((E, H // 2), _F32),
              jax.ShapeDtypeStruct((E, H // 2), _F32)),
    scratch_types=[
        pltpu.VMEM((G_NQMAX, 1, G_C), jnp.int32),
        pltpu.VMEM((G_NQMAX, 1, G_C), jnp.int32),
    ] + [pltpu.VMEM((G_C, H // 2), _F32)] * (2 * _NSLOT)
      + [pltpu.SemaphoreType.DMA] * (4 * _NSLOT))
def _gather(xa_hbm, xb_hbm, rowi_hbm, coli_hbm, sa_hbm, sb_hbm,
            idxa, idxb, *bufsem):
    bufa = bufsem[0:_NSLOT]
    bufb = bufsem[_NSLOT:2 * _NSLOT]
    ga = bufsem[2 * _NSLOT:3 * _NSLOT]
    gb = bufsem[3 * _NSLOT:4 * _NSLOT]
    wa = bufsem[4 * _NSLOT:5 * _NSLOT]
    wb = bufsem[5 * _NSLOT:6 * _NSLOT]
    wid = lax.axis_index("s") * 2 + lax.axis_index("c")
    qa = (G_NCH * wid) // NW
    qb = (G_NCH * (wid + 1)) // NW
    nq = qb - qa
    pltpu.sync_copy(rowi_hbm.at[pl.ds(qa, G_NQMAX)], idxa)
    pltpu.sync_copy(coli_hbm.at[pl.ds(qa, G_NQMAX)], idxb)

    def issue_gather(t, k):
        pltpu.async_copy(xa_hbm.at[idxa.at[t, 0]], bufa[k], ga[k])
        pltpu.async_copy(xb_hbm.at[idxb.at[t, 0]], bufb[k], gb[k])

    def drain_gather(t, k):
        pltpu.make_async_copy(xa_hbm.at[idxa.at[t, 0]], bufa[k], ga[k]).wait()
        pltpu.make_async_copy(xb_hbm.at[idxb.at[t, 0]], bufb[k], gb[k]).wait()

    def issue_write(t, k):
        off = (qa + t) * G_C
        pltpu.async_copy(bufa[k], sa_hbm.at[pl.ds(off, G_C)], wa[k])
        pltpu.async_copy(bufb[k], sb_hbm.at[pl.ds(off, G_C)], wb[k])

    def wait_write(t, k):
        off = (qa + t) * G_C
        pltpu.make_async_copy(bufa[k], sa_hbm.at[pl.ds(off, G_C)], wa[k]).wait()
        pltpu.make_async_copy(bufb[k], sb_hbm.at[pl.ds(off, G_C)], wb[k]).wait()

    for k in range(_NSLOT):
        issue_gather(k, k)

    def body(t, carry):
        for k in range(_NSLOT):

            @pl.when(t % _NSLOT == k)
            def _slot():
                drain_gather(t, k)
                issue_write(t, k)

                @pl.when(t + _NSLOT < nq)
                def _next():
                    wait_write(t, k)
                    issue_gather(t + _NSLOT, k)

        return carry

    lax.fori_loop(0, nq, body, 0)
    @pl.when(nq == 78)
    def _tail78():
        wait_write(75, 0)
        wait_write(76, 1)
        wait_write(77, 2)

    @pl.when(nq == 79)
    def _tail79():
        wait_write(76, 1)
        wait_write(77, 2)
        wait_write(78, 0)


SC_C = 64
SC_NCH = E // SC_C


@functools.partial(
    pl.kernel, mesh=_MESH,
    out_type=jax.ShapeDtypeStruct((2, N, FEO), _F32),
    scratch_types=[
        pltpu.VMEM((1, SC_C), jnp.int32),
        pltpu.VMEM((1, SC_C), jnp.int32),
        pltpu.VMEM((SC_C, FEO), _F32),
        pltpu.VMEM((SC_C, FEO), _F32),
        pltpu.VMEM((ZR, FEO), _F32),
        pltpu.VMEM_SHARED((N, FEO), _F32),
        pltpu.SemaphoreType.DMA,
        pltpu.SemaphoreType.DMA,
        pltpu.SemaphoreType.DMA,
        pltpu.SemaphoreType.DMA,
    ])
def _scatter(eo_hbm, coli_hbm, agg_hbm, idx0, idx1, buf0, buf1, zbuf, shared,
             si0, si1, sd0, sd1):
    cid = lax.axis_index("c")
    sid = lax.axis_index("s")
    wid = sid * 2 + cid

    def zb(r, carry):
        for k in range(FEO // 16):
            zbuf[r, pl.ds(k * 16, 16)] = jnp.zeros((16,), _F32)
        return carry

    lax.fori_loop(0, ZR, zb, 0)

    def zs(j, carry):
        pltpu.sync_copy(zbuf, shared.at[pl.ds(sid * NPT + j * ZR, ZR)])
        return carry

    lax.fori_loop(0, NPT // ZR, zs, 0)

    @pl.when(sid == 0)
    def _zero_tail():
        pltpu.sync_copy(zbuf.at[pl.ds(0, NREM)],
                        shared.at[pl.ds(16 * NPT, NREM)])

    plsc.subcore_barrier()

    qa = (SC_NCH * wid) // NW
    qb = (SC_NCH * (wid + 1)) // NW
    nq = qb - qa

    def rd(t, ib, b, smi, smd):
        q = qa + t
        pltpu.async_copy(coli_hbm.at[q], ib, smi)
        pltpu.async_copy(eo_hbm.at[pl.ds(q * SC_C, SC_C)], b, smd)

    def add(t, ib, b, smi, smd):
        q = qa + t
        pltpu.make_async_copy(coli_hbm.at[q], ib, smi).wait()
        pltpu.make_async_copy(
            eo_hbm.at[pl.ds(q * SC_C, SC_C)], b, smd).wait()
        pltpu.sync_copy(b, shared.at[ib.at[0]], add=True)

    rd(0, idx0, buf0, si0, sd0)

    def body(t, carry):
        par = t % 2

        @pl.when(t + 1 < nq)
        def _prefetch():
            @pl.when(par == 0)
            def _p0():
                rd(t + 1, idx1, buf1, si1, sd1)

            @pl.when(par == 1)
            def _p1():
                rd(t + 1, idx0, buf0, si0, sd0)

        @pl.when(par == 0)
        def _a0():
            add(t, idx0, buf0, si0, sd0)

        @pl.when(par == 1)
        def _a1():
            add(t, idx1, buf1, si1, sd1)

        return carry

    lax.fori_loop(0, nq, body, 0)
    plsc.subcore_barrier()
    pltpu.sync_copy(shared.at[pl.ds(sid * NPT, NPT)],
                    agg_hbm.at[cid, pl.ds(sid * NPT, NPT)])

    @pl.when(sid == 0)
    def _copy_tail():
        pltpu.sync_copy(shared.at[pl.ds(16 * NPT, NREM)],
                        agg_hbm.at[cid, pl.ds(16 * NPT, NREM)])



def kernel(x, edge_index, edge_attr, global_features, batch,
           eW0, eb0, eW1, eb1, eW2, eb2, eg, ebeta,
           nW0, nb0, nW1, nb1, nW2, nb2, ng, nbeta):
    row = edge_index[0].astype(jnp.int32)
    col = edge_index[1].astype(jnp.int32)
    bf = batch.astype(_F32).reshape(N, 1)

    xa, xb = _precompute(x, bf, global_features, eW0, eb0.reshape(1, H))
    sa, sb = _gather(xa, xb, row.reshape(G_NCH, 1, G_C),
                     col.reshape(G_NCH, 1, G_C))
    edge_out = _edge_mlp(sa, sb, edge_attr, eW0[2 * FN:2 * FN + FE],
                         eW1.astype(jnp.bfloat16), eb1.reshape(1, H),
                         eW2.astype(jnp.bfloat16), eb2.reshape(1, FEO),
                         eg.reshape(1, FEO), ebeta.reshape(1, FEO))
    agg = _scatter(edge_out, col.reshape(SC_NCH, 1, SC_C))
    node_out = _node_mlp(x, agg, bf, global_features,
                         nW0, nb0.reshape(1, H), nW1, nb1.reshape(1, H),
                         nW2, nb2.reshape(1, FNO), ng.reshape(1, FNO),
                         nbeta.reshape(1, FNO))
    return node_out, edge_out, global_features

# --- scband reference (transcript-rebuilt; emitter-appended) ---
"""Pipeline reference for scband-tracking-graph-layer-2173253452022 (READ-ONLY COPY).

The authoritative reference and input builder live on the scoring server;
editing this copy changes nothing except your own understanding.
"""

import jax, jax.numpy as jnp
import numpy as np

N = 10000
E = 160000
FN = 256
FE = 16
FG = 32
H = 512
FEO = 128
FNO = 256
G = 4


def _kaiming_uniform(key, fan_in, fan_out):
    # torch kaiming_uniform_ with nonlinearity='relu': bound = sqrt(2) * sqrt(3 / fan_in)
    bound = np.sqrt(6.0 / fan_in)
    return jax.random.uniform(key, (fan_in, fan_out), minval=-bound, maxval=bound, dtype=jnp.float32)


def _bias(key, fan_in, fan_out):
    bound = 1.0 / np.sqrt(fan_in)
    return jax.random.uniform(key, (fan_out,), minval=-bound, maxval=bound, dtype=jnp.float32)


def _layer_norm(h, gamma, beta, eps=1e-5):
    mu = jnp.mean(h, axis=-1, keepdims=True)
    var = jnp.var(h, axis=-1, keepdims=True)
    return (h - mu) / jnp.sqrt(var + eps) * gamma + beta


def setup_inputs(seed: int = 0) -> dict:
    key = jax.random.key(seed)
    ks = jax.random.split(key, 24)
    x = jax.random.normal(ks[0], (N, FN), dtype=jnp.float32)
    edge_index = jax.random.randint(ks[1], (2, E), 0, N, dtype=jnp.int64)
    edge_attr = jax.random.normal(ks[2], (E, FE), dtype=jnp.float32)
    global_features = jax.random.normal(ks[3], (G, FG), dtype=jnp.float32)
    batch = jnp.sort(jax.random.randint(ks[4], (N,), 0, G, dtype=jnp.int64))
    e_in = 2 * FN + FE + FG  # 560
    n_in = FN + FEO + FG     # 416
    inp = {
        'x': x, 'edge_index': edge_index, 'edge_attr': edge_attr,
        'global_features': global_features, 'batch': batch,
        'eW0': _kaiming_uniform(ks[5], e_in, H), 'eb0': _bias(ks[6], e_in, H),
        'eW1': _kaiming_uniform(ks[7], H, H),    'eb1': _bias(ks[8], H, H),
        'eW2': _kaiming_uniform(ks[9], H, FEO),  'eb2': _bias(ks[10], H, FEO),
        'eg': jnp.ones((FEO,), jnp.float32), 'ebeta': jnp.zeros((FEO,), jnp.float32),
        'nW0': _kaiming_uniform(ks[11], n_in, H), 'nb0': _bias(ks[12], n_in, H),
        'nW1': _kaiming_uniform(ks[13], H, H),    'nb1': _bias(ks[14], H, H),
        'nW2': _kaiming_uniform(ks[15], H, FNO),  'nb2': _bias(ks[16], H, FNO),
        'ng': jnp.ones((FNO,), jnp.float32), 'nbeta': jnp.zeros((FNO,), jnp.float32),
    }
    return inp


def reference(x, edge_index, edge_attr, global_features, batch,
              eW0, eb0, eW1, eb1, eW2, eb2, eg, ebeta,
              nW0, nb0, nW1, nb1, nW2, nb2, ng, nbeta):
    row = edge_index[0]  # source node of each edge
    col = edge_index[1]  # target node of each edge
    src = jnp.take(x, row, axis=0)
    tgt = jnp.take(x, col, axis=0)
    edge_batch = jnp.take(batch, row, axis=0)
    u_per_edge = jnp.take(global_features, edge_batch, axis=0)
    # EdgeModel: Lin -> ReLU -> Lin -> ReLU -> Lin -> LayerNorm
    eh = jnp.concatenate([src, tgt, edge_attr, u_per_edge], axis=1)
    eh = jax.nn.relu(eh @ eW0 + eb0)
    eh = jax.nn.relu(eh @ eW1 + eb1)
    eh = eh @ eW2 + eb2
    edge_out = _layer_norm(eh, eg, ebeta)
    # NodeModel: sum incoming edge features at target node, concat node + global
    agg = jax.ops.segment_sum(edge_out, col, num_segments=N)
    u_per_node = jnp.take(global_features, batch, axis=0)
    nh = jnp.concatenate([x, agg, u_per_node], axis=1)
    nh = jax.nn.relu(nh @ nW0 + nb0)
    nh = jax.nn.relu(nh @ nW1 + nb1)
    nh = nh @ nW2 + nb2
    node_out = _layer_norm(nh, ng, nbeta)
    return node_out, edge_out, global_features

if __name__ == "__main__":
    import jax
    _d = setup_inputs()
    print(jax.jit(kernel)(*tuple(_d.values())))

</pallas_src>

<mosaic_0001>
#map = affine_map<(d0, d1) -> (0, 0)>
#map1 = affine_map<(d0, d1) -> (0, 0, 0)>
module attributes {stable_mosaic.version = 14 : i64} {
  func.func @_gather(%arg0: i32, %arg1: i32, %arg2: memref<10000x256xf32, #tpu.memory_space<hbm>>, %arg3: memref<10000x256xf32, #tpu.memory_space<hbm>>, %arg4: memref<2500x1x64xi32, #tpu.memory_space<hbm>>, %arg5: memref<2500x1x64xi32, #tpu.memory_space<hbm>>, %arg6: memref<160000x256xf32, #tpu.memory_space<hbm>>, %arg7: memref<160000x256xf32, #tpu.memory_space<hbm>>, %arg8: memref<79x1x64xi32, #tpu.memory_space<vmem>>, %arg9: memref<79x1x64xi32, #tpu.memory_space<vmem>>, %arg10: memref<64x256xf32, #tpu.memory_space<vmem>>, %arg11: memref<64x256xf32, #tpu.memory_space<vmem>>, %arg12: memref<64x256xf32, #tpu.memory_space<vmem>>, %arg13: memref<64x256xf32, #tpu.memory_space<vmem>>, %arg14: memref<64x256xf32, #tpu.memory_space<vmem>>, %arg15: memref<64x256xf32, #tpu.memory_space<vmem>>, %arg16: memref<!tpu.dma_semaphore, #tpu.memory_space<semaphore_mem>>, %arg17: memref<!tpu.dma_semaphore, #tpu.memory_space<semaphore_mem>>, %arg18: memref<!tpu.dma_semaphore, #tpu.memory_space<semaphore_mem>>, %arg19: memref<!tpu.dma_semaphore, #tpu.memory_space<semaphore_mem>>, %arg20: memref<!tpu.dma_semaphore, #tpu.memory_space<semaphore_mem>>, %arg21: memref<!tpu.dma_semaphore, #tpu.memory_space<semaphore_mem>>, %arg22: memref<!tpu.dma_semaphore, #tpu.memory_space<semaphore_mem>>, %arg23: memref<!tpu.dma_semaphore, #tpu.memory_space<semaphore_mem>>, %arg24: memref<!tpu.dma_semaphore, #tpu.memory_space<semaphore_mem>>, %arg25: memref<!tpu.dma_semaphore, #tpu.memory_space<semaphore_mem>>, %arg26: memref<!tpu.dma_semaphore, #tpu.memory_space<semaphore_mem>>, %arg27: memref<!tpu.dma_semaphore, #tpu.memory_space<semaphore_mem>>) attributes {dimension_semantics = [#tpu.dimension_semantics<core_parallel>, #tpu.dimension_semantics<subcore_parallel>], iteration_bounds = array<i64: 2, 16>, scalar_prefetch = 0 : i64, scratch_operands = 20 : i64, tpu.core_type = #tpu.core_type<sc_vector_subcore>, window_params = [{transform_indices = #map}, {transform_indices = #map}, {transform_indices = #map1}, {transform_indices = #map1}, {transform_indices = #map}, {transform_indices = #map}]} {
    %mul3A = arith.constant 2 : i32
    %mul3A_0 = arith.muli %arg1, %mul3A : i32
    %add3A = arith.addi %mul3A_0, %arg0 : i32
    %mul3A_1 = arith.constant 2500 : i32
    %mul3A_2 = arith.muli %mul3A_1, %add3A : i32
    %jit3A = arith.constant 32 : i32
    %div3A = arith.divsi %mul3A_2, %jit3A : i32
    %sign3A = arith.constant 0 : i32
    %sign3A_3 = arith.cmpi sgt, %mul3A_2, %sign3A : i32
    %sign3A_4 = arith.extui %sign3A_3 : i1 to i32
    %sign3A_5 = arith.constant 0 : i32
    %sign3A_6 = arith.cmpi slt, %mul3A_2, %sign3A_5 : i32
    %sign3A_7 = arith.extui %sign3A_6 : i1 to i32
    %sign3A_8 = arith.subi %sign3A_4, %sign3A_7 : i32
    %sign3A_9 = arith.constant 0 : i32
    %sign3A_10 = arith.cmpi sgt, %jit3A, %sign3A_9 : i32
    %sign3A_11 = arith.extui %sign3A_10 : i1 to i32
    %sign3A_12 = arith.constant 0 : i32
    %sign3A_13 = arith.cmpi slt, %jit3A, %sign3A_12 : i32
    %sign3A_14 = arith.extui %sign3A_13 : i1 to i32
    %sign3A_15 = arith.subi %sign3A_11, %sign3A_14 : i32
    %ne3A = arith.cmpi ne, %sign3A_8, %sign3A_15 : i32
    %rem3A = arith.remsi %mul3A_2, %jit3A : i32
    %ne3A_16 = arith.constant 0 : i32
    %ne3A_17 = arith.cmpi ne, %rem3A, %ne3A_16 : i32
    %and3A = arith.andi %ne3A, %ne3A_17 : i1
    %sub3A = arith.constant 1 : i32
    %sub3A_18 = arith.subi %div3A, %sub3A : i32
    %select_n3A = arith.select %and3A, %sub3A_18, %div3A : i32
    %add3A_19 = arith.constant 1 : i32
    %add3A_20 = arith.addi %add3A, %add3A_19 : i32
    %mul3A_21 = arith.constant 2500 : i32
    %mul3A_22 = arith.muli %mul3A_21, %add3A_20 : i32
    %jit3A_23 = arith.constant 32 : i32
    %div3A_24 = arith.divsi %mul3A_22, %jit3A_23 : i32
    %sign3A_25 = arith.constant 0 : i32
    %sign3A_26 = arith.cmpi sgt, %mul3A_22, %sign3A_25 : i32
    %sign3A_27 = arith.extui %sign3A_26 : i1 to i32
    %sign3A_28 = arith.constant 0 : i32
    %sign3A_29 = arith.cmpi slt, %mul3A_22, %sign3A_28 : i32
    %sign3A_30 = arith.extui %sign3A_29 : i1 to i32
    %sign3A_31 = arith.subi %sign3A_27, %sign3A_30 : i32
    %sign3A_32 = arith.constant 0 : i32
    %sign3A_33 = arith.cmpi sgt, %jit3A_23, %sign3A_32 : i32
    %sign3A_34 = arith.extui %sign3A_33 : i1 to i32
    %sign3A_35 = arith.constant 0 : i32
    %sign3A_36 = arith.cmpi slt, %jit3A_23, %sign3A_35 : i32
    %sign3A_37 = arith.extui %sign3A_36 : i1 to i32
    %sign3A_38 = arith.subi %sign3A_34, %sign3A_37 : i32
    %ne3A_39 = arith.cmpi ne, %sign3A_31, %sign3A_38 : i32
    %rem3A_40 = arith.remsi %mul3A_22, %jit3A_23 : i32
    %ne3A_41 = arith.constant 0 : i32
    %ne3A_42 = arith.cmpi ne, %rem3A_40, %ne3A_41 : i32
    %and3A_43 = arith.andi %ne3A_39, %ne3A_42 : i1
    %sub3A_44 = arith.constant 1 : i32
    %sub3A_45 = arith.subi %div3A_24, %sub3A_44 : i32
    %select_n3A_46 = arith.select %and3A_43, %sub3A_45, %div3A_24 : i32
    %sub3A_47 = arith.subi %select_n3A_46, %select_n3A : i32
    "tpu.region"() ({
      %run_scoped3A = tpu.sem_alloc : memref<!tpu.dma_semaphore, #tpu.memory_space<semaphore_mem>>
      %dma_start3A_111 = arith.constant 0 : i32
      %dma_start3A_112 = arith.constant 0 : i32
      %dma_start3A_113 = tpu.memref_slice %arg4[%select_n3A, %dma_start3A_111, %dma_start3A_112] : memref<2500x1x64xi32, #tpu.memory_space<hbm>> -> memref<79x1x64xi32, #tpu.memory_space<hbm>>
      %dma_start3A_114 = arith.constant 0 : i32
      %dma_start3A_115 = arith.constant 0 : i32
      %dma_start3A_116 = tpu.memref_slice %arg4[%select_n3A, %dma_start3A_114, %dma_start3A_115] : memref<2500x1x64xi32, #tpu.memory_space<hbm>> -> memref<79x1x64xi32, #tpu.memory_space<hbm>>
      tpu.enqueue_dma source(%dma_start3A_116 : memref<79x1x64xi32, #tpu.memory_space<hbm>>) target(%arg8 : memref<79x1x64xi32, #tpu.memory_space<vmem>>) target_semaphore(%run_scoped3A : memref<!tpu.dma_semaphore, #tpu.memory_space<semaphore_mem>>)
      %dma_wait3A = arith.constant 0 : i32
      %dma_wait3A_117 = arith.constant 0 : i32
      %dma_wait3A_118 = tpu.memref_slice %arg4[%select_n3A, %dma_wait3A, %dma_wait3A_117] : memref<2500x1x64xi32, #tpu.memory_space<hbm>> -> memref<79x1x64xi32, #tpu.memory_space<hbm>>
      %dma_wait3A_119 = arith.constant 0 : i32
      %dma_wait3A_120 = arith.constant 0 : i32
      %dma_wait3A_121 = tpu.memref_slice %arg4[%select_n3A, %dma_wait3A_119, %dma_wait3A_120] : memref<2500x1x64xi32, #tpu.memory_space<hbm>> -> memref<79x1x64xi32, #tpu.memory_space<hbm>>
      tpu.wait_dma2 semaphore(%run_scoped3A : memref<!tpu.dma_semaphore, #tpu.memory_space<semaphore_mem>>) src(%dma_wait3A_121 : memref<79x1x64xi32, #tpu.memory_space<hbm>>) dst(%arg8 : memref<79x1x64xi32, #tpu.memory_space<vmem>>)
      tpu.yield
    }) : () -> ()
    "tpu.region"() ({
      %run_scoped3A = tpu.sem_alloc : memref<!tpu.dma_semaphore, #tpu.memory_space<semaphore_mem>>
      %dma_start3A_111 = arith.constant 0 : i32
      %dma_start3A_112 = arith.constant 0 : i32
      %dma_start3A_113 = tpu.memref_slice %arg5[%select_n3A, %dma_start3A_111, %dma_start3A_112] : memref<2500x1x64xi32, #tpu.memory_space<hbm>> -> memref<79x1x64xi32, #tpu.memory_space<hbm>>
      %dma_start3A_114 = arith.constant 0 : i32
      %dma_start3A_115 = arith.constant 0 : i32
      %dma_start3A_116 = tpu.memref_slice %arg5[%select_n3A, %dma_start3A_114, %dma_start3A_115] : memref<2500x1x64xi32, #tpu.memory_space<hbm>> -> memref<79x1x64xi32, #tpu.memory_space<hbm>>
      tpu.enqueue_dma source(%dma_start3A_116 : memref<79x1x64xi32, #tpu.memory_space<hbm>>) target(%arg9 : memref<79x1x64xi32, #tpu.memory_space<vmem>>) target_semaphore(%run_scoped3A : memref<!tpu.dma_semaphore, #tpu.memory_space<semaphore_mem>>)
      %dma_wait3A = arith.constant 0 : i32
      %dma_wait3A_117 = arith.constant 0 : i32
      %dma_wait3A_118 = tpu.memref_slice %arg5[%select_n3A, %dma_wait3A, %dma_wait3A_117] : memref<2500x1x64xi32, #tpu.memory_space<hbm>> -> memref<79x1x64xi32, #tpu.memory_space<hbm>>
      %dma_wait3A_119 = arith.constant 0 : i32
      %dma_wait3A_120 = arith.constant 0 : i32
      %dma_wait3A_121 = tpu.memref_slice %arg5[%select_n3A, %dma_wait3A_119, %dma_wait3A_120] : memref<2500x1x64xi32, #tpu.memory_space<hbm>> -> memref<79x1x64xi32, #tpu.memory_space<hbm>>
      tpu.wait_dma2 semaphore(%run_scoped3A : memref<!tpu.dma_semaphore, #tpu.memory_space<semaphore_mem>>) src(%dma_wait3A_121 : memref<79x1x64xi32, #tpu.memory_space<hbm>>) dst(%arg9 : memref<79x1x64xi32, #tpu.memory_space<vmem>>)
      tpu.yield
    }) : () -> ()
    %dma_start3A = arith.constant 0 : i32
    %dma_start3A_48 = arith.constant 0 : i32
    %dma_start3A_49 = arith.constant 0 : i32
    %dma_start3A_50 = tpu.memref_slice %arg8[%dma_start3A, %dma_start3A_48, %dma_start3A_49] : memref<79x1x64xi32, #tpu.memory_space<vmem>> -> memref<1x1x64xi32, #tpu.memory_space<vmem>>
    %dma_start3A_51 = tpu.memref_squeeze %dma_start3A_50 : memref<1x1x64xi32, #tpu.memory_space<vmem>> -> memref<64xi32, #tpu.memory_space<vmem>>
    %dma_start3A_52 = arith.constant 0 : i32
    %dma_start3A_53 = arith.constant 0 : i32
    %dma_start3A_54 = tpu.memref_slice %arg2[%dma_start3A_52, %dma_start3A_53] : memref<10000x256xf32, #tpu.memory_space<hbm>> -> memref<10000x256xf32, #tpu.memory_space<hbm>>
    tpu.enqueue_indirect_dma source(%dma_start3A_54 : memref<10000x256xf32, #tpu.memory_space<hbm>>) target(%arg10 : memref<64x256xf32, #tpu.memory_space<vmem>>) offsets(%dma_start3A_51 : memref<64xi32, #tpu.memory_space<vmem>>) semaphore(%arg16 : memref<!tpu.dma_semaphore, #tpu.memory_space<semaphore_mem>>)
    %dma_start3A_55 = arith.constant 0 : i32
    %dma_start3A_56 = arith.constant 0 : i32
    %dma_start3A_57 = arith.constant 0 : i32
    %dma_start3A_58 = tpu.memref_slice %arg9[%dma_start3A_55, %dma_start3A_56, %dma_start3A_57] : memref<79x1x64xi32, #tpu.memory_space<vmem>> -> memref<1x1x64xi32, #tpu.memory_space<vmem>>
    %dma_start3A_59 = tpu.memref_squeeze %dma_start3A_58 : memref<1x1x64xi32, #tpu.memory_space<vmem>> -> memref<64xi32, #tpu.memory_space<vmem>>
    %dma_start3A_60 = arith.constant 0 : i32
    %dma_start3A_61 = arith.constant 0 : i32
    %dma_start3A_62 = tpu.memref_slice %arg3[%dma_start3A_60, %dma_start3A_61] : memref<10000x256xf32, #tpu.memory_space<hbm>> -> memref<10000x256xf32, #tpu.memory_space<hbm>>
    tpu.enqueue_indirect_dma source(%dma_start3A_62 : memref<10000x256xf32, #tpu.memory_space<hbm>>) target(%arg13 : memref<64x256xf32, #tpu.memory_space<vmem>>) offsets(%dma_start3A_59 : memref<64xi32, #tpu.memory_space<vmem>>) semaphore(%arg19 : memref<!tpu.dma_semaphore, #tpu.memory_space<semaphore_mem>>)
    %dma_start3A_63 = arith.constant 1 : i32
    %dma_start3A_64 = arith.constant 0 : i32
    %dma_start3A_65 = arith.constant 0 : i32
    %dma_start3A_66 = tpu.memref_slice %arg8[%dma_start3A_63, %dma_start3A_64, %dma_start3A_65] : memref<79x1x64xi32, #tpu.memory_space<vmem>> -> memref<1x1x64xi32, #tpu.memory_space<vmem>>
    %dma_start3A_67 = tpu.memref_squeeze %dma_start3A_66 : memref<1x1x64xi32, #tpu.memory_space<vmem>> -> memref<64xi32, #tpu.memory_space<vmem>>
    %dma_start3A_68 = arith.constant 0 : i32
    %dma_start3A_69 = arith.constant 0 : i32
    %dma_start3A_70 = tpu.memref_slice %arg2[%dma_start3A_68, %dma_start3A_69] : memref<10000x256xf32, #tpu.memory_space<hbm>> -> memref<10000x256xf32, #tpu.memory_space<hbm>>
    tpu.enqueue_indirect_dma source(%dma_start3A_70 : memref<10000x256xf32, #tpu.memory_space<hbm>>) target(%arg11 : memref<64x256xf32, #tpu.memory_space<vmem>>) offsets(%dma_start3A_67 : memref<64xi32, #tpu.memory_space<vmem>>) semaphore(%arg17 : memref<!tpu.dma_semaphore, #tpu.memory_space<semaphore_mem>>)
    %dma_start3A_71 = arith.constant 1 : i32
    %dma_start3A_72 = arith.constant 0 : i32
    %dma_start3A_73 = arith.constant 0 : i32
    %dma_start3A_74 = tpu.memref_slice %arg9[%dma_start3A_71, %dma_start3A_72, %dma_start3A_73] : memref<79x1x64xi32, #tpu.memory_space<vmem>> -> memref<1x1x64xi32, #tpu.memory_space<vmem>>
    %dma_start3A_75 = tpu.memref_squeeze %dma_start3A_74 : memref<1x1x64xi32, #tpu.memory_space<vmem>> -> memref<64xi32, #tpu.memory_space<vmem>>
    %dma_start3A_76 = arith.constant 0 : i32
    %dma_start3A_77 = arith.constant 0 : i32
    %dma_start3A_78 = tpu.memref_slice %arg3[%dma_start3A_76, %dma_start3A_77] : memref<10000x256xf32, #tpu.memory_space<hbm>> -> memref<10000x256xf32, #tpu.memory_space<hbm>>
    tpu.enqueue_indirect_dma source(%dma_start3A_78 : memref<10000x256xf32, #tpu.memory_space<hbm>>) target(%arg14 : memref<64x256xf32, #tpu.memory_space<vmem>>) offsets(%dma_start3A_75 : memref<64xi32, #tpu.memory_space<vmem>>) semaphore(%arg20 : memref<!tpu.dma_semaphore, #tpu.memory_space<semaphore_mem>>)
    %dma_start3A_79 = arith.constant 2 : i32
    %dma_start3A_80 = arith.constant 0 : i32
    %dma_start3A_81 = arith.constant 0 : i32
    %dma_start3A_82 = tpu.memref_slice %arg8[%dma_start3A_79, %dma_start3A_80, %dma_start3A_81] : memref<79x1x64xi32, #tpu.memory_space<vmem>> -> memref<1x1x64xi32, #tpu.memory_space<vmem>>
    %dma_start3A_83 = tpu.memref_squeeze %dma_start3A_82 : memref<1x1x64xi32, #tpu.memory_space<vmem>> -> memref<64xi32, #tpu.memory_space<vmem>>
    %dma_start3A_84 = arith.constant 0 : i32
    %dma_start3A_85 = arith.constant 0 : i32
    %dma_start3A_86 = tpu.memref_slice %arg2[%dma_start3A_84, %dma_start3A_85] : memref<10000x256xf32, #tpu.memory_space<hbm>> -> memref<10000x256xf32, #tpu.memory_space<hbm>>
    tpu.enqueue_indirect_dma source(%dma_start3A_86 : memref<10000x256xf32, #tpu.memory_space<hbm>>) target(%arg12 : memref<64x256xf32, #tpu.memory_space<vmem>>) offsets(%dma_start3A_83 : memref<64xi32, #tpu.memory_space<vmem>>) semaphore(%arg18 : memref<!tpu.dma_semaphore, #tpu.memory_space<semaphore_mem>>)
    %dma_start3A_87 = arith.constant 2 : i32
    %dma_start3A_88 = arith.constant 0 : i32
    %dma_start3A_89 = arith.constant 0 : i32
    %dma_start3A_90 = tpu.memref_slice %arg9[%dma_start3A_87, %dma_start3A_88, %dma_start3A_89] : memref<79x1x64xi32, #tpu.memory_space<vmem>> -> memref<1x1x64xi32, #tpu.memory_space<vmem>>
    %dma_start3A_91 = tpu.memref_squeeze %dma_start3A_90 : memref<1x1x64xi32, #tpu.memory_space<vmem>> -> memref<64xi32, #tpu.memory_space<vmem>>
    %dma_start3A_92 = arith.constant 0 : i32
    %dma_start3A_93 = arith.constant 0 : i32
    %dma_start3A_94 = tpu.memref_slice %arg3[%dma_start3A_92, %dma_start3A_93] : memref<10000x256xf32, #tpu.memory_space<hbm>> -> memref<10000x256xf32, #tpu.memory_space<hbm>>
    tpu.enqueue_indirect_dma source(%dma_start3A_94 : memref<10000x256xf32, #tpu.memory_space<hbm>>) target(%arg15 : memref<64x256xf32, #tpu.memory_space<vmem>>) offsets(%dma_start3A_91 : memref<64xi32, #tpu.memory_space<vmem>>) semaphore(%arg21 : memref<!tpu.dma_semaphore, #tpu.memory_space<semaphore_mem>>)
    %while3A = arith.constant 0 : i32
    %while3A_95 = arith.constant 0 : i32
    %while3A_96 = arith.subi %sub3A_47, %while3A_95 : i32
    %while3A_97 = arith.addi %while3A_95, %while3A_96 : i32
    %while3A_98 = arith.constant 1 : i32
    %while3A_99 = arith.divsi %while3A_96, %while3A_98 : i32
    %while3A_100 = arith.muli %while3A_99, %while3A_98 : i32
    %while3A_101 = arith.addi %while3A_95, %while3A_100 : i32
    %while3A_102 = arith.constant 1 : i32
    scf.for %while3A_111 = %while3A_95 to %while3A_101 step %while3A_102  : i32 {
      %jit3A_112 = arith.constant 3 : i32
      %eq3A_113 = arith.constant 0 : i32
      %eq3A_114 = arith.cmpi eq, %jit3A_112, %eq3A_113 : i32
      %jit3A_115 = arith.constant 1 : i32
      %select_n3A_116 = arith.select %eq3A_114, %jit3A_115, %jit3A_112 : i32
      %rem3A_117 = arith.remsi %while3A_111, %select_n3A_116 : i32
      %ne3A_118 = arith.constant 0 : i32
      %ne3A_119 = arith.cmpi ne, %rem3A_117, %ne3A_118 : i32
      %lt3A = arith.constant 0 : i32
      %lt3A_120 = arith.cmpi slt, %rem3A_117, %lt3A : i32
      %lt3A_121 = arith.constant 0 : i32
      %lt3A_122 = arith.cmpi slt, %select_n3A_116, %lt3A_121 : i32
      %ne3A_123 = arith.xori %lt3A_120, %lt3A_122 : i1
      %and3A_124 = arith.andi %ne3A_123, %ne3A_119 : i1
      %add3A_125 = arith.addi %rem3A_117, %select_n3A_116 : i32
      %select_n3A_126 = arith.select %and3A_124, %add3A_125, %rem3A_117 : i32
      %eq3A_127 = arith.constant 0 : i32
      %eq3A_128 = arith.cmpi eq, %select_n3A_126, %eq3A_127 : i32
      %convert_element_type3A_129 = arith.extui %eq3A_128 : i1 to i32
      %cond3A_130 = arith.constant 0 : i32
      %cond3A_131 = arith.cmpi ne, %convert_element_type3A_129, %cond3A_130 : i32
      scf.if %cond3A_131 {
        %dma_wait3A = arith.constant 0 : i32
        %dma_wait3A_174 = arith.constant 0 : i32
        %dma_wait3A_175 = tpu.memref_slice %arg8[%while3A_111, %dma_wait3A, %dma_wait3A_174] : memref<79x1x64xi32, #tpu.memory_space<vmem>> -> memref<1x1x64xi32, #tpu.memory_space<vmem>>
        %dma_wait3A_176 = tpu.memref_squeeze %dma_wait3A_175 : memref<1x1x64xi32, #tpu.memory_space<vmem>> -> memref<64xi32, #tpu.memory_space<vmem>>
        %dma_wait3A_177 = arith.constant 0 : i32
        %dma_wait3A_178 = arith.constant 0 : i32
        %dma_wait3A_179 = tpu.memref_slice %arg2[%dma_wait3A_177, %dma_wait3A_178] : memref<10000x256xf32, #tpu.memory_space<hbm>> -> memref<10000x256xf32, #tpu.memory_space<hbm>>
        tpu.wait_indirect_dma semaphore(%arg16 : memref<!tpu.dma_semaphore, #tpu.memory_space<semaphore_mem>>) src(%dma_wait3A_179 : memref<10000x256xf32, #tpu.memory_space<hbm>>) dst(%arg10 : memref<64x256xf32, #tpu.memory_space<vmem>>)
        %dma_wait3A_180 = arith.constant 0 : i32
        %dma_wait3A_181 = arith.constant 0 : i32
        %dma_wait3A_182 = tpu.memref_slice %arg9[%while3A_111, %dma_wait3A_180, %dma_wait3A_181] : memref<79x1x64xi32, #tpu.memory_space<vmem>> -> memref<1x1x64xi32, #tpu.memory_space<vmem>>
        %dma_wait3A_183 = tpu.memref_squeeze %dma_wait3A_182 : memref<1x1x64xi32, #tpu.memory_space<vmem>> -> memref<64xi32, #tpu.memory_space<vmem>>
        %dma_wait3A_184 = arith.constant 0 : i32
        %dma_wait3A_185 = arith.constant 0 : i32
        %dma_wait3A_186 = tpu.memref_slice %arg3[%dma_wait3A_184, %dma_wait3A_185] : memref<10000x256xf32, #tpu.memory_space<hbm>> -> memref<10000x256xf32, #tpu.memory_space<hbm>>
        tpu.wait_indirect_dma semaphore(%arg19 : memref<!tpu.dma_semaphore, #tpu.memory_space<semaphore_mem>>) src(%dma_wait3A_186 : memref<10000x256xf32, #tpu.memory_space<hbm>>) dst(%arg13 : memref<64x256xf32, #tpu.memory_space<vmem>>)
        %add3A_187 = arith.addi %select_n3A, %while3A_111 : i32
        %mul3A_188 = arith.constant 64 : i32
        %mul3A_189 = arith.muli %add3A_187, %mul3A_188 : i32
        %dma_start3A_190 = arith.constant 0 : i32
        %dma_start3A_191 = tpu.memref_slice %arg6[%mul3A_189, %dma_start3A_190] : memref<160000x256xf32, #tpu.memory_space<hbm>> -> memref<64x256xf32, #tpu.memory_space<hbm>>
        %dma_start3A_192 = arith.constant 0 : i32
        %dma_start3A_193 = tpu.memref_slice %arg6[%mul3A_189, %dma_start3A_192] : memref<160000x256xf32, #tpu.memory_space<hbm>> -> memref<64x256xf32, #tpu.memory_space<hbm>>
        tpu.enqueue_dma source(%arg10 : memref<64x256xf32, #tpu.memory_space<vmem>>) target(%dma_start3A_193 : memref<64x256xf32, #tpu.memory_space<hbm>>) target_semaphore(%arg22 : memref<!tpu.dma_semaphore, #tpu.memory_space<semaphore_mem>>)
        %dma_start3A_194 = arith.constant 0 : i32
        %dma_start3A_195 = tpu.memref_slice %arg7[%mul3A_189, %dma_start3A_194] : memref<160000x256xf32, #tpu.memory_space<hbm>> -> memref<64x256xf32, #tpu.memory_space<hbm>>
        %dma_start3A_196 = arith.constant 0 : i32
        %dma_start3A_197 = tpu.memref_slice %arg7[%mul3A_189, %dma_start3A_196] : memref<160000x256xf32, #tpu.memory_space<hbm>> -> memref<64x256xf32, #tpu.memory_space<hbm>>
        tpu.enqueue_dma source(%arg13 : memref<64x256xf32, #tpu.memory_space<vmem>>) target(%dma_start3A_197 : memref<64x256xf32, #tpu.memory_space<hbm>>) target_semaphore(%arg25 : memref<!tpu.dma_semaphore, #tpu.memory_space<semaphore_mem>>)
        %add3A_198 = arith.constant 3 : i32
        %add3A_199 = arith.addi %while3A_111, %add3A_198 : i32
        %lt3A_200 = arith.cmpi slt, %add3A_199, %sub3A_47 : i32
        %convert_element_type3A_201 = arith.extui %lt3A_200 : i1 to i32
        %cond3A_202 = arith.constant 0 : i32
        %cond3A_203 = arith.cmpi ne, %convert_element_type3A_201, %cond3A_202 : i32
        scf.if %cond3A_203 {
          %add3A_204 = arith.addi %select_n3A, %while3A_111 : i32
          %mul3A_205 = arith.constant 64 : i32
          %mul3A_206 = arith.muli %add3A_204, %mul3A_205 : i32
          %dma_wait3A_207 = arith.constant 0 : i32
          %dma_wait3A_208 = tpu.memref_slice %arg6[%mul3A_206, %dma_wait3A_207] : memref<160000x256xf32, #tpu.memory_space<hbm>> -> memref<64x256xf32, #tpu.memory_space<hbm>>
          %dma_wait3A_209 = arith.constant 0 : i32
          %dma_wait3A_210 = tpu.memref_slice %arg6[%mul3A_206, %dma_wait3A_209] : memref<160000x256xf32, #tpu.memory_space<hbm>> -> memref<64x256xf32, #tpu.memory_space<hbm>>
          tpu.wait_dma2 semaphore(%arg22 : memref<!tpu.dma_semaphore, #tpu.memory_space<semaphore_mem>>) src(%arg10 : memref<64x256xf32, #tpu.memory_space<vmem>>) dst(%dma_wait3A_210 : memref<64x256xf32, #tpu.memory_space<hbm>>)
          %dma_wait3A_211 = arith.constant 0 : i32
          %dma_wait3A_212 = tpu.memref_slice %arg7[%mul3A_206, %dma_wait3A_211] : memref<160000x256xf32, #tpu.memory_space<hbm>> -> memref<64x256xf32, #tpu.memory_space<hbm>>
          %dma_wait3A_213 = arith.constant 0 : i32
          %dma_wait3A_214 = tpu.memref_slice %arg7[%mul3A_206, %dma_wait3A_213] : memref<160000x256xf32, #tpu.memory_space<hbm>> -> memref<64x256xf32, #tpu.memory_space<hbm>>
          tpu.wait_dma2 semaphore(%arg25 : memref<!tpu.dma_semaphore, #tpu.memory_space<semaphore_mem>>) src(%arg13 : memref<64x256xf32, #tpu.memory_space<vmem>>) dst(%dma_wait3A_214 : memref<64x256xf32, #tpu.memory_space<hbm>>)
          %add3A_215 = arith.constant 3 : i32
          %add3A_216 = arith.addi %while3A_111, %add3A_215 : i32
          %dma_start3A_217 = arith.constant 0 : i32
          %dma_start3A_218 = arith.constant 0 : i32
          %dma_start3A_219 = tpu.memref_slice %arg8[%add3A_216, %dma_start3A_217, %dma_start3A_218] : memref<79x1x64xi32, #tpu.memory_space<vmem>> -> memref<1x1x64xi32, #tpu.memory_space<vmem>>
          %dma_start3A_220 = tpu.memref_squeeze %dma_start3A_219 : memref<1x1x64xi32, #tpu.memory_space<vmem>> -> memref<64xi32, #tpu.memory_space<vmem>>
          %dma_start3A_221 = arith.constant 0 : i32
          %dma_start3A_222 = arith.constant 0 : i32
          %dma_start3A_223 = tpu.memref_slice %arg2[%dma_start3A_221, %dma_start3A_222] : memref<10000x256xf32, #tpu.memory_space<hbm>> -> memref<10000x256xf32, #tpu.memory_space<hbm>>
          tpu.enqueue_indirect_dma source(%dma_start3A_223 : memref<10000x256xf32, #tpu.memory_space<hbm>>) target(%arg10 : memref<64x256xf32, #tpu.memory_space<vmem>>) offsets(%dma_start3A_220 : memref<64xi32, #tpu.memory_space<vmem>>) semaphore(%arg16 : memref<!tpu.dma_semaphore, #tpu.memory_space<semaphore_mem>>)
          %dma_start3A_224 = arith.constant 0 : i32
          %dma_start3A_225 = arith.constant 0 : i32
          %dma_start3A_226 = tpu.memref_slice %arg9[%add3A_216, %dma_start3A_224, %dma_start3A_225] : memref<79x1x64xi32, #tpu.memory_space<vmem>> -> memref<1x1x64xi32, #tpu.memory_space<vmem>>
          %dma_start3A_227 = tpu.memref_squeeze %dma_start3A_226 : memref<1x1x64xi32, #tpu.memory_space<vmem>> -> memref<64xi32, #tpu.memory_space<vmem>>
          %dma_start3A_228 = arith.constant 0 : i32
          %dma_start3A_229 = arith.constant 0 : i32
          %dma_start3A_230 = tpu.memref_slice %arg3[%dma_start3A_228, %dma_start3A_229] : memref<10000x256xf32, #tpu.memory_space<hbm>> -> memref<10000x256xf32, #tpu.memory_space<hbm>>
          tpu.enqueue_indirect_dma source(%dma_start3A_230 : memref<10000x256xf32, #tpu.memory_space<hbm>>) target(%arg13 : memref<64x256xf32, #tpu.memory_space<vmem>>) offsets(%dma_start3A_227 : memref<64xi32, #tpu.memory_space<vmem>>) semaphore(%arg19 : memref<!tpu.dma_semaphore, #tpu.memory_space<semaphore_mem>>)
        } else {
        }
      } else {
      }
      %jit3A_132 = arith.constant 3 : i32
      %eq3A_133 = arith.constant 0 : i32
      %eq3A_134 = arith.cmpi eq, %jit3A_132, %eq3A_133 : i32
      %jit3A_135 = arith.constant 1 : i32
      %select_n3A_136 = arith.select %eq3A_134, %jit3A_135, %jit3A_132 : i32
      %rem3A_137 = arith.remsi %while3A_111, %select_n3A_136 : i32
      %ne3A_138 = arith.constant 0 : i32
      %ne3A_139 = arith.cmpi ne, %rem3A_137, %ne3A_138 : i32
      %lt3A_140 = arith.constant 0 : i32
      %lt3A_141 = arith.cmpi slt, %rem3A_137, %lt3A_140 : i32
      %lt3A_142 = arith.constant 0 : i32
      %lt3A_143 = arith.cmpi slt, %select_n3A_136, %lt3A_142 : i32
      %ne3A_144 = arith.xori %lt3A_141, %lt3A_143 : i1
      %and3A_145 = arith.andi %ne3A_144, %ne3A_139 : i1
      %add3A_146 = arith.addi %rem3A_137, %select_n3A_136 : i32
      %select_n3A_147 = arith.select %and3A_145, %add3A_146, %rem3A_137 : i32
      %eq3A_148 = arith.constant 1 : i32
      %eq3A_149 = arith.cmpi eq, %select_n3A_147, %eq3A_148 : i32
      %convert_element_type3A_150 = arith.extui %eq3A_149 : i1 to i32
      %cond3A_151 = arith.constant 0 : i32
      %cond3A_152 = arith.cmpi ne, %convert_element_type3A_150, %cond3A_151 : i32
      scf.if %cond3A_152 {
        %dma_wait3A = arith.constant 0 : i32
        %dma_wait3A_174 = arith.constant 0 : i32
        %dma_wait3A_175 = tpu.memref_slice %arg8[%while3A_111, %dma_wait3A, %dma_wait3A_174] : memref<79x1x64xi32, #tpu.memory_space<vmem>> -> memref<1x1x64xi32, #tpu.memory_space<vmem>>
        %dma_wait3A_176 = tpu.memref_squeeze %dma_wait3A_175 : memref<1x1x64xi32, #tpu.memory_space<vmem>> -> memref<64xi32, #tpu.memory_space<vmem>>
        %dma_wait3A_177 = arith.constant 0 : i32
        %dma_wait3A_178 = arith.constant 0 : i32
        %dma_wait3A_179 = tpu.memref_slice %arg2[%dma_wait3A_177, %dma_wait3A_178] : memref<10000x256xf32, #tpu.memory_space<hbm>> -> memref<10000x256xf32, #tpu.memory_space<hbm>>
        tpu.wait_indirect_dma semaphore(%arg17 : memref<!tpu.dma_semaphore, #tpu.memory_space<semaphore_mem>>) src(%dma_wait3A_179 : memref<10000x256xf32, #tpu.memory_space<hbm>>) dst(%arg11 : memref<64x256xf32, #tpu.memory_space<vmem>>)
        %dma_wait3A_180 = arith.constant 0 : i32
        %dma_wait3A_181 = arith.constant 0 : i32
        %dma_wait3A_182 = tpu.memref_slice %arg9[%while3A_111, %dma_wait3A_180, %dma_wait3A_181] : memref<79x1x64xi32, #tpu.memory_space<vmem>> -> memref<1x1x64xi32, #tpu.memory_space<vmem>>
        %dma_wait3A_183 = tpu.memref_squeeze %dma_wait3A_182 : memref<1x1x64xi32, #tpu.memory_space<vmem>> -> memref<64xi32, #tpu.memory_space<vmem>>
        %dma_wait3A_184 = arith.constant 0 : i32
        %dma_wait3A_185 = arith.constant 0 : i32
        %dma_wait3A_186 = tpu.memref_slice %arg3[%dma_wait3A_184, %dma_wait3A_185] : memref<10000x256xf32, #tpu.memory_space<hbm>> -> memref<10000x256xf32, #tpu.memory_space<hbm>>
        tpu.wait_indirect_dma semaphore(%arg20 : memref<!tpu.dma_semaphore, #tpu.memory_space<semaphore_mem>>) src(%dma_wait3A_186 : memref<10000x256xf32, #tpu.memory_space<hbm>>) dst(%arg14 : memref<64x256xf32, #tpu.memory_space<vmem>>)
        %add3A_187 = arith.addi %select_n3A, %while3A_111 : i32
        %mul3A_188 = arith.constant 64 : i32
        %mul3A_189 = arith.muli %add3A_187, %mul3A_188 : i32
        %dma_start3A_190 = arith.constant 0 : i32
        %dma_start3A_191 = tpu.memref_slice %arg6[%mul3A_189, %dma_start3A_190] : memref<160000x256xf32, #tpu.memory_space<hbm>> -> memref<64x256xf32, #tpu.memory_space<hbm>>
        %dma_start3A_192 = arith.constant 0 : i32
        %dma_start3A_193 = tpu.memref_slice %arg6[%mul3A_189, %dma_start3A_192] : memref<160000x256xf32, #tpu.memory_space<hbm>> -> memref<64x256xf32, #tpu.memory_space<hbm>>
        tpu.enqueue_dma source(%arg11 : memref<64x256xf32, #tpu.memory_space<vmem>>) target(%dma_start3A_193 : memref<64x256xf32, #tpu.memory_space<hbm>>) target_semaphore(%arg23 : memref<!tpu.dma_semaphore, #tpu.memory_space<semaphore_mem>>)
        %dma_start3A_194 = arith.constant 0 : i32
        %dma_start3A_195 = tpu.memref_slice %arg7[%mul3A_189, %dma_start3A_194] : memref<160000x256xf32, #tpu.memory_space<hbm>> -> memref<64x256xf32, #tpu.memory_space<hbm>>
        %dma_start3A_196 = arith.constant 0 : i32
        %dma_start3A_197 = tpu.memref_slice %arg7[%mul3A_189, %dma_start3A_196] : memref<160000x256xf32, #tpu.memory_space<hbm>> -> memref<64x256xf32, #tpu.memory_space<hbm>>
        tpu.enqueue_dma source(%arg14 : memref<64x256xf32, #tpu.memory_space<vmem>>) target(%dma_start3A_197 : memref<64x256xf32, #tpu.memory_space<hbm>>) target_semaphore(%arg26 : memref<!tpu.dma_semaphore, #tpu.memory_space<semaphore_mem>>)
        %add3A_198 = arith.constant 3 : i32
        %add3A_199 = arith.addi %while3A_111, %add3A_198 : i32
        %lt3A_200 = arith.cmpi slt, %add3A_199, %sub3A_47 : i32
        %convert_element_type3A_201 = arith.extui %lt3A_200 : i1 to i32
        %cond3A_202 = arith.constant 0 : i32
        %cond3A_203 = arith.cmpi ne, %convert_element_type3A_201, %cond3A_202 : i32
        scf.if %cond3A_203 {
          %add3A_204 = arith.addi %select_n3A, %while3A_111 : i32
          %mul3A_205 = arith.constant 64 : i32
          %mul3A_206 = arith.muli %add3A_204, %mul3A_205 : i32
          %dma_wait3A_207 = arith.constant 0 : i32
          %dma_wait3A_208 = tpu.memref_slice %arg6[%mul3A_206, %dma_wait3A_207] : memref<160000x256xf32, #tpu.memory_space<hbm>> -> memref<64x256xf32, #tpu.memory_space<hbm>>
          %dma_wait3A_209 = arith.constant 0 : i32
          %dma_wait3A_210 = tpu.memref_slice %arg6[%mul3A_206, %dma_wait3A_209] : memref<160000x256xf32, #tpu.memory_space<hbm>> -> memref<64x256xf32, #tpu.memory_space<hbm>>
          tpu.wait_dma2 semaphore(%arg23 : memref<!tpu.dma_semaphore, #tpu.memory_space<semaphore_mem>>) src(%arg11 : memref<64x256xf32, #tpu.memory_space<vmem>>) dst(%dma_wait3A_210 : memref<64x256xf32, #tpu.memory_space<hbm>>)
          %dma_wait3A_211 = arith.constant 0 : i32
          %dma_wait3A_212 = tpu.memref_slice %arg7[%mul3A_206, %dma_wait3A_211] : memref<160000x256xf32, #tpu.memory_space<hbm>> -> memref<64x256xf32, #tpu.memory_space<hbm>>
          %dma_wait3A_213 = arith.constant 0 : i32
          %dma_wait3A_214 = tpu.memref_slice %arg7[%mul3A_206, %dma_wait3A_213] : memref<160000x256xf32, #tpu.memory_space<hbm>> -> memref<64x256xf32, #tpu.memory_space<hbm>>
          tpu.wait_dma2 semaphore(%arg26 : memref<!tpu.dma_semaphore, #tpu.memory_space<semaphore_mem>>) src(%arg14 : memref<64x256xf32, #tpu.memory_space<vmem>>) dst(%dma_wait3A_214 : memref<64x256xf32, #tpu.memory_space<hbm>>)
          %add3A_215 = arith.constant 3 : i32
          %add3A_216 = arith.addi %while3A_111, %add3A_215 : i32
          %dma_start3A_217 = arith.constant 0 : i32
          %dma_start3A_218 = arith.constant 0 : i32
          %dma_start3A_219 = tpu.memref_slice %arg8[%add3A_216, %dma_start3A_217, %dma_start3A_218] : memref<79x1x64xi32, #tpu.memory_space<vmem>> -> memref<1x1x64xi32, #tpu.memory_space<vmem>>
          %dma_start3A_220 = tpu.memref_squeeze %dma_start3A_219 : memref<1x1x64xi32, #tpu.memory_space<vmem>> -> memref<64xi32, #tpu.memory_space<vmem>>
          %dma_start3A_221 = arith.constant 0 : i32
          %dma_start3A_222 = arith.constant 0 : i32
          %dma_start3A_223 = tpu.memref_slice %arg2[%dma_start3A_221, %dma_start3A_222] : memref<10000x256xf32, #tpu.memory_space<hbm>> -> memref<10000x256xf32, #tpu.memory_space<hbm>>
          tpu.enqueue_indirect_dma source(%dma_start3A_223 : memref<10000x256xf32, #tpu.memory_space<hbm>>) target(%arg11 : memref<64x256xf32, #tpu.memory_space<vmem>>) offsets(%dma_start3A_220 : memref<64xi32, #tpu.memory_space<vmem>>) semaphore(%arg17 : memref<!tpu.dma_semaphore, #tpu.memory_space<semaphore_mem>>)
          %dma_start3A_224 = arith.constant 0 : i32
          %dma_start3A_225 = arith.constant 0 : i32
          %dma_start3A_226 = tpu.memref_slice %arg9[%add3A_216, %dma_start3A_224, %dma_start3A_225] : memref<79x1x64xi32, #tpu.memory_space<vmem>> -> memref<1x1x64xi32, #tpu.memory_space<vmem>>
          %dma_start3A_227 = tpu.memref_squeeze %dma_start3A_226 : memref<1x1x64xi32, #tpu.memory_space<vmem>> -> memref<64xi32, #tpu.memory_space<vmem>>
          %dma_start3A_228 = arith.constant 0 : i32
          %dma_start3A_229 = arith.constant 0 : i32
          %dma_start3A_230 = tpu.memref_slice %arg3[%dma_start3A_228, %dma_start3A_229] : memref<10000x256xf32, #tpu.memory_space<hbm>> -> memref<10000x256xf32, #tpu.memory_space<hbm>>
          tpu.enqueue_indirect_dma source(%dma_start3A_230 : memref<10000x256xf32, #tpu.memory_space<hbm>>) target(%arg14 : memref<64x256xf32, #tpu.memory_space<vmem>>) offsets(%dma_start3A_227 : memref<64xi32, #tpu.memory_space<vmem>>) semaphore(%arg20 : memref<!tpu.dma_semaphore, #tpu.memory_space<semaphore_mem>>)
        } else {
        }
      } else {
      }
      %jit3A_153 = arith.constant 3 : i32
      %eq3A_154 = arith.constant 0 : i32
      %eq3A_155 = arith.cmpi eq, %jit3A_153, %eq3A_154 : i32
      %jit3A_156 = arith.constant 1 : i32
      %select_n3A_157 = arith.select %eq3A_155, %jit3A_156, %jit3A_153 : i32
      %rem3A_158 = arith.remsi %while3A_111, %select_n3A_157 : i32
      %ne3A_159 = arith.constant 0 : i32
      %ne3A_160 = arith.cmpi ne, %rem3A_158, %ne3A_159 : i32
      %lt3A_161 = arith.constant 0 : i32
      %lt3A_162 = arith.cmpi slt, %rem3A_158, %lt3A_161 : i32
      %lt3A_163 = arith.constant 0 : i32
      %lt3A_164 = arith.cmpi slt, %select_n3A_157, %lt3A_163 : i32
      %ne3A_165 = arith.xori %lt3A_162, %lt3A_164 : i1
      %and3A_166 = arith.andi %ne3A_165, %ne3A_160 : i1
      %add3A_167 = arith.addi %rem3A_158, %select_n3A_157 : i32
      %select_n3A_168 = arith.select %and3A_166, %add3A_167, %rem3A_158 : i32
      %eq3A_169 = arith.constant 2 : i32
      %eq3A_170 = arith.cmpi eq, %select_n3A_168, %eq3A_169 : i32
      %convert_element_type3A_171 = arith.extui %eq3A_170 : i1 to i32
      %cond3A_172 = arith.constant 0 : i32
      %cond3A_173 = arith.cmpi ne, %convert_element_type3A_171, %cond3A_172 : i32
      scf.if %cond3A_173 {
        %dma_wait3A = arith.constant 0 : i32
        %dma_wait3A_174 = arith.constant 0 : i32
        %dma_wait3A_175 = tpu.memref_slice %arg8[%while3A_111, %dma_wait3A, %dma_wait3A_174] : memref<79x1x64xi32, #tpu.memory_space<vmem>> -> memref<1x1x64xi32, #tpu.memory_space<vmem>>
        %dma_wait3A_176 = tpu.memref_squeeze %dma_wait3A_175 : memref<1x1x64xi32, #tpu.memory_space<vmem>> -> memref<64xi32, #tpu.memory_space<vmem>>
        %dma_wait3A_177 = arith.constant 0 : i32
        %dma_wait3A_178 = arith.constant 0 : i32
        %dma_wait3A_179 = tpu.memref_slice %arg2[%dma_wait3A_177, %dma_wait3A_178] : memref<10000x256xf32, #tpu.memory_space<hbm>> -> memref<10000x256xf32, #tpu.memory_space<hbm>>
        tpu.wait_indirect_dma semaphore(%arg18 : memref<!tpu.dma_semaphore, #tpu.memory_space<semaphore_mem>>) src(%dma_wait3A_179 : memref<10000x256xf32, #tpu.memory_space<hbm>>) dst(%arg12 : memref<64x256xf32, #tpu.memory_space<vmem>>)
        %dma_wait3A_180 = arith.constant 0 : i32
        %dma_wait3A_181 = arith.constant 0 : i32
        %dma_wait3A_182 = tpu.memref_slice %arg9[%while3A_111, %dma_wait3A_180, %dma_wait3A_181] : memref<79x1x64xi32, #tpu.memory_space<vmem>> -> memref<1x1x64xi32, #tpu.memory_space<vmem>>
        %dma_wait3A_183 = tpu.memref_squeeze %dma_wait3A_182 : memref<1x1x64xi32, #tpu.memory_space<vmem>> -> memref<64xi32, #tpu.memory_space<vmem>>
        %dma_wait3A_184 = arith.constant 0 : i32
        %dma_wait3A_185 = arith.constant 0 : i32
        %dma_wait3A_186 = tpu.memref_slice %arg3[%dma_wait3A_184, %dma_wait3A_185] : memref<10000x256xf32, #tpu.memory_space<hbm>> -> memref<10000x256xf32, #tpu.memory_space<hbm>>
        tpu.wait_indirect_dma semaphore(%arg21 : memref<!tpu.dma_semaphore, #tpu.memory_space<semaphore_mem>>) src(%dma_wait3A_186 : memref<10000x256xf32, #tpu.memory_space<hbm>>) dst(%arg15 : memref<64x256xf32, #tpu.memory_space<vmem>>)
        %add3A_187 = arith.addi %select_n3A, %while3A_111 : i32
        %mul3A_188 = arith.constant 64 : i32
        %mul3A_189 = arith.muli %add3A_187, %mul3A_188 : i32
        %dma_start3A_190 = arith.constant 0 : i32
        %dma_start3A_191 = tpu.memref_slice %arg6[%mul3A_189, %dma_start3A_190] : memref<160000x256xf32, #tpu.memory_space<hbm>> -> memref<64x256xf32, #tpu.memory_space<hbm>>
        %dma_start3A_192 = arith.constant 0 : i32
        %dma_start3A_193 = tpu.memref_slice %arg6[%mul3A_189, %dma_start3A_192] : memref<160000x256xf32, #tpu.memory_space<hbm>> -> memref<64x256xf32, #tpu.memory_space<hbm>>
        tpu.enqueue_dma source(%arg12 : memref<64x256xf32, #tpu.memory_space<vmem>>) target(%dma_start3A_193 : memref<64x256xf32, #tpu.memory_space<hbm>>) target_semaphore(%arg24 : memref<!tpu.dma_semaphore, #tpu.memory_space<semaphore_mem>>)
        %dma_start3A_194 = arith.constant 0 : i32
        %dma_start3A_195 = tpu.memref_slice %arg7[%mul3A_189, %dma_start3A_194] : memref<160000x256xf32, #tpu.memory_space<hbm>> -> memref<64x256xf32, #tpu.memory_space<hbm>>
        %dma_start3A_196 = arith.constant 0 : i32
        %dma_start3A_197 = tpu.memref_slice %arg7[%mul3A_189, %dma_start3A_196] : memref<160000x256xf32, #tpu.memory_space<hbm>> -> memref<64x256xf32, #tpu.memory_space<hbm>>
        tpu.enqueue_dma source(%arg15 : memref<64x256xf32, #tpu.memory_space<vmem>>) target(%dma_start3A_197 : memref<64x256xf32, #tpu.memory_space<hbm>>) target_semaphore(%arg27 : memref<!tpu.dma_semaphore, #tpu.memory_space<semaphore_mem>>)
        %add3A_198 = arith.constant 3 : i32
        %add3A_199 = arith.addi %while3A_111, %add3A_198 : i32
        %lt3A_200 = arith.cmpi slt, %add3A_199, %sub3A_47 : i32
        %convert_element_type3A_201 = arith.extui %lt3A_200 : i1 to i32
        %cond3A_202 = arith.constant 0 : i32
        %cond3A_203 = arith.cmpi ne, %convert_element_type3A_201, %cond3A_202 : i32
        scf.if %cond3A_203 {
          %add3A_204 = arith.addi %select_n3A, %while3A_111 : i32
          %mul3A_205 = arith.constant 64 : i32
          %mul3A_206 = arith.muli %add3A_204, %mul3A_205 : i32
          %dma_wait3A_207 = arith.constant 0 : i32
          %dma_wait3A_208 = tpu.memref_slice %arg6[%mul3A_206, %dma_wait3A_207] : memref<160000x256xf32, #tpu.memory_space<hbm>> -> memref<64x256xf32, #tpu.memory_space<hbm>>
          %dma_wait3A_209 = arith.constant 0 : i32
          %dma_wait3A_210 = tpu.memref_slice %arg6[%mul3A_206, %dma_wait3A_209] : memref<160000x256xf32, #tpu.memory_space<hbm>> -> memref<64x256xf32, #tpu.memory_space<hbm>>
          tpu.wait_dma2 semaphore(%arg24 : memref<!tpu.dma_semaphore, #tpu.memory_space<semaphore_mem>>) src(%arg12 : memref<64x256xf32, #tpu.memory_space<vmem>>) dst(%dma_wait3A_210 : memref<64x256xf32, #tpu.memory_space<hbm>>)
          %dma_wait3A_211 = arith.constant 0 : i32
          %dma_wait3A_212 = tpu.memref_slice %arg7[%mul3A_206, %dma_wait3A_211] : memref<160000x256xf32, #tpu.memory_space<hbm>> -> memref<64x256xf32, #tpu.memory_space<hbm>>
          %dma_wait3A_213 = arith.constant 0 : i32
          %dma_wait3A_214 = tpu.memref_slice %arg7[%mul3A_206, %dma_wait3A_213] : memref<160000x256xf32, #tpu.memory_space<hbm>> -> memref<64x256xf32, #tpu.memory_space<hbm>>
          tpu.wait_dma2 semaphore(%arg27 : memref<!tpu.dma_semaphore, #tpu.memory_space<semaphore_mem>>) src(%arg15 : memref<64x256xf32, #tpu.memory_space<vmem>>) dst(%dma_wait3A_214 : memref<64x256xf32, #tpu.memory_space<hbm>>)
          %add3A_215 = arith.constant 3 : i32
          %add3A_216 = arith.addi %while3A_111, %add3A_215 : i32
          %dma_start3A_217 = arith.constant 0 : i32
          %dma_start3A_218 = arith.constant 0 : i32
          %dma_start3A_219 = tpu.memref_slice %arg8[%add3A_216, %dma_start3A_217, %dma_start3A_218] : memref<79x1x64xi32, #tpu.memory_space<vmem>> -> memref<1x1x64xi32, #tpu.memory_space<vmem>>
          %dma_start3A_220 = tpu.memref_squeeze %dma_start3A_219 : memref<1x1x64xi32, #tpu.memory_space<vmem>> -> memref<64xi32, #tpu.memory_space<vmem>>
          %dma_start3A_221 = arith.constant 0 : i32
          %dma_start3A_222 = arith.constant 0 : i32
          %dma_start3A_223 = tpu.memref_slice %arg2[%dma_start3A_221, %dma_start3A_222] : memref<10000x256xf32, #tpu.memory_space<hbm>> -> memref<10000x256xf32, #tpu.memory_space<hbm>>
          tpu.enqueue_indirect_dma source(%dma_start3A_223 : memref<10000x256xf32, #tpu.memory_space<hbm>>) target(%arg12 : memref<64x256xf32, #tpu.memory_space<vmem>>) offsets(%dma_start3A_220 : memref<64xi32, #tpu.memory_space<vmem>>) semaphore(%arg18 : memref<!tpu.dma_semaphore, #tpu.memory_space<semaphore_mem>>)
          %dma_start3A_224 = arith.constant 0 : i32
          %dma_start3A_225 = arith.constant 0 : i32
          %dma_start3A_226 = tpu.memref_slice %arg9[%add3A_216, %dma_start3A_224, %dma_start3A_225] : memref<79x1x64xi32, #tpu.memory_space<vmem>> -> memref<1x1x64xi32, #tpu.memory_space<vmem>>
          %dma_start3A_227 = tpu.memref_squeeze %dma_start3A_226 : memref<1x1x64xi32, #tpu.memory_space<vmem>> -> memref<64xi32, #tpu.memory_space<vmem>>
          %dma_start3A_228 = arith.constant 0 : i32
          %dma_start3A_229 = arith.constant 0 : i32
          %dma_start3A_230 = tpu.memref_slice %arg3[%dma_start3A_228, %dma_start3A_229] : memref<10000x256xf32, #tpu.memory_space<hbm>> -> memref<10000x256xf32, #tpu.memory_space<hbm>>
          tpu.enqueue_indirect_dma source(%dma_start3A_230 : memref<10000x256xf32, #tpu.memory_space<hbm>>) target(%arg15 : memref<64x256xf32, #tpu.memory_space<vmem>>) offsets(%dma_start3A_227 : memref<64xi32, #tpu.memory_space<vmem>>) semaphore(%arg21 : memref<!tpu.dma_semaphore, #tpu.memory_space<semaphore_mem>>)
        } else {
        }
      } else {
      }
    }
    %while3A_103 = arith.constant 1 : i32
    scf.for %while3A_111 = %while3A_101 to %while3A_97 step %while3A_103  : i32 {
      %jit3A_112 = arith.constant 3 : i32
      %eq3A_113 = arith.constant 0 : i32
      %eq3A_114 = arith.cmpi eq, %jit3A_112, %eq3A_113 : i32
      %jit3A_115 = arith.constant 1 : i32
      %select_n3A_116 = arith.select %eq3A_114, %jit3A_115, %jit3A_112 : i32
      %rem3A_117 = arith.remsi %while3A_111, %select_n3A_116 : i32
      %ne3A_118 = arith.constant 0 : i32
      %ne3A_119 = arith.cmpi ne, %rem3A_117, %ne3A_118 : i32
      %lt3A = arith.constant 0 : i32
      %lt3A_120 = arith.cmpi slt, %rem3A_117, %lt3A : i32
      %lt3A_121 = arith.constant 0 : i32
      %lt3A_122 = arith.cmpi slt, %select_n3A_116, %lt3A_121 : i32
      %ne3A_123 = arith.xori %lt3A_120, %lt3A_122 : i1
      %and3A_124 = arith.andi %ne3A_123, %ne3A_119 : i1
      %add3A_125 = arith.addi %rem3A_117, %select_n3A_116 : i32
      %select_n3A_126 = arith.select %and3A_124, %add3A_125, %rem3A_117 : i32
      %eq3A_127 = arith.constant 0 : i32
      %eq3A_128 = arith.cmpi eq, %select_n3A_126, %eq3A_127 : i32
      %convert_element_type3A_129 = arith.extui %eq3A_128 : i1 to i32
      %cond3A_130 = arith.constant 0 : i32
      %cond3A_131 = arith.cmpi ne, %convert_element_type3A_129, %cond3A_130 : i32
      scf.if %cond3A_131 {
        %dma_wait3A = arith.constant 0 : i32
        %dma_wait3A_174 = arith.constant 0 : i32
        %dma_wait3A_175 = tpu.memref_slice %arg8[%while3A_111, %dma_wait3A, %dma_wait3A_174] : memref<79x1x64xi32, #tpu.memory_space<vmem>> -> memref<1x1x64xi32, #tpu.memory_space<vmem>>
        %dma_wait3A_176 = tpu.memref_squeeze %dma_wait3A_175 : memref<1x1x64xi32, #tpu.memory_space<vmem>> -> memref<64xi32, #tpu.memory_space<vmem>>
        %dma_wait3A_177 = arith.constant 0 : i32
        %dma_wait3A_178 = arith.constant 0 : i32
        %dma_wait3A_179 = tpu.memref_slice %arg2[%dma_wait3A_177, %dma_wait3A_178] : memref<10000x256xf32, #tpu.memory_space<hbm>> -> memref<10000x256xf32, #tpu.memory_space<hbm>>
        tpu.wait_indirect_dma semaphore(%arg16 : memref<!tpu.dma_semaphore, #tpu.memory_space<semaphore_mem>>) src(%dma_wait3A_179 : memref<10000x256xf32, #tpu.memory_space<hbm>>) dst(%arg10 : memref<64x256xf32, #tpu.memory_space<vmem>>)
        %dma_wait3A_180 = arith.constant 0 : i32
        %dma_wait3A_181 = arith.constant 0 : i32
        %dma_wait3A_182 = tpu.memref_slice %arg9[%while3A_111, %dma_wait3A_180, %dma_wait3A_181] : memref<79x1x64xi32, #tpu.memory_space<vmem>> -> memref<1x1x64xi32, #tpu.memory_space<vmem>>
        %dma_wait3A_183 = tpu.memref_squeeze %dma_wait3A_182 : memref<1x1x64xi32, #tpu.memory_space<vmem>> -> memref<64xi32, #tpu.memory_space<vmem>>
        %dma_wait3A_184 = arith.constant 0 : i32
        %dma_wait3A_185 = arith.constant 0 : i32
        %dma_wait3A_186 = tpu.memref_slice %arg3[%dma_wait3A_184, %dma_wait3A_185] : memref<10000x256xf32, #tpu.memory_space<hbm>> -> memref<10000x256xf32, #tpu.memory_space<hbm>>
        tpu.wait_indirect_dma semaphore(%arg19 : memref<!tpu.dma_semaphore, #tpu.memory_space<semaphore_mem>>) src(%dma_wait3A_186 : memref<10000x256xf32, #tpu.memory_space<hbm>>) dst(%arg13 : memref<64x256xf32, #tpu.memory_space<vmem>>)
        %add3A_187 = arith.addi %select_n3A, %while3A_111 : i32
        %mul3A_188 = arith.constant 64 : i32
        %mul3A_189 = arith.muli %add3A_187, %mul3A_188 : i32
        %dma_start3A_190 = arith.constant 0 : i32
        %dma_start3A_191 = tpu.memref_slice %arg6[%mul3A_189, %dma_start3A_190] : memref<160000x256xf32, #tpu.memory_space<hbm>> -> memref<64x256xf32, #tpu.memory_space<hbm>>
        %dma_start3A_192 = arith.constant 0 : i32
        %dma_start3A_193 = tpu.memref_slice %arg6[%mul3A_189, %dma_start3A_192] : memref<160000x256xf32, #tpu.memory_space<hbm>> -> memref<64x256xf32, #tpu.memory_space<hbm>>
        tpu.enqueue_dma source(%arg10 : memref<64x256xf32, #tpu.memory_space<vmem>>) target(%dma_start3A_193 : memref<64x256xf32, #tpu.memory_space<hbm>>) target_semaphore(%arg22 : memref<!tpu.dma_semaphore, #tpu.memory_space<semaphore_mem>>)
        %dma_start3A_194 = arith.constant 0 : i32
        %dma_start3A_195 = tpu.memref_slice %arg7[%mul3A_189, %dma_start3A_194] : memref<160000x256xf32, #tpu.memory_space<hbm>> -> memref<64x256xf32, #tpu.memory_space<hbm>>
        %dma_start3A_196 = arith.constant 0 : i32
        %dma_start3A_197 = tpu.memref_slice %arg7[%mul3A_189, %dma_start3A_196] : memref<160000x256xf32, #tpu.memory_space<hbm>> -> memref<64x256xf32, #tpu.memory_space<hbm>>
        tpu.enqueue_dma source(%arg13 : memref<64x256xf32, #tpu.memory_space<vmem>>) target(%dma_start3A_197 : memref<64x256xf32, #tpu.memory_space<hbm>>) target_semaphore(%arg25 : memref<!tpu.dma_semaphore, #tpu.memory_space<semaphore_mem>>)
        %add3A_198 = arith.constant 3 : i32
        %add3A_199 = arith.addi %while3A_111, %add3A_198 : i32
        %lt3A_200 = arith.cmpi slt, %add3A_199, %sub3A_47 : i32
        %convert_element_type3A_201 = arith.extui %lt3A_200 : i1 to i32
        %cond3A_202 = arith.constant 0 : i32
        %cond3A_203 = arith.cmpi ne, %convert_element_type3A_201, %cond3A_202 : i32
        scf.if %cond3A_203 {
          %add3A_204 = arith.addi %select_n3A, %while3A_111 : i32
          %mul3A_205 = arith.constant 64 : i32
          %mul3A_206 = arith.muli %add3A_204, %mul3A_205 : i32
          %dma_wait3A_207 = arith.constant 0 : i32
          %dma_wait3A_208 = tpu.memref_slice %arg6[%mul3A_206, %dma_wait3A_207] : memref<160000x256xf32, #tpu.memory_space<hbm>> -> memref<64x256xf32, #tpu.memory_space<hbm>>
          %dma_wait3A_209 = arith.constant 0 : i32
          %dma_wait3A_210 = tpu.memref_slice %arg6[%mul3A_206, %dma_wait3A_209] : memref<160000x256xf32, #tpu.memory_space<hbm>> -> memref<64x256xf32, #tpu.memory_space<hbm>>
          tpu.wait_dma2 semaphore(%arg22 : memref<!tpu.dma_semaphore, #tpu.memory_space<semaphore_mem>>) src(%arg10 : memref<64x256xf32, #tpu.memory_space<vmem>>) dst(%dma_wait3A_210 : memref<64x256xf32, #tpu.memory_space<hbm>>)
          %dma_wait3A_211 = arith.constant 0 : i32
          %dma_wait3A_212 = tpu.memref_slice %arg7[%mul3A_206, %dma_wait3A_211] : memref<160000x256xf32, #tpu.memory_space<hbm>> -> memref<64x256xf32, #tpu.memory_space<hbm>>
          %dma_wait3A_213 = arith.constant 0 : i32
          %dma_wait3A_214 = tpu.memref_slice %arg7[%mul3A_206, %dma_wait3A_213] : memref<160000x256xf32, #tpu.memory_space<hbm>> -> memref<64x256xf32, #tpu.memory_space<hbm>>
          tpu.wait_dma2 semaphore(%arg25 : memref<!tpu.dma_semaphore, #tpu.memory_space<semaphore_mem>>) src(%arg13 : memref<64x256xf32, #tpu.memory_space<vmem>>) dst(%dma_wait3A_214 : memref<64x256xf32, #tpu.memory_space<hbm>>)
          %add3A_215 = arith.constant 3 : i32
          %add3A_216 = arith.addi %while3A_111, %add3A_215 : i32
          %dma_start3A_217 = arith.constant 0 : i32
          %dma_start3A_218 = arith.constant 0 : i32
          %dma_start3A_219 = tpu.memref_slice %arg8[%add3A_216, %dma_start3A_217, %dma_start3A_218] : memref<79x1x64xi32, #tpu.memory_space<vmem>> -> memref<1x1x64xi32, #tpu.memory_space<vmem>>
          %dma_start3A_220 = tpu.memref_squeeze %dma_start3A_219 : memref<1x1x64xi32, #tpu.memory_space<vmem>> -> memref<64xi32, #tpu.memory_space<vmem>>
          %dma_start3A_221 = arith.constant 0 : i32
          %dma_start3A_222 = arith.constant 0 : i32
          %dma_start3A_223 = tpu.memref_slice %arg2[%dma_start3A_221, %dma_start3A_222] : memref<10000x256xf32, #tpu.memory_space<hbm>> -> memref<10000x256xf32, #tpu.memory_space<hbm>>
          tpu.enqueue_indirect_dma source(%dma_start3A_223 : memref<10000x256xf32, #tpu.memory_space<hbm>>) target(%arg10 : memref<64x256xf32, #tpu.memory_space<vmem>>) offsets(%dma_start3A_220 : memref<64xi32, #tpu.memory_space<vmem>>) semaphore(%arg16 : memref<!tpu.dma_semaphore, #tpu.memory_space<semaphore_mem>>)
          %dma_start3A_224 = arith.constant 0 : i32
          %dma_start3A_225 = arith.constant 0 : i32
          %dma_start3A_226 = tpu.memref_slice %arg9[%add3A_216, %dma_start3A_224, %dma_start3A_225] : memref<79x1x64xi32, #tpu.memory_space<vmem>> -> memref<1x1x64xi32, #tpu.memory_space<vmem>>
          %dma_start3A_227 = tpu.memref_squeeze %dma_start3A_226 : memref<1x1x64xi32, #tpu.memory_space<vmem>> -> memref<64xi32, #tpu.memory_space<vmem>>
          %dma_start3A_228 = arith.constant 0 : i32
          %dma_start3A_229 = arith.constant 0 : i32
          %dma_start3A_230 = tpu.memref_slice %arg3[%dma_start3A_228, %dma_start3A_229] : memref<10000x256xf32, #tpu.memory_space<hbm>> -> memref<10000x256xf32, #tpu.memory_space<hbm>>
          tpu.enqueue_indirect_dma source(%dma_start3A_230 : memref<10000x256xf32, #tpu.memory_space<hbm>>) target(%arg13 : memref<64x256xf32, #tpu.memory_space<vmem>>) offsets(%dma_start3A_227 : memref<64xi32, #tpu.memory_space<vmem>>) semaphore(%arg19 : memref<!tpu.dma_semaphore, #tpu.memory_space<semaphore_mem>>)
        } else {
        }
      } else {
      }
      %jit3A_132 = arith.constant 3 : i32
      %eq3A_133 = arith.constant 0 : i32
      %eq3A_134 = arith.cmpi eq, %jit3A_132, %eq3A_133 : i32
      %jit3A_135 = arith.constant 1 : i32
      %select_n3A_136 = arith.select %eq3A_134, %jit3A_135, %jit3A_132 : i32
      %rem3A_137 = arith.remsi %while3A_111, %select_n3A_136 : i32
      %ne3A_138 = arith.constant 0 : i32
      %ne3A_139 = arith.cmpi ne, %rem3A_137, %ne3A_138 : i32
      %lt3A_140 = arith.constant 0 : i32
      %lt3A_141 = arith.cmpi slt, %rem3A_137, %lt3A_140 : i32
      %lt3A_142 = arith.constant 0 : i32
      %lt3A_143 = arith.cmpi slt, %select_n3A_136, %lt3A_142 : i32
      %ne3A_144 = arith.xori %lt3A_141, %lt3A_143 : i1
      %and3A_145 = arith.andi %ne3A_144, %ne3A_139 : i1
      %add3A_146 = arith.addi %rem3A_137, %select_n3A_136 : i32
      %select_n3A_147 = arith.select %and3A_145, %add3A_146, %rem3A_137 : i32
      %eq3A_148 = arith.constant 1 : i32
      %eq3A_149 = arith.cmpi eq, %select_n3A_147, %eq3A_148 : i32
      %convert_element_type3A_150 = arith.extui %eq3A_149 : i1 to i32
      %cond3A_151 = arith.constant 0 : i32
      %cond3A_152 = arith.cmpi ne, %convert_element_type3A_150, %cond3A_151 : i32
      scf.if %cond3A_152 {
        %dma_wait3A = arith.constant 0 : i32
        %dma_wait3A_174 = arith.constant 0 : i32
        %dma_wait3A_175 = tpu.memref_slice %arg8[%while3A_111, %dma_wait3A, %dma_wait3A_174] : memref<79x1x64xi32, #tpu.memory_space<vmem>> -> memref<1x1x64xi32, #tpu.memory_space<vmem>>
        %dma_wait3A_176 = tpu.memref_squeeze %dma_wait3A_175 : memref<1x1x64xi32, #tpu.memory_space<vmem>> -> memref<64xi32, #tpu.memory_space<vmem>>
        %dma_wait3A_177 = arith.constant 0 : i32
        %dma_wait3A_178 = arith.constant 0 : i32
        %dma_wait3A_179 = tpu.memref_slice %arg2[%dma_wait3A_177, %dma_wait3A_178] : memref<10000x256xf32, #tpu.memory_space<hbm>> -> memref<10000x256xf32, #tpu.memory_space<hbm>>
        tpu.wait_indirect_dma semaphore(%arg17 : memref<!tpu.dma_semaphore, #tpu.memory_space<semaphore_mem>>) src(%dma_wait3A_179 : memref<10000x256xf32, #tpu.memory_space<hbm>>) dst(%arg11 : memref<64x256xf32, #tpu.memory_space<vmem>>)
        %dma_wait3A_180 = arith.constant 0 : i32
        %dma_wait3A_181 = arith.constant 0 : i32
        %dma_wait3A_182 = tpu.memref_slice %arg9[%while3A_111, %dma_wait3A_180, %dma_wait3A_181] : memref<79x1x64xi32, #tpu.memory_space<vmem>> -> memref<1x1x64xi32, #tpu.memory_space<vmem>>
        %dma_wait3A_183 = tpu.memref_squeeze %dma_wait3A_182 : memref<1x1x64xi32, #tpu.memory_space<vmem>> -> memref<64xi32, #tpu.memory_space<vmem>>
        %dma_wait3A_184 = arith.constant 0 : i32
        %dma_wait3A_185 = arith.constant 0 : i32
        %dma_wait3A_186 = tpu.memref_slice %arg3[%dma_wait3A_184, %dma_wait3A_185] : memref<10000x256xf32, #tpu.memory_space<hbm>> -> memref<10000x256xf32, #tpu.memory_space<hbm>>
        tpu.wait_indirect_dma semaphore(%arg20 : memref<!tpu.dma_semaphore, #tpu.memory_space<semaphore_mem>>) src(%dma_wait3A_186 : memref<10000x256xf32, #tpu.memory_space<hbm>>) dst(%arg14 : memref<64x256xf32, #tpu.memory_space<vmem>>)
        %add3A_187 = arith.addi %select_n3A, %while3A_111 : i32
        %mul3A_188 = arith.constant 64 : i32
        %mul3A_189 = arith.muli %add3A_187, %mul3A_188 : i32
        %dma_start3A_190 = arith.constant 0 : i32
        %dma_start3A_191 = tpu.memref_slice %arg6[%mul3A_189, %dma_start3A_190] : memref<160000x256xf32, #tpu.memory_space<hbm>> -> memref<64x256xf32, #tpu.memory_space<hbm>>
        %dma_start3A_192 = arith.constant 0 : i32
        %dma_start3A_193 = tpu.memref_slice %arg6[%mul3A_189, %dma_start3A_192] : memref<160000x256xf32, #tpu.memory_space<hbm>> -> memref<64x256xf32, #tpu.memory_space<hbm>>
        tpu.enqueue_dma source(%arg11 : memref<64x256xf32, #tpu.memory_space<vmem>>) target(%dma_start3A_193 : memref<64x256xf32, #tpu.memory_space<hbm>>) target_semaphore(%arg23 : memref<!tpu.dma_semaphore, #tpu.memory_space<semaphore_mem>>)
        %dma_start3A_194 = arith.constant 0 : i32
        %dma_start3A_195 = tpu.memref_slice %arg7[%mul3A_189, %dma_start3A_194] : memref<160000x256xf32, #tpu.memory_space<hbm>> -> memref<64x256xf32, #tpu.memory_space<hbm>>
        %dma_start3A_196 = arith.constant 0 : i32
        %dma_start3A_197 = tpu.memref_slice %arg7[%mul3A_189, %dma_start3A_196] : memref<160000x256xf32, #tpu.memory_space<hbm>> -> memref<64x256xf32, #tpu.memory_space<hbm>>
        tpu.enqueue_dma source(%arg14 : memref<64x256xf32, #tpu.memory_space<vmem>>) target(%dma_start3A_197 : memref<64x256xf32, #tpu.memory_space<hbm>>) target_semaphore(%arg26 : memref<!tpu.dma_semaphore, #tpu.memory_space<semaphore_mem>>)
        %add3A_198 = arith.constant 3 : i32
        %add3A_199 = arith.addi %while3A_111, %add3A_198 : i32
        %lt3A_200 = arith.cmpi slt, %add3A_199, %sub3A_47 : i32
        %convert_element_type3A_201 = arith.extui %lt3A_200 : i1 to i32
        %cond3A_202 = arith.constant 0 : i32
        %cond3A_203 = arith.cmpi ne, %convert_element_type3A_201, %cond3A_202 : i32
        scf.if %cond3A_203 {
          %add3A_204 = arith.addi %select_n3A, %while3A_111 : i32
          %mul3A_205 = arith.constant 64 : i32
          %mul3A_206 = arith.muli %add3A_204, %mul3A_205 : i32
          %dma_wait3A_207 = arith.constant 0 : i32
          %dma_wait3A_208 = tpu.memref_slice %arg6[%mul3A_206, %dma_wait3A_207] : memref<160000x256xf32, #tpu.memory_space<hbm>> -> memref<64x256xf32, #tpu.memory_space<hbm>>
          %dma_wait3A_209 = arith.constant 0 : i32
          %dma_wait3A_210 = tpu.memref_slice %arg6[%mul3A_206, %dma_wait3A_209] : memref<160000x256xf32, #tpu.memory_space<hbm>> -> memref<64x256xf32, #tpu.memory_space<hbm>>
          tpu.wait_dma2 semaphore(%arg23 : memref<!tpu.dma_semaphore, #tpu.memory_space<semaphore_mem>>) src(%arg11 : memref<64x256xf32, #tpu.memory_space<vmem>>) dst(%dma_wait3A_210 : memref<64x256xf32, #tpu.memory_space<hbm>>)
          %dma_wait3A_211 = arith.constant 0 : i32
          %dma_wait3A_212 = tpu.memref_slice %arg7[%mul3A_206, %dma_wait3A_211] : memref<160000x256xf32, #tpu.memory_space<hbm>> -> memref<64x256xf32, #tpu.memory_space<hbm>>
          %dma_wait3A_213 = arith.constant 0 : i32
          %dma_wait3A_214 = tpu.memref_slice %arg7[%mul3A_206, %dma_wait3A_213] : memref<160000x256xf32, #tpu.memory_space<hbm>> -> memref<64x256xf32, #tpu.memory_space<hbm>>
          tpu.wait_dma2 semaphore(%arg26 : memref<!tpu.dma_semaphore, #tpu.memory_space<semaphore_mem>>) src(%arg14 : memref<64x256xf32, #tpu.memory_space<vmem>>) dst(%dma_wait3A_214 : memref<64x256xf32, #tpu.memory_space<hbm>>)
          %add3A_215 = arith.constant 3 : i32
          %add3A_216 = arith.addi %while3A_111, %add3A_215 : i32
          %dma_start3A_217 = arith.constant 0 : i32
          %dma_start3A_218 = arith.constant 0 : i32
          %dma_start3A_219 = tpu.memref_slice %arg8[%add3A_216, %dma_start3A_217, %dma_start3A_218] : memref<79x1x64xi32, #tpu.memory_space<vmem>> -> memref<1x1x64xi32, #tpu.memory_space<vmem>>
          %dma_start3A_220 = tpu.memref_squeeze %dma_start3A_219 : memref<1x1x64xi32, #tpu.memory_space<vmem>> -> memref<64xi32, #tpu.memory_space<vmem>>
          %dma_start3A_221 = arith.constant 0 : i32
          %dma_start3A_222 = arith.constant 0 : i32
          %dma_start3A_223 = tpu.memref_slice %arg2[%dma_start3A_221, %dma_start3A_222] : memref<10000x256xf32, #tpu.memory_space<hbm>> -> memref<10000x256xf32, #tpu.memory_space<hbm>>
          tpu.enqueue_indirect_dma source(%dma_start3A_223 : memref<10000x256xf32, #tpu.memory_space<hbm>>) target(%arg11 : memref<64x256xf32, #tpu.memory_space<vmem>>) offsets(%dma_start3A_220 : memref<64xi32, #tpu.memory_space<vmem>>) semaphore(%arg17 : memref<!tpu.dma_semaphore, #tpu.memory_space<semaphore_mem>>)
          %dma_start3A_224 = arith.constant 0 : i32
          %dma_start3A_225 = arith.constant 0 : i32
          %dma_start3A_226 = tpu.memref_slice %arg9[%add3A_216, %dma_start3A_224, %dma_start3A_225] : memref<79x1x64xi32, #tpu.memory_space<vmem>> -> memref<1x1x64xi32, #tpu.memory_space<vmem>>
          %dma_start3A_227 = tpu.memref_squeeze %dma_start3A_226 : memref<1x1x64xi32, #tpu.memory_space<vmem>> -> memref<64xi32, #tpu.memory_space<vmem>>
          %dma_start3A_228 = arith.constant 0 : i32
          %dma_start3A_229 = arith.constant 0 : i32
          %dma_start3A_230 = tpu.memref_slice %arg3[%dma_start3A_228, %dma_start3A_229] : memref<10000x256xf32, #tpu.memory_space<hbm>> -> memref<10000x256xf32, #tpu.memory_space<hbm>>
          tpu.enqueue_indirect_dma source(%dma_start3A_230 : memref<10000x256xf32, #tpu.memory_space<hbm>>) target(%arg14 : memref<64x256xf32, #tpu.memory_space<vmem>>) offsets(%dma_start3A_227 : memref<64xi32, #tpu.memory_space<vmem>>) semaphore(%arg20 : memref<!tpu.dma_semaphore, #tpu.memory_space<semaphore_mem>>)
        } else {
        }
      } else {
      }
      %jit3A_153 = arith.constant 3 : i32
      %eq3A_154 = arith.constant 0 : i32
      %eq3A_155 = arith.cmpi eq, %jit3A_153, %eq3A_154 : i32
      %jit3A_156 = arith.constant 1 : i32
      %select_n3A_157 = arith.select %eq3A_155, %jit3A_156, %jit3A_153 : i32
      %rem3A_158 = arith.remsi %while3A_111, %select_n3A_157 : i32
      %ne3A_159 = arith.constant 0 : i32
      %ne3A_160 = arith.cmpi ne, %rem3A_158, %ne3A_159 : i32
      %lt3A_161 = arith.constant 0 : i32
      %lt3A_162 = arith.cmpi slt, %rem3A_158, %lt3A_161 : i32
      %lt3A_163 = arith.constant 0 : i32
      %lt3A_164 = arith.cmpi slt, %select_n3A_157, %lt3A_163 : i32
      %ne3A_165 = arith.xori %lt3A_162, %lt3A_164 : i1
      %and3A_166 = arith.andi %ne3A_165, %ne3A_160 : i1
      %add3A_167 = arith.addi %rem3A_158, %select_n3A_157 : i32
      %select_n3A_168 = arith.select %and3A_166, %add3A_167, %rem3A_158 : i32
      %eq3A_169 = arith.constant 2 : i32
      %eq3A_170 = arith.cmpi eq, %select_n3A_168, %eq3A_169 : i32
      %convert_element_type3A_171 = arith.extui %eq3A_170 : i1 to i32
      %cond3A_172 = arith.constant 0 : i32
      %cond3A_173 = arith.cmpi ne, %convert_element_type3A_171, %cond3A_172 : i32
      scf.if %cond3A_173 {
        %dma_wait3A = arith.constant 0 : i32
        %dma_wait3A_174 = arith.constant 0 : i32
        %dma_wait3A_175 = tpu.memref_slice %arg8[%while3A_111, %dma_wait3A, %dma_wait3A_174] : memref<79x1x64xi32, #tpu.memory_space<vmem>> -> memref<1x1x64xi32, #tpu.memory_space<vmem>>
        %dma_wait3A_176 = tpu.memref_squeeze %dma_wait3A_175 : memref<1x1x64xi32, #tpu.memory_space<vmem>> -> memref<64xi32, #tpu.memory_space<vmem>>
        %dma_wait3A_177 = arith.constant 0 : i32
        %dma_wait3A_178 = arith.constant 0 : i32
        %dma_wait3A_179 = tpu.memref_slice %arg2[%dma_wait3A_177, %dma_wait3A_178] : memref<10000x256xf32, #tpu.memory_space<hbm>> -> memref<10000x256xf32, #tpu.memory_space<hbm>>
        tpu.wait_indirect_dma semaphore(%arg18 : memref<!tpu.dma_semaphore, #tpu.memory_space<semaphore_mem>>) src(%dma_wait3A_179 : memref<10000x256xf32, #tpu.memory_space<hbm>>) dst(%arg12 : memref<64x256xf32, #tpu.memory_space<vmem>>)
        %dma_wait3A_180 = arith.constant 0 : i32
        %dma_wait3A_181 = arith.constant 0 : i32
        %dma_wait3A_182 = tpu.memref_slice %arg9[%while3A_111, %dma_wait3A_180, %dma_wait3A_181] : memref<79x1x64xi32, #tpu.memory_space<vmem>> -> memref<1x1x64xi32, #tpu.memory_space<vmem>>
        %dma_wait3A_183 = tpu.memref_squeeze %dma_wait3A_182 : memref<1x1x64xi32, #tpu.memory_space<vmem>> -> memref<64xi32, #tpu.memory_space<vmem>>
        %dma_wait3A_184 = arith.constant 0 : i32
        %dma_wait3A_185 = arith.constant 0 : i32
        %dma_wait3A_186 = tpu.memref_slice %arg3[%dma_wait3A_184, %dma_wait3A_185] : memref<10000x256xf32, #tpu.memory_space<hbm>> -> memref<10000x256xf32, #tpu.memory_space<hbm>>
        tpu.wait_indirect_dma semaphore(%arg21 : memref<!tpu.dma_semaphore, #tpu.memory_space<semaphore_mem>>) src(%dma_wait3A_186 : memref<10000x256xf32, #tpu.memory_space<hbm>>) dst(%arg15 : memref<64x256xf32, #tpu.memory_space<vmem>>)
        %add3A_187 = arith.addi %select_n3A, %while3A_111 : i32
        %mul3A_188 = arith.constant 64 : i32
        %mul3A_189 = arith.muli %add3A_187, %mul3A_188 : i32
        %dma_start3A_190 = arith.constant 0 : i32
        %dma_start3A_191 = tpu.memref_slice %arg6[%mul3A_189, %dma_start3A_190] : memref<160000x256xf32, #tpu.memory_space<hbm>> -> memref<64x256xf32, #tpu.memory_space<hbm>>
        %dma_start3A_192 = arith.constant 0 : i32
        %dma_start3A_193 = tpu.memref_slice %arg6[%mul3A_189, %dma_start3A_192] : memref<160000x256xf32, #tpu.memory_space<hbm>> -> memref<64x256xf32, #tpu.memory_space<hbm>>
        tpu.enqueue_dma source(%arg12 : memref<64x256xf32, #tpu.memory_space<vmem>>) target(%dma_start3A_193 : memref<64x256xf32, #tpu.memory_space<hbm>>) target_semaphore(%arg24 : memref<!tpu.dma_semaphore, #tpu.memory_space<semaphore_mem>>)
        %dma_start3A_194 = arith.constant 0 : i32
        %dma_start3A_195 = tpu.memref_slice %arg7[%mul3A_189, %dma_start3A_194] : memref<160000x256xf32, #tpu.memory_space<hbm>> -> memref<64x256xf32, #tpu.memory_space<hbm>>
        %dma_start3A_196 = arith.constant 0 : i32
        %dma_start3A_197 = tpu.memref_slice %arg7[%mul3A_189, %dma_start3A_196] : memref<160000x256xf32, #tpu.memory_space<hbm>> -> memref<64x256xf32, #tpu.memory_space<hbm>>
        tpu.enqueue_dma source(%arg15 : memref<64x256xf32, #tpu.memory_space<vmem>>) target(%dma_start3A_197 : memref<64x256xf32, #tpu.memory_space<hbm>>) target_semaphore(%arg27 : memref<!tpu.dma_semaphore, #tpu.memory_space<semaphore_mem>>)
        %add3A_198 = arith.constant 3 : i32
        %add3A_199 = arith.addi %while3A_111, %add3A_198 : i32
        %lt3A_200 = arith.cmpi slt, %add3A_199, %sub3A_47 : i32
        %convert_element_type3A_201 = arith.extui %lt3A_200 : i1 to i32
        %cond3A_202 = arith.constant 0 : i32
        %cond3A_203 = arith.cmpi ne, %convert_element_type3A_201, %cond3A_202 : i32
        scf.if %cond3A_203 {
          %add3A_204 = arith.addi %select_n3A, %while3A_111 : i32
          %mul3A_205 = arith.constant 64 : i32
          %mul3A_206 = arith.muli %add3A_204, %mul3A_205 : i32
          %dma_wait3A_207 = arith.constant 0 : i32
          %dma_wait3A_208 = tpu.memref_slice %arg6[%mul3A_206, %dma_wait3A_207] : memref<160000x256xf32, #tpu.memory_space<hbm>> -> memref<64x256xf32, #tpu.memory_space<hbm>>
          %dma_wait3A_209 = arith.constant 0 : i32
          %dma_wait3A_210 = tpu.memref_slice %arg6[%mul3A_206, %dma_wait3A_209] : memref<160000x256xf32, #tpu.memory_space<hbm>> -> memref<64x256xf32, #tpu.memory_space<hbm>>
          tpu.wait_dma2 semaphore(%arg24 : memref<!tpu.dma_semaphore, #tpu.memory_space<semaphore_mem>>) src(%arg12 : memref<64x256xf32, #tpu.memory_space<vmem>>) dst(%dma_wait3A_210 : memref<64x256xf32, #tpu.memory_space<hbm>>)
          %dma_wait3A_211 = arith.constant 0 : i32
          %dma_wait3A_212 = tpu.memref_slice %arg7[%mul3A_206, %dma_wait3A_211] : memref<160000x256xf32, #tpu.memory_space<hbm>> -> memref<64x256xf32, #tpu.memory_space<hbm>>
          %dma_wait3A_213 = arith.constant 0 : i32
          %dma_wait3A_214 = tpu.memref_slice %arg7[%mul3A_206, %dma_wait3A_213] : memref<160000x256xf32, #tpu.memory_space<hbm>> -> memref<64x256xf32, #tpu.memory_space<hbm>>
          tpu.wait_dma2 semaphore(%arg27 : memref<!tpu.dma_semaphore, #tpu.memory_space<semaphore_mem>>) src(%arg15 : memref<64x256xf32, #tpu.memory_space<vmem>>) dst(%dma_wait3A_214 : memref<64x256xf32, #tpu.memory_space<hbm>>)
          %add3A_215 = arith.constant 3 : i32
          %add3A_216 = arith.addi %while3A_111, %add3A_215 : i32
          %dma_start3A_217 = arith.constant 0 : i32
          %dma_start3A_218 = arith.constant 0 : i32
          %dma_start3A_219 = tpu.memref_slice %arg8[%add3A_216, %dma_start3A_217, %dma_start3A_218] : memref<79x1x64xi32, #tpu.memory_space<vmem>> -> memref<1x1x64xi32, #tpu.memory_space<vmem>>
          %dma_start3A_220 = tpu.memref_squeeze %dma_start3A_219 : memref<1x1x64xi32, #tpu.memory_space<vmem>> -> memref<64xi32, #tpu.memory_space<vmem>>
          %dma_start3A_221 = arith.constant 0 : i32
          %dma_start3A_222 = arith.constant 0 : i32
          %dma_start3A_223 = tpu.memref_slice %arg2[%dma_start3A_221, %dma_start3A_222] : memref<10000x256xf32, #tpu.memory_space<hbm>> -> memref<10000x256xf32, #tpu.memory_space<hbm>>
          tpu.enqueue_indirect_dma source(%dma_start3A_223 : memref<10000x256xf32, #tpu.memory_space<hbm>>) target(%arg12 : memref<64x256xf32, #tpu.memory_space<vmem>>) offsets(%dma_start3A_220 : memref<64xi32, #tpu.memory_space<vmem>>) semaphore(%arg18 : memref<!tpu.dma_semaphore, #tpu.memory_space<semaphore_mem>>)
          %dma_start3A_224 = arith.constant 0 : i32
          %dma_start3A_225 = arith.constant 0 : i32
          %dma_start3A_226 = tpu.memref_slice %arg9[%add3A_216, %dma_start3A_224, %dma_start3A_225] : memref<79x1x64xi32, #tpu.memory_space<vmem>> -> memref<1x1x64xi32, #tpu.memory_space<vmem>>
          %dma_start3A_227 = tpu.memref_squeeze %dma_start3A_226 : memref<1x1x64xi32, #tpu.memory_space<vmem>> -> memref<64xi32, #tpu.memory_space<vmem>>
          %dma_start3A_228 = arith.constant 0 : i32
          %dma_start3A_229 = arith.constant 0 : i32
          %dma_start3A_230 = tpu.memref_slice %arg3[%dma_start3A_228, %dma_start3A_229] : memref<10000x256xf32, #tpu.memory_space<hbm>> -> memref<10000x256xf32, #tpu.memory_space<hbm>>
          tpu.enqueue_indirect_dma source(%dma_start3A_230 : memref<10000x256xf32, #tpu.memory_space<hbm>>) target(%arg15 : memref<64x256xf32, #tpu.memory_space<vmem>>) offsets(%dma_start3A_227 : memref<64xi32, #tpu.memory_space<vmem>>) semaphore(%arg21 : memref<!tpu.dma_semaphore, #tpu.memory_space<semaphore_mem>>)
        } else {
        }
      } else {
      }
    }
    %eq3A = arith.constant 78 : i32
    %eq3A_104 = arith.cmpi eq, %sub3A_47, %eq3A : i32
    %convert_element_type3A = arith.extui %eq3A_104 : i1 to i32
    %cond3A = arith.constant 0 : i32
    %cond3A_105 = arith.cmpi ne, %convert_element_type3A, %cond3A : i32
    scf.if %cond3A_105 {
      %add3A_111 = arith.constant 75 : i32
      %add3A_112 = arith.addi %select_n3A, %add3A_111 : i32
      %mul3A_113 = arith.constant 64 : i32
      %mul3A_114 = arith.muli %add3A_112, %mul3A_113 : i32
      %dma_wait3A = arith.constant 0 : i32
      %dma_wait3A_115 = tpu.memref_slice %arg6[%mul3A_114, %dma_wait3A] : memref<160000x256xf32, #tpu.memory_space<hbm>> -> memref<64x256xf32, #tpu.memory_space<hbm>>
      %dma_wait3A_116 = arith.constant 0 : i32
      %dma_wait3A_117 = tpu.memref_slice %arg6[%mul3A_114, %dma_wait3A_116] : memref<160000x256xf32, #tpu.memory_space<hbm>> -> memref<64x256xf32, #tpu.memory_space<hbm>>
      tpu.wait_dma2 semaphore(%arg22 : memref<!tpu.dma_semaphore, #tpu.memory_space<semaphore_mem>>) src(%arg10 : memref<64x256xf32, #tpu.memory_space<vmem>>) dst(%dma_wait3A_117 : memref<64x256xf32, #tpu.memory_space<hbm>>)
      %dma_wait3A_118 = arith.constant 0 : i32
      %dma_wait3A_119 = tpu.memref_slice %arg7[%mul3A_114, %dma_wait3A_118] : memref<160000x256xf32, #tpu.memory_space<hbm>> -> memref<64x256xf32, #tpu.memory_space<hbm>>
      %dma_wait3A_120 = arith.constant 0 : i32
      %dma_wait3A_121 = tpu.memref_slice %arg7[%mul3A_114, %dma_wait3A_120] : memref<160000x256xf32, #tpu.memory_space<hbm>> -> memref<64x256xf32, #tpu.memory_space<hbm>>
      tpu.wait_dma2 semaphore(%arg25 : memref<!tpu.dma_semaphore, #tpu.memory_space<semaphore_mem>>) src(%arg13 : memref<64x256xf32, #tpu.memory_space<vmem>>) dst(%dma_wait3A_121 : memref<64x256xf32, #tpu.memory_space<hbm>>)
      %add3A_122 = arith.constant 76 : i32
      %add3A_123 = arith.addi %select_n3A, %add3A_122 : i32
      %mul3A_124 = arith.constant 64 : i32
      %mul3A_125 = arith.muli %add3A_123, %mul3A_124 : i32
      %dma_wait3A_126 = arith.constant 0 : i32
      %dma_wait3A_127 = tpu.memref_slice %arg6[%mul3A_125, %dma_wait3A_126] : memref<160000x256xf32, #tpu.memory_space<hbm>> -> memref<64x256xf32, #tpu.memory_space<hbm>>
      %dma_wait3A_128 = arith.constant 0 : i32
      %dma_wait3A_129 = tpu.memref_slice %arg6[%mul3A_125, %dma_wait3A_128] : memref<160000x256xf32, #tpu.memory_space<hbm>> -> memref<64x256xf32, #tpu.memory_space<hbm>>
      tpu.wait_dma2 semaphore(%arg23 : memref<!tpu.dma_semaphore, #tpu.memory_space<semaphore_mem>>) src(%arg11 : memref<64x256xf32, #tpu.memory_space<vmem>>) dst(%dma_wait3A_129 : memref<64x256xf32, #tpu.memory_space<hbm>>)
      %dma_wait3A_130 = arith.constant 0 : i32
      %dma_wait3A_131 = tpu.memref_slice %arg7[%mul3A_125, %dma_wait3A_130] : memref<160000x256xf32, #tpu.memory_space<hbm>> -> memref<64x256xf32, #tpu.memory_space<hbm>>
      %dma_wait3A_132 = arith.constant 0 : i32
      %dma_wait3A_133 = tpu.memref_slice %arg7[%mul3A_125, %dma_wait3A_132] : memref<160000x256xf32, #tpu.memory_space<hbm>> -> memref<64x256xf32, #tpu.memory_space<hbm>>
      tpu.wait_dma2 semaphore(%arg26 : memref<!tpu.dma_semaphore, #tpu.memory_space<semaphore_mem>>) src(%arg14 : memref<64x256xf32, #tpu.memory_space<vmem>>) dst(%dma_wait3A_133 : memref<64x256xf32, #tpu.memory_space<hbm>>)
      %add3A_134 = arith.constant 77 : i32
      %add3A_135 = arith.addi %select_n3A, %add3A_134 : i32
      %mul3A_136 = arith.constant 64 : i32
      %mul3A_137 = arith.muli %add3A_135, %mul3A_136 : i32
      %dma_wait3A_138 = arith.constant 0 : i32
      %dma_wait3A_139 = tpu.memref_slice %arg6[%mul3A_137, %dma_wait3A_138] : memref<160000x256xf32, #tpu.memory_space<hbm>> -> memref<64x256xf32, #tpu.memory_space<hbm>>
      %dma_wait3A_140 = arith.constant 0 : i32
      %dma_wait3A_141 = tpu.memref_slice %arg6[%mul3A_137, %dma_wait3A_140] : memref<160000x256xf32, #tpu.memory_space<hbm>> -> memref<64x256xf32, #tpu.memory_space<hbm>>
      tpu.wait_dma2 semaphore(%arg24 : memref<!tpu.dma_semaphore, #tpu.memory_space<semaphore_mem>>) src(%arg12 : memref<64x256xf32, #tpu.memory_space<vmem>>) dst(%dma_wait3A_141 : memref<64x256xf32, #tpu.memory_space<hbm>>)
      %dma_wait3A_142 = arith.constant 0 : i32
      %dma_wait3A_143 = tpu.memref_slice %arg7[%mul3A_137, %dma_wait3A_142] : memref<160000x256xf32, #tpu.memory_space<hbm>> -> memref<64x256xf32, #tpu.memory_space<hbm>>
      %dma_wait3A_144 = arith.constant 0 : i32
      %dma_wait3A_145 = tpu.memref_slice %arg7[%mul3A_137, %dma_wait3A_144] : memref<160000x256xf32, #tpu.memory_space<hbm>> -> memref<64x256xf32, #tpu.memory_space<hbm>>
      tpu.wait_dma2 semaphore(%arg27 : memref<!tpu.dma_semaphore, #tpu.memory_space<semaphore_mem>>) src(%arg15 : memref<64x256xf32, #tpu.memory_space<vmem>>) dst(%dma_wait3A_145 : memref<64x256xf32, #tpu.memory_space<hbm>>)
    } else {
    }
    %eq3A_106 = arith.constant 79 : i32
    %eq3A_107 = arith.cmpi eq, %sub3A_47, %eq3A_106 : i32
    %convert_element_type3A_108 = arith.extui %eq3A_107 : i1 to i32
    %cond3A_109 = arith.constant 0 : i32
    %cond3A_110 = arith.cmpi ne, %convert_element_type3A_108, %cond3A_109 : i32
    scf.if %cond3A_110 {
      %add3A_111 = arith.constant 76 : i32
      %add3A_112 = arith.addi %select_n3A, %add3A_111 : i32
      %mul3A_113 = arith.constant 64 : i32
      %mul3A_114 = arith.muli %add3A_112, %mul3A_113 : i32
      %dma_wait3A = arith.constant 0 : i32
      %dma_wait3A_115 = tpu.memref_slice %arg6[%mul3A_114, %dma_wait3A] : memref<160000x256xf32, #tpu.memory_space<hbm>> -> memref<64x256xf32, #tpu.memory_space<hbm>>
      %dma_wait3A_116 = arith.constant 0 : i32
      %dma_wait3A_117 = tpu.memref_slice %arg6[%mul3A_114, %dma_wait3A_116] : memref<160000x256xf32, #tpu.memory_space<hbm>> -> memref<64x256xf32, #tpu.memory_space<hbm>>
      tpu.wait_dma2 semaphore(%arg23 : memref<!tpu.dma_semaphore, #tpu.memory_space<semaphore_mem>>) src(%arg11 : memref<64x256xf32, #tpu.memory_space<vmem>>) dst(%dma_wait3A_117 : memref<64x256xf32, #tpu.memory_space<hbm>>)
      %dma_wait3A_118 = arith.constant 0 : i32
      %dma_wait3A_119 = tpu.memref_slice %arg7[%mul3A_114, %dma_wait3A_118] : memref<160000x256xf32, #tpu.memory_space<hbm>> -> memref<64x256xf32, #tpu.memory_space<hbm>>
      %dma_wait3A_120 = arith.constant 0 : i32
      %dma_wait3A_121 = tpu.memref_slice %arg7[%mul3A_114, %dma_wait3A_120] : memref<160000x256xf32, #tpu.memory_space<hbm>> -> memref<64x256xf32, #tpu.memory_space<hbm>>
      tpu.wait_dma2 semaphore(%arg26 : memref<!tpu.dma_semaphore, #tpu.memory_space<semaphore_mem>>) src(%arg14 : memref<64x256xf32, #tpu.memory_space<vmem>>) dst(%dma_wait3A_121 : memref<64x256xf32, #tpu.memory_space<hbm>>)
      %add3A_122 = arith.constant 77 : i32
      %add3A_123 = arith.addi %select_n3A, %add3A_122 : i32
      %mul3A_124 = arith.constant 64 : i32
      %mul3A_125 = arith.muli %add3A_123, %mul3A_124 : i32
      %dma_wait3A_126 = arith.constant 0 : i32
      %dma_wait3A_127 = tpu.memref_slice %arg6[%mul3A_125, %dma_wait3A_126] : memref<160000x256xf32, #tpu.memory_space<hbm>> -> memref<64x256xf32, #tpu.memory_space<hbm>>
      %dma_wait3A_128 = arith.constant 0 : i32
      %dma_wait3A_129 = tpu.memref_slice %arg6[%mul3A_125, %dma_wait3A_128] : memref<160000x256xf32, #tpu.memory_space<hbm>> -> memref<64x256xf32, #tpu.memory_space<hbm>>
      tpu.wait_dma2 semaphore(%arg24 : memref<!tpu.dma_semaphore, #tpu.memory_space<semaphore_mem>>) src(%arg12 : memref<64x256xf32, #tpu.memory_space<vmem>>) dst(%dma_wait3A_129 : memref<64x256xf32, #tpu.memory_space<hbm>>)
      %dma_wait3A_130 = arith.constant 0 : i32
      %dma_wait3A_131 = tpu.memref_slice %arg7[%mul3A_125, %dma_wait3A_130] : memref<160000x256xf32, #tpu.memory_space<hbm>> -> memref<64x256xf32, #tpu.memory_space<hbm>>
      %dma_wait3A_132 = arith.constant 0 : i32
      %dma_wait3A_133 = tpu.memref_slice %arg7[%mul3A_125, %dma_wait3A_132] : memref<160000x256xf32, #tpu.memory_space<hbm>> -> memref<64x256xf32, #tpu.memory_space<hbm>>
      tpu.wait_dma2 semaphore(%arg27 : memref<!tpu.dma_semaphore, #tpu.memory_space<semaphore_mem>>) src(%arg15 : memref<64x256xf32, #tpu.memory_space<vmem>>) dst(%dma_wait3A_133 : memref<64x256xf32, #tpu.memory_space<hbm>>)
      %add3A_134 = arith.constant 78 : i32
      %add3A_135 = arith.addi %select_n3A, %add3A_134 : i32
      %mul3A_136 = arith.constant 64 : i32
      %mul3A_137 = arith.muli %add3A_135, %mul3A_136 : i32
      %dma_wait3A_138 = arith.constant 0 : i32
      %dma_wait3A_139 = tpu.memref_slice %arg6[%mul3A_137, %dma_wait3A_138] : memref<160000x256xf32, #tpu.memory_space<hbm>> -> memref<64x256xf32, #tpu.memory_space<hbm>>
      %dma_wait3A_140 = arith.constant 0 : i32
      %dma_wait3A_141 = tpu.memref_slice %arg6[%mul3A_137, %dma_wait3A_140] : memref<160000x256xf32, #tpu.memory_space<hbm>> -> memref<64x256xf32, #tpu.memory_space<hbm>>
      tpu.wait_dma2 semaphore(%arg22 : memref<!tpu.dma_semaphore, #tpu.memory_space<semaphore_mem>>) src(%arg10 : memref<64x256xf32, #tpu.memory_space<vmem>>) dst(%dma_wait3A_141 : memref<64x256xf32, #tpu.memory_space<hbm>>)
      %dma_wait3A_142 = arith.constant 0 : i32
      %dma_wait3A_143 = tpu.memref_slice %arg7[%mul3A_137, %dma_wait3A_142] : memref<160000x256xf32, #tpu.memory_space<hbm>> -> memref<64x256xf32, #tpu.memory_space<hbm>>
      %dma_wait3A_144 = arith.constant 0 : i32
      %dma_wait3A_145 = tpu.memref_slice %arg7[%mul3A_137, %dma_wait3A_144] : memref<160000x256xf32, #tpu.memory_space<hbm>> -> memref<64x256xf32, #tpu.memory_space<hbm>>
      tpu.wait_dma2 semaphore(%arg25 : memref<!tpu.dma_semaphore, #tpu.memory_space<semaphore_mem>>) src(%arg13 : memref<64x256xf32, #tpu.memory_space<vmem>>) dst(%dma_wait3A_145 : memref<64x256xf32, #tpu.memory_space<hbm>>)
    } else {
    }
    return
  }
}

#map = affine_map<(d0, d1) -> (0, 0)>
#map1 = affine_map<(d0, d1) -> (0, 0, 0)>
module attributes {stable_mosaic.version = 14 : i64} {
  func.func @_scatter(%arg0: i32, %arg1: i32, %arg2: memref<160000x128xf32, #tpu.memory_space<hbm>>, %arg3: memref<2500x1x64xi32, #tpu.memory_space<hbm>>, %arg4: memref<2x10000x128xf32, #tpu.memory_space<hbm>>, %arg5: memref<1x64xi32, #tpu.memory_space<vmem>>, %arg6: memref<1x64xi32, #tpu.memory_space<vmem>>, %arg7: memref<64x128xf32, #tpu.memory_space<vmem>>, %arg8: memref<64x128xf32, #tpu.memory_space<vmem>>, %arg9: memref<24x128xf32, #tpu.memory_space<vmem>>, %arg10: memref<10000x128xf32, #tpu.memory_space<vmem_shared>>, %arg11: memref<!tpu.dma_semaphore, #tpu.memory_space<semaphore_mem>>, %arg12: memref<!tpu.dma_semaphore, #tpu.memory_space<semaphore_mem>>, %arg13: memref<!tpu.dma_semaphore, #tpu.memory_space<semaphore_mem>>, %arg14: memref<!tpu.dma_semaphore, #tpu.memory_space<semaphore_mem>>) attributes {dimension_semantics = [#tpu.dimension_semantics<core_parallel>, #tpu.dimension_semantics<subcore_parallel>], iteration_bounds = array<i64: 2, 16>, scalar_prefetch = 0 : i64, scratch_operands = 10 : i64, tpu.core_type = #tpu.core_type<sc_vector_subcore>, window_params = [{transform_indices = #map}, {transform_indices = #map1}, {transform_indices = #map1}]} {
    %mul3A = arith.constant 2 : i32
    %mul3A_0 = arith.muli %arg1, %mul3A : i32
    %add3A = arith.addi %mul3A_0, %arg0 : i32
    %scan3A = arith.constant 0 : i32
    %scan3A_1 = arith.constant 0 : i32
    %scan3A_2 = arith.constant 24 : i32
    %scan3A_3 = arith.addi %scan3A_1, %scan3A_2 : i32
    %scan3A_4 = arith.constant 1 : i32
    scf.for %scan3A_95 = %scan3A_1 to %scan3A_3 step %scan3A_4  : i32 {
      %broadcast_in_dim3A = arith.constant 0.000000e+00 : f32
      %broadcast_in_dim3A_96 = vector.broadcast %broadcast_in_dim3A : f32 to vector<16xf32>
      %swap3A = arith.index_cast %scan3A_95 : i32 to index
      %swap3A_97 = arith.constant 0 : index
      %swap3A_98 = tpu.vector_load %arg9[%swap3A, %swap3A_97] {strides = array<i32>} : memref<24x128xf32, #tpu.memory_space<vmem>>, vector<1x16xf32>,
      %swap3A_99 = vector.shape_cast %swap3A_98 : vector<1x16xf32> to vector<16xf32>
      %swap3A_100 = vector.shape_cast %broadcast_in_dim3A_96 : vector<16xf32> to vector<1x16xf32>
      tpu.vector_store %arg9[%swap3A, %swap3A_97], %swap3A_100 {strides = array<i32>} : memref<24x128xf32, #tpu.memory_space<vmem>>, vector<1x16xf32>,
      %broadcast_in_dim3A_101 = arith.constant 0.000000e+00 : f32
      %broadcast_in_dim3A_102 = vector.broadcast %broadcast_in_dim3A_101 : f32 to vector<16xf32>
      %swap3A_103 = arith.index_cast %scan3A_95 : i32 to index
      %swap3A_104 = arith.constant 16 : index
      %swap3A_105 = tpu.vector_load %arg9[%swap3A_103, %swap3A_104] {strides = array<i32>} : memref<24x128xf32, #tpu.memory_space<vmem>>, vector<1x16xf32>,
      %swap3A_106 = vector.shape_cast %swap3A_105 : vector<1x16xf32> to vector<16xf32>
      %swap3A_107 = vector.shape_cast %broadcast_in_dim3A_102 : vector<16xf32> to vector<1x16xf32>
      tpu.vector_store %arg9[%swap3A_103, %swap3A_104], %swap3A_107 {strides = array<i32>} : memref<24x128xf32, #tpu.memory_space<vmem>>, vector<1x16xf32>,
      %broadcast_in_dim3A_108 = arith.constant 0.000000e+00 : f32
      %broadcast_in_dim3A_109 = vector.broadcast %broadcast_in_dim3A_108 : f32 to vector<16xf32>
      %swap3A_110 = arith.index_cast %scan3A_95 : i32 to index
      %swap3A_111 = arith.constant 32 : index
      %swap3A_112 = tpu.vector_load %arg9[%swap3A_110, %swap3A_111] {strides = array<i32>} : memref<24x128xf32, #tpu.memory_space<vmem>>, vector<1x16xf32>,
      %swap3A_113 = vector.shape_cast %swap3A_112 : vector<1x16xf32> to vector<16xf32>
      %swap3A_114 = vector.shape_cast %broadcast_in_dim3A_109 : vector<16xf32> to vector<1x16xf32>
      tpu.vector_store %arg9[%swap3A_110, %swap3A_111], %swap3A_114 {strides = array<i32>} : memref<24x128xf32, #tpu.memory_space<vmem>>, vector<1x16xf32>,
      %broadcast_in_dim3A_115 = arith.constant 0.000000e+00 : f32
      %broadcast_in_dim3A_116 = vector.broadcast %broadcast_in_dim3A_115 : f32 to vector<16xf32>
      %swap3A_117 = arith.index_cast %scan3A_95 : i32 to index
      %swap3A_118 = arith.constant 48 : index
      %swap3A_119 = tpu.vector_load %arg9[%swap3A_117, %swap3A_118] {strides = array<i32>} : memref<24x128xf32, #tpu.memory_space<vmem>>, vector<1x16xf32>,
      %swap3A_120 = vector.shape_cast %swap3A_119 : vector<1x16xf32> to vector<16xf32>
      %swap3A_121 = vector.shape_cast %broadcast_in_dim3A_116 : vector<16xf32> to vector<1x16xf32>
      tpu.vector_store %arg9[%swap3A_117, %swap3A_118], %swap3A_121 {strides = array<i32>} : memref<24x128xf32, #tpu.memory_space<vmem>>, vector<1x16xf32>,
      %broadcast_in_dim3A_122 = arith.constant 0.000000e+00 : f32
      %broadcast_in_dim3A_123 = vector.broadcast %broadcast_in_dim3A_122 : f32 to vector<16xf32>
      %swap3A_124 = arith.index_cast %scan3A_95 : i32 to index
      %swap3A_125 = arith.constant 64 : index
      %swap3A_126 = tpu.vector_load %arg9[%swap3A_124, %swap3A_125] {strides = array<i32>} : memref<24x128xf32, #tpu.memory_space<vmem>>, vector<1x16xf32>,
      %swap3A_127 = vector.shape_cast %swap3A_126 : vector<1x16xf32> to vector<16xf32>
      %swap3A_128 = vector.shape_cast %broadcast_in_dim3A_123 : vector<16xf32> to vector<1x16xf32>
      tpu.vector_store %arg9[%swap3A_124, %swap3A_125], %swap3A_128 {strides = array<i32>} : memref<24x128xf32, #tpu.memory_space<vmem>>, vector<1x16xf32>,
      %broadcast_in_dim3A_129 = arith.constant 0.000000e+00 : f32
      %broadcast_in_dim3A_130 = vector.broadcast %broadcast_in_dim3A_129 : f32 to vector<16xf32>
      %swap3A_131 = arith.index_cast %scan3A_95 : i32 to index
      %swap3A_132 = arith.constant 80 : index
      %swap3A_133 = tpu.vector_load %arg9[%swap3A_131, %swap3A_132] {strides = array<i32>} : memref<24x128xf32, #tpu.memory_space<vmem>>, vector<1x16xf32>,
      %swap3A_134 = vector.shape_cast %swap3A_133 : vector<1x16xf32> to vector<16xf32>
      %swap3A_135 = vector.shape_cast %broadcast_in_dim3A_130 : vector<16xf32> to vector<1x16xf32>
      tpu.vector_store %arg9[%swap3A_131, %swap3A_132], %swap3A_135 {strides = array<i32>} : memref<24x128xf32, #tpu.memory_space<vmem>>, vector<1x16xf32>,
      %broadcast_in_dim3A_136 = arith.constant 0.000000e+00 : f32
      %broadcast_in_dim3A_137 = vector.broadcast %broadcast_in_dim3A_136 : f32 to vector<16xf32>
      %swap3A_138 = arith.index_cast %scan3A_95 : i32 to index
      %swap3A_139 = arith.constant 96 : index
      %swap3A_140 = tpu.vector_load %arg9[%swap3A_138, %swap3A_139] {strides = array<i32>} : memref<24x128xf32, #tpu.memory_space<vmem>>, vector<1x16xf32>,
      %swap3A_141 = vector.shape_cast %swap3A_140 : vector<1x16xf32> to vector<16xf32>
      %swap3A_142 = vector.shape_cast %broadcast_in_dim3A_137 : vector<16xf32> to vector<1x16xf32>
      tpu.vector_store %arg9[%swap3A_138, %swap3A_139], %swap3A_142 {strides = array<i32>} : memref<24x128xf32, #tpu.memory_space<vmem>>, vector<1x16xf32>,
      %broadcast_in_dim3A_143 = arith.constant 0.000000e+00 : f32
      %broadcast_in_dim3A_144 = vector.broadcast %broadcast_in_dim3A_143 : f32 to vector<16xf32>
      %swap3A_145 = arith.index_cast %scan3A_95 : i32 to index
      %swap3A_146 = arith.constant 112 : index
      %swap3A_147 = tpu.vector_load %arg9[%swap3A_145, %swap3A_146] {strides = array<i32>} : memref<24x128xf32, #tpu.memory_space<vmem>>, vector<1x16xf32>,
      %swap3A_148 = vector.shape_cast %swap3A_147 : vector<1x16xf32> to vector<16xf32>
      %swap3A_149 = vector.shape_cast %broadcast_in_dim3A_144 : vector<16xf32> to vector<1x16xf32>
      tpu.vector_store %arg9[%swap3A_145, %swap3A_146], %swap3A_149 {strides = array<i32>} : memref<24x128xf32, #tpu.memory_space<vmem>>, vector<1x16xf32>,
    }
    %scan3A_5 = arith.constant 24 : i32
    %scan3A_6 = arith.constant 0 : i32
    %scan3A_7 = arith.constant 0 : i32
    %scan3A_8 = arith.constant 26 : i32
    %scan3A_9 = arith.addi %scan3A_7, %scan3A_8 : i32
    %scan3A_10 = arith.constant 1 : i32
    scf.for %scan3A_95 = %scan3A_7 to %scan3A_9 step %scan3A_10  : i32 {
      %mul3A_96 = arith.constant 624 : i32
      %mul3A_97 = arith.muli %arg1, %mul3A_96 : i32
      %mul3A_98 = arith.constant 24 : i32
      %mul3A_99 = arith.muli %scan3A_95, %mul3A_98 : i32
      %add3A_100 = arith.addi %mul3A_97, %mul3A_99 : i32
      "tpu.region"() ({
        %run_scoped3A = tpu.sem_alloc : memref<!tpu.dma_semaphore, #tpu.memory_space<semaphore_mem>>
        %dma_start3A_101 = arith.constant 0 : i32
        %dma_start3A_102 = tpu.memref_slice %arg10[%add3A_100, %dma_start3A_101] : memref<10000x128xf32, #tpu.memory_space<vmem_shared>> -> memref<24x128xf32, #tpu.memory_space<vmem_shared>>
        %dma_start3A_103 = arith.constant 0 : i32
        %dma_start3A_104 = tpu.memref_slice %arg10[%add3A_100, %dma_start3A_103] : memref<10000x128xf32, #tpu.memory_space<vmem_shared>> -> memref<24x128xf32, #tpu.memory_space<vmem_shared>>
        tpu.enqueue_dma source(%arg9 : memref<24x128xf32, #tpu.memory_space<vmem>>) target(%dma_start3A_104 : memref<24x128xf32, #tpu.memory_space<vmem_shared>>) target_semaphore(%run_scoped3A : memref<!tpu.dma_semaphore, #tpu.memory_space<semaphore_mem>>)
        %dma_wait3A = arith.constant 0 : i32
        %dma_wait3A_105 = tpu.memref_slice %arg10[%add3A_100, %dma_wait3A] : memref<10000x128xf32, #tpu.memory_space<vmem_shared>> -> memref<24x128xf32, #tpu.memory_space<vmem_shared>>
        %dma_wait3A_106 = arith.constant 0 : i32
        %dma_wait3A_107 = tpu.memref_slice %arg10[%add3A_100, %dma_wait3A_106] : memref<10000x128xf32, #tpu.memory_space<vmem_shared>> -> memref<24x128xf32, #tpu.memory_space<vmem_shared>>
        tpu.wait_dma2 semaphore(%run_scoped3A : memref<!tpu.dma_semaphore, #tpu.memory_space<semaphore_mem>>) src(%arg9 : memref<24x128xf32, #tpu.memory_space<vmem>>) dst(%dma_wait3A_107 : memref<24x128xf32, #tpu.memory_space<vmem_shared>>)
        tpu.yield
      }) : () -> ()
    }
    %scan3A_11 = arith.constant 26 : i32
    %eq3A = arith.constant 0 : i32
    %eq3A_12 = arith.cmpi eq, %arg1, %eq3A : i32
    %convert_element_type3A = arith.extui %eq3A_12 : i1 to i32
    %cond3A = arith.constant 0 : i32
    %cond3A_13 = arith.cmpi ne, %convert_element_type3A, %cond3A : i32
    scf.if %cond3A_13 {
      "tpu.region"() ({
        %run_scoped3A = tpu.sem_alloc : memref<!tpu.dma_semaphore, #tpu.memory_space<semaphore_mem>>
        %dma_start3A_95 = arith.constant 0 : i32
        %dma_start3A_96 = arith.constant 0 : i32
        %dma_start3A_97 = tpu.memref_slice %arg9[%dma_start3A_95, %dma_start3A_96] : memref<24x128xf32, #tpu.memory_space<vmem>> -> memref<16x128xf32, #tpu.memory_space<vmem>>
        %dma_start3A_98 = arith.constant 9984 : i32
        %dma_start3A_99 = arith.constant 0 : i32
        %dma_start3A_100 = tpu.memref_slice %arg10[%dma_start3A_98, %dma_start3A_99] : memref<10000x128xf32, #tpu.memory_space<vmem_shared>> -> memref<16x128xf32, #tpu.memory_space<vmem_shared>>
        %dma_start3A_101 = arith.constant 9984 : i32
        %dma_start3A_102 = arith.constant 0 : i32
        %dma_start3A_103 = tpu.memref_slice %arg10[%dma_start3A_101, %dma_start3A_102] : memref<10000x128xf32, #tpu.memory_space<vmem_shared>> -> memref<16x128xf32, #tpu.memory_space<vmem_shared>>
        %dma_start3A_104 = arith.constant 0 : i32
        %dma_start3A_105 = arith.constant 0 : i32
        %dma_start3A_106 = tpu.memref_slice %arg9[%dma_start3A_104, %dma_start3A_105] : memref<24x128xf32, #tpu.memory_space<vmem>> -> memref<16x128xf32, #tpu.memory_space<vmem>>
        tpu.enqueue_dma source(%dma_start3A_106 : memref<16x128xf32, #tpu.memory_space<vmem>>) target(%dma_start3A_103 : memref<16x128xf32, #tpu.memory_space<vmem_shared>>) target_semaphore(%run_scoped3A : memref<!tpu.dma_semaphore, #tpu.memory_space<semaphore_mem>>)
        %dma_wait3A = arith.constant 0 : i32
        %dma_wait3A_107 = arith.constant 0 : i32
        %dma_wait3A_108 = tpu.memref_slice %arg9[%dma_wait3A, %dma_wait3A_107] : memref<24x128xf32, #tpu.memory_space<vmem>> -> memref<16x128xf32, #tpu.memory_space<vmem>>
        %dma_wait3A_109 = arith.constant 9984 : i32
        %dma_wait3A_110 = arith.constant 0 : i32
        %dma_wait3A_111 = tpu.memref_slice %arg10[%dma_wait3A_109, %dma_wait3A_110] : memref<10000x128xf32, #tpu.memory_space<vmem_shared>> -> memref<16x128xf32, #tpu.memory_space<vmem_shared>>
        %dma_wait3A_112 = arith.constant 9984 : i32
        %dma_wait3A_113 = arith.constant 0 : i32
        %dma_wait3A_114 = tpu.memref_slice %arg10[%dma_wait3A_112, %dma_wait3A_113] : memref<10000x128xf32, #tpu.memory_space<vmem_shared>> -> memref<16x128xf32, #tpu.memory_space<vmem_shared>>
        %dma_wait3A_115 = arith.constant 0 : i32
        %dma_wait3A_116 = arith.constant 0 : i32
        %dma_wait3A_117 = tpu.memref_slice %arg9[%dma_wait3A_115, %dma_wait3A_116] : memref<24x128xf32, #tpu.memory_space<vmem>> -> memref<16x128xf32, #tpu.memory_space<vmem>>
        tpu.wait_dma2 semaphore(%run_scoped3A : memref<!tpu.dma_semaphore, #tpu.memory_space<semaphore_mem>>) src(%dma_wait3A_117 : memref<16x128xf32, #tpu.memory_space<vmem>>) dst(%dma_wait3A_114 : memref<16x128xf32, #tpu.memory_space<vmem_shared>>)
        tpu.yield
      }) : () -> ()
    } else {
    }
    %barrier3A = arith.constant 0 : index
    tpu.barrier barrier_id(%barrier3A)
    %mul3A_14 = arith.constant 2500 : i32
    %mul3A_15 = arith.muli %mul3A_14, %add3A : i32
    %jit3A = arith.constant 32 : i32
    %div3A = arith.divsi %mul3A_15, %jit3A : i32
    %sign3A = arith.constant 0 : i32
    %sign3A_16 = arith.cmpi sgt, %mul3A_15, %sign3A : i32
    %sign3A_17 = arith.extui %sign3A_16 : i1 to i32
    %sign3A_18 = arith.constant 0 : i32
    %sign3A_19 = arith.cmpi slt, %mul3A_15, %sign3A_18 : i32
    %sign3A_20 = arith.extui %sign3A_19 : i1 to i32
    %sign3A_21 = arith.subi %sign3A_17, %sign3A_20 : i32
    %sign3A_22 = arith.constant 0 : i32
    %sign3A_23 = arith.cmpi sgt, %jit3A, %sign3A_22 : i32
    %sign3A_24 = arith.extui %sign3A_23 : i1 to i32
    %sign3A_25 = arith.constant 0 : i32
    %sign3A_26 = arith.cmpi slt, %jit3A, %sign3A_25 : i32
    %sign3A_27 = arith.extui %sign3A_26 : i1 to i32
    %sign3A_28 = arith.subi %sign3A_24, %sign3A_27 : i32
    %ne3A = arith.cmpi ne, %sign3A_21, %sign3A_28 : i32
    %rem3A = arith.remsi %mul3A_15, %jit3A : i32
    %ne3A_29 = arith.constant 0 : i32
    %ne3A_30 = arith.cmpi ne, %rem3A, %ne3A_29 : i32
    %and3A = arith.andi %ne3A, %ne3A_30 : i1
    %sub3A = arith.constant 1 : i32
    %sub3A_31 = arith.subi %div3A, %sub3A : i32
    %select_n3A = arith.select %and3A, %sub3A_31, %div3A : i32
    %add3A_32 = arith.constant 1 : i32
    %add3A_33 = arith.addi %add3A, %add3A_32 : i32
    %mul3A_34 = arith.constant 2500 : i32
    %mul3A_35 = arith.muli %mul3A_34, %add3A_33 : i32
    %jit3A_36 = arith.constant 32 : i32
    %div3A_37 = arith.divsi %mul3A_35, %jit3A_36 : i32
    %sign3A_38 = arith.constant 0 : i32
    %sign3A_39 = arith.cmpi sgt, %mul3A_35, %sign3A_38 : i32
    %sign3A_40 = arith.extui %sign3A_39 : i1 to i32
    %sign3A_41 = arith.constant 0 : i32
    %sign3A_42 = arith.cmpi slt, %mul3A_35, %sign3A_41 : i32
    %sign3A_43 = arith.extui %sign3A_42 : i1 to i32
    %sign3A_44 = arith.subi %sign3A_40, %sign3A_43 : i32
    %sign3A_45 = arith.constant 0 : i32
    %sign3A_46 = arith.cmpi sgt, %jit3A_36, %sign3A_45 : i32
    %sign3A_47 = arith.extui %sign3A_46 : i1 to i32
    %sign3A_48 = arith.constant 0 : i32
    %sign3A_49 = arith.cmpi slt, %jit3A_36, %sign3A_48 : i32
    %sign3A_50 = arith.extui %sign3A_49 : i1 to i32
    %sign3A_51 = arith.subi %sign3A_47, %sign3A_50 : i32
    %ne3A_52 = arith.cmpi ne, %sign3A_44, %sign3A_51 : i32
    %rem3A_53 = arith.remsi %mul3A_35, %jit3A_36 : i32
    %ne3A_54 = arith.constant 0 : i32
    %ne3A_55 = arith.cmpi ne, %rem3A_53, %ne3A_54 : i32
    %and3A_56 = arith.andi %ne3A_52, %ne3A_55 : i1
    %sub3A_57 = arith.constant 1 : i32
    %sub3A_58 = arith.subi %div3A_37, %sub3A_57 : i32
    %select_n3A_59 = arith.select %and3A_56, %sub3A_58, %div3A_37 : i32
    %sub3A_60 = arith.subi %select_n3A_59, %select_n3A : i32
    %add3A_61 = arith.constant 0 : i32
    %add3A_62 = arith.addi %select_n3A, %add3A_61 : i32
    %dma_start3A = arith.constant 0 : i32
    %dma_start3A_63 = arith.constant 0 : i32
    %dma_start3A_64 = tpu.memref_slice %arg3[%add3A_62, %dma_start3A, %dma_start3A_63] : memref<2500x1x64xi32, #tpu.memory_space<hbm>> -> memref<1x1x64xi32, #tpu.memory_space<hbm>>
    %dma_start3A_65 = tpu.memref_squeeze %dma_start3A_64 : memref<1x1x64xi32, #tpu.memory_space<hbm>> -> memref<1x64xi32, #tpu.memory_space<hbm>>
    %dma_start3A_66 = arith.constant 0 : i32
    %dma_start3A_67 = arith.constant 0 : i32
    %dma_start3A_68 = tpu.memref_slice %arg3[%add3A_62, %dma_start3A_66, %dma_start3A_67] : memref<2500x1x64xi32, #tpu.memory_space<hbm>> -> memref<1x1x64xi32, #tpu.memory_space<hbm>>
    %dma_start3A_69 = tpu.memref_squeeze %dma_start3A_68 : memref<1x1x64xi32, #tpu.memory_space<hbm>> -> memref<1x64xi32, #tpu.memory_space<hbm>>
    tpu.enqueue_dma source(%dma_start3A_69 : memref<1x64xi32, #tpu.memory_space<hbm>>) target(%arg5 : memref<1x64xi32, #tpu.memory_space<vmem>>) target_semaphore(%arg11 : memref<!tpu.dma_semaphore, #tpu.memory_space<semaphore_mem>>)
    %mul3A_70 = arith.constant 64 : i32
    %mul3A_71 = arith.muli %add3A_62, %mul3A_70 : i32
    %dma_start3A_72 = arith.constant 0 : i32
    %dma_start3A_73 = tpu.memref_slice %arg2[%mul3A_71, %dma_start3A_72] : memref<160000x128xf32, #tpu.memory_space<hbm>> -> memref<64x128xf32, #tpu.memory_space<hbm>>
    %dma_start3A_74 = arith.constant 0 : i32
    %dma_start3A_75 = tpu.memref_slice %arg2[%mul3A_71, %dma_start3A_74] : memref<160000x128xf32, #tpu.memory_space<hbm>> -> memref<64x128xf32, #tpu.memory_space<hbm>>
    tpu.enqueue_dma source(%dma_start3A_75 : memref<64x128xf32, #tpu.memory_space<hbm>>) target(%arg7 : memref<64x128xf32, #tpu.memory_space<vmem>>) target_semaphore(%arg13 : memref<!tpu.dma_semaphore, #tpu.memory_space<semaphore_mem>>)
    %while3A = arith.constant 0 : i32
    %while3A_76 = arith.constant 0 : i32
    %while3A_77 = arith.subi %sub3A_60, %while3A_76 : i32
    %while3A_78 = arith.addi %while3A_76, %while3A_77 : i32
    %while3A_79 = arith.constant 1 : i32
    %while3A_80 = arith.divsi %while3A_77, %while3A_79 : i32
    %while3A_81 = arith.muli %while3A_80, %while3A_79 : i32
    %while3A_82 = arith.addi %while3A_76, %while3A_81 : i32
    %while3A_83 = arith.constant 1 : i32
    scf.for %while3A_95 = %while3A_76 to %while3A_82 step %while3A_83  : i32 {
      %jit3A_96 = arith.constant 2 : i32
      %eq3A_97 = arith.constant 0 : i32
      %eq3A_98 = arith.cmpi eq, %jit3A_96, %eq3A_97 : i32
      %jit3A_99 = arith.constant 1 : i32
      %select_n3A_100 = arith.select %eq3A_98, %jit3A_99, %jit3A_96 : i32
      %rem3A_101 = arith.remsi %while3A_95, %select_n3A_100 : i32
      %ne3A_102 = arith.constant 0 : i32
      %ne3A_103 = arith.cmpi ne, %rem3A_101, %ne3A_102 : i32
      %lt3A = arith.constant 0 : i32
      %lt3A_104 = arith.cmpi slt, %rem3A_101, %lt3A : i32
      %lt3A_105 = arith.constant 0 : i32
      %lt3A_106 = arith.cmpi slt, %select_n3A_100, %lt3A_105 : i32
      %ne3A_107 = arith.xori %lt3A_104, %lt3A_106 : i1
      %and3A_108 = arith.andi %ne3A_107, %ne3A_103 : i1
      %add3A_109 = arith.addi %rem3A_101, %select_n3A_100 : i32
      %select_n3A_110 = arith.select %and3A_108, %add3A_109, %rem3A_101 : i32
      %add3A_111 = arith.constant 1 : i32
      %add3A_112 = arith.addi %while3A_95, %add3A_111 : i32
      %lt3A_113 = arith.cmpi slt, %add3A_112, %sub3A_60 : i32
      %convert_element_type3A_114 = arith.extui %lt3A_113 : i1 to i32
      %cond3A_115 = arith.constant 0 : i32
      %cond3A_116 = arith.cmpi ne, %convert_element_type3A_114, %cond3A_115 : i32
      scf.if %cond3A_116 {
        %eq3A_127 = arith.constant 0 : i32
        %eq3A_128 = arith.cmpi eq, %select_n3A_110, %eq3A_127 : i32
        %convert_element_type3A_129 = arith.extui %eq3A_128 : i1 to i32
        %cond3A_130 = arith.constant 0 : i32
        %cond3A_131 = arith.cmpi ne, %convert_element_type3A_129, %cond3A_130 : i32
        scf.if %cond3A_131 {
          %add3A_137 = arith.constant 1 : i32
          %add3A_138 = arith.addi %while3A_95, %add3A_137 : i32
          %add3A_139 = arith.addi %select_n3A, %add3A_138 : i32
          %dma_start3A_140 = arith.constant 0 : i32
          %dma_start3A_141 = arith.constant 0 : i32
          %dma_start3A_142 = tpu.memref_slice %arg3[%add3A_139, %dma_start3A_140, %dma_start3A_141] : memref<2500x1x64xi32, #tpu.memory_space<hbm>> -> memref<1x1x64xi32, #tpu.memory_space<hbm>>
          %dma_start3A_143 = tpu.memref_squeeze %dma_start3A_142 : memref<1x1x64xi32, #tpu.memory_space<hbm>> -> memref<1x64xi32, #tpu.memory_space<hbm>>
          %dma_start3A_144 = arith.constant 0 : i32
          %dma_start3A_145 = arith.constant 0 : i32
          %dma_start3A_146 = tpu.memref_slice %arg3[%add3A_139, %dma_start3A_144, %dma_start3A_145] : memref<2500x1x64xi32, #tpu.memory_space<hbm>> -> memref<1x1x64xi32, #tpu.memory_space<hbm>>
          %dma_start3A_147 = tpu.memref_squeeze %dma_start3A_146 : memref<1x1x64xi32, #tpu.memory_space<hbm>> -> memref<1x64xi32, #tpu.memory_space<hbm>>
          tpu.enqueue_dma source(%dma_start3A_147 : memref<1x64xi32, #tpu.memory_space<hbm>>) target(%arg6 : memref<1x64xi32, #tpu.memory_space<vmem>>) target_semaphore(%arg12 : memref<!tpu.dma_semaphore, #tpu.memory_space<semaphore_mem>>)
          %mul3A_148 = arith.constant 64 : i32
          %mul3A_149 = arith.muli %add3A_139, %mul3A_148 : i32
          %dma_start3A_150 = arith.constant 0 : i32
          %dma_start3A_151 = tpu.memref_slice %arg2[%mul3A_149, %dma_start3A_150] : memref<160000x128xf32, #tpu.memory_space<hbm>> -> memref<64x128xf32, #tpu.memory_space<hbm>>
          %dma_start3A_152 = arith.constant 0 : i32
          %dma_start3A_153 = tpu.memref_slice %arg2[%mul3A_149, %dma_start3A_152] : memref<160000x128xf32, #tpu.memory_space<hbm>> -> memref<64x128xf32, #tpu.memory_space<hbm>>
          tpu.enqueue_dma source(%dma_start3A_153 : memref<64x128xf32, #tpu.memory_space<hbm>>) target(%arg8 : memref<64x128xf32, #tpu.memory_space<vmem>>) target_semaphore(%arg14 : memref<!tpu.dma_semaphore, #tpu.memory_space<semaphore_mem>>)
        } else {
        }
        %eq3A_132 = arith.constant 1 : i32
        %eq3A_133 = arith.cmpi eq, %select_n3A_110, %eq3A_132 : i32
        %convert_element_type3A_134 = arith.extui %eq3A_133 : i1 to i32
        %cond3A_135 = arith.constant 0 : i32
        %cond3A_136 = arith.cmpi ne, %convert_element_type3A_134, %cond3A_135 : i32
        scf.if %cond3A_136 {
          %add3A_137 = arith.constant 1 : i32
          %add3A_138 = arith.addi %while3A_95, %add3A_137 : i32
          %add3A_139 = arith.addi %select_n3A, %add3A_138 : i32
          %dma_start3A_140 = arith.constant 0 : i32
          %dma_start3A_141 = arith.constant 0 : i32
          %dma_start3A_142 = tpu.memref_slice %arg3[%add3A_139, %dma_start3A_140, %dma_start3A_141] : memref<2500x1x64xi32, #tpu.memory_space<hbm>> -> memref<1x1x64xi32, #tpu.memory_space<hbm>>
          %dma_start3A_143 = tpu.memref_squeeze %dma_start3A_142 : memref<1x1x64xi32, #tpu.memory_space<hbm>> -> memref<1x64xi32, #tpu.memory_space<hbm>>
          %dma_start3A_144 = arith.constant 0 : i32
          %dma_start3A_145 = arith.constant 0 : i32
          %dma_start3A_146 = tpu.memref_slice %arg3[%add3A_139, %dma_start3A_144, %dma_start3A_145] : memref<2500x1x64xi32, #tpu.memory_space<hbm>> -> memref<1x1x64xi32, #tpu.memory_space<hbm>>
          %dma_start3A_147 = tpu.memref_squeeze %dma_start3A_146 : memref<1x1x64xi32, #tpu.memory_space<hbm>> -> memref<1x64xi32, #tpu.memory_space<hbm>>
          tpu.enqueue_dma source(%dma_start3A_147 : memref<1x64xi32, #tpu.memory_space<hbm>>) target(%arg5 : memref<1x64xi32, #tpu.memory_space<vmem>>) target_semaphore(%arg11 : memref<!tpu.dma_semaphore, #tpu.memory_space<semaphore_mem>>)
          %mul3A_148 = arith.constant 64 : i32
          %mul3A_149 = arith.muli %add3A_139, %mul3A_148 : i32
          %dma_start3A_150 = arith.constant 0 : i32
          %dma_start3A_151 = tpu.memref_slice %arg2[%mul3A_149, %dma_start3A_150] : memref<160000x128xf32, #tpu.memory_space<hbm>> -> memref<64x128xf32, #tpu.memory_space<hbm>>
          %dma_start3A_152 = arith.constant 0 : i32
          %dma_start3A_153 = tpu.memref_slice %arg2[%mul3A_149, %dma_start3A_152] : memref<160000x128xf32, #tpu.memory_space<hbm>> -> memref<64x128xf32, #tpu.memory_space<hbm>>
          tpu.enqueue_dma source(%dma_start3A_153 : memref<64x128xf32, #tpu.memory_space<hbm>>) target(%arg7 : memref<64x128xf32, #tpu.memory_space<vmem>>) target_semaphore(%arg13 : memref<!tpu.dma_semaphore, #tpu.memory_space<semaphore_mem>>)
        } else {
        }
      } else {
      }
      %eq3A_117 = arith.constant 0 : i32
      %eq3A_118 = arith.cmpi eq, %select_n3A_110, %eq3A_117 : i32
      %convert_element_type3A_119 = arith.extui %eq3A_118 : i1 to i32
      %cond3A_120 = arith.constant 0 : i32
      %cond3A_121 = arith.cmpi ne, %convert_element_type3A_119, %cond3A_120 : i32
      scf.if %cond3A_121 {
        %add3A_127 = arith.addi %select_n3A, %while3A_95 : i32
        %dma_wait3A = arith.constant 0 : i32
        %dma_wait3A_128 = arith.constant 0 : i32
        %dma_wait3A_129 = tpu.memref_slice %arg3[%add3A_127, %dma_wait3A, %dma_wait3A_128] : memref<2500x1x64xi32, #tpu.memory_space<hbm>> -> memref<1x1x64xi32, #tpu.memory_space<hbm>>
        %dma_wait3A_130 = tpu.memref_squeeze %dma_wait3A_129 : memref<1x1x64xi32, #tpu.memory_space<hbm>> -> memref<1x64xi32, #tpu.memory_space<hbm>>
        %dma_wait3A_131 = arith.constant 0 : i32
        %dma_wait3A_132 = arith.constant 0 : i32
        %dma_wait3A_133 = tpu.memref_slice %arg3[%add3A_127, %dma_wait3A_131, %dma_wait3A_132] : memref<2500x1x64xi32, #tpu.memory_space<hbm>> -> memref<1x1x64xi32, #tpu.memory_space<hbm>>
        %dma_wait3A_134 = tpu.memref_squeeze %dma_wait3A_133 : memref<1x1x64xi32, #tpu.memory_space<hbm>> -> memref<1x64xi32, #tpu.memory_space<hbm>>
        tpu.wait_dma2 semaphore(%arg11 : memref<!tpu.dma_semaphore, #tpu.memory_space<semaphore_mem>>) src(%dma_wait3A_134 : memref<1x64xi32, #tpu.memory_space<hbm>>) dst(%arg5 : memref<1x64xi32, #tpu.memory_space<vmem>>)
        %mul3A_135 = arith.constant 64 : i32
        %mul3A_136 = arith.muli %add3A_127, %mul3A_135 : i32
        %dma_wait3A_137 = arith.constant 0 : i32
        %dma_wait3A_138 = tpu.memref_slice %arg2[%mul3A_136, %dma_wait3A_137] : memref<160000x128xf32, #tpu.memory_space<hbm>> -> memref<64x128xf32, #tpu.memory_space<hbm>>
        %dma_wait3A_139 = arith.constant 0 : i32
        %dma_wait3A_140 = tpu.memref_slice %arg2[%mul3A_136, %dma_wait3A_139] : memref<160000x128xf32, #tpu.memory_space<hbm>> -> memref<64x128xf32, #tpu.memory_space<hbm>>
        tpu.wait_dma2 semaphore(%arg13 : memref<!tpu.dma_semaphore, #tpu.memory_space<semaphore_mem>>) src(%dma_wait3A_140 : memref<64x128xf32, #tpu.memory_space<hbm>>) dst(%arg7 : memref<64x128xf32, #tpu.memory_space<vmem>>)
        %run_scoped3A = arith.constant 0 : i32
        "tpu.region"() ({
          %run_scoped3A_141 = tpu.sem_alloc : memref<!tpu.dma_semaphore, #tpu.memory_space<semaphore_mem>>
          %dma_start3A_142 = arith.constant 0 : i32
          %dma_start3A_143 = tpu.memref_slice %arg5[%run_scoped3A, %dma_start3A_142] : memref<1x64xi32, #tpu.memory_space<vmem>> -> memref<1x64xi32, #tpu.memory_space<vmem>>
          %dma_start3A_144 = tpu.memref_squeeze %dma_start3A_143 : memref<1x64xi32, #tpu.memory_space<vmem>> -> memref<64xi32, #tpu.memory_space<vmem>>
          %dma_start3A_145 = arith.constant 0 : i32
          %dma_start3A_146 = arith.constant 0 : i32
          %dma_start3A_147 = tpu.memref_slice %arg10[%dma_start3A_145, %dma_start3A_146] : memref<10000x128xf32, #tpu.memory_space<vmem_shared>> -> memref<10000x128xf32, #tpu.memory_space<vmem_shared>>
          tpu.enqueue_indirect_dma source(%arg7 : memref<64x128xf32, #tpu.memory_space<vmem>>) target(%dma_start3A_147 : memref<10000x128xf32, #tpu.memory_space<vmem_shared>>) offsets(%dma_start3A_144 : memref<64xi32, #tpu.memory_space<vmem>>) semaphore(%run_scoped3A_141 : memref<!tpu.dma_semaphore, #tpu.memory_space<semaphore_mem>>) {add = true}
          %dma_wait3A_148 = arith.constant 0 : i32
          %dma_wait3A_149 = tpu.memref_slice %arg5[%run_scoped3A, %dma_wait3A_148] : memref<1x64xi32, #tpu.memory_space<vmem>> -> memref<1x64xi32, #tpu.memory_space<vmem>>
          %dma_wait3A_150 = tpu.memref_squeeze %dma_wait3A_149 : memref<1x64xi32, #tpu.memory_space<vmem>> -> memref<64xi32, #tpu.memory_space<vmem>>
          %dma_wait3A_151 = arith.constant 0 : i32
          %dma_wait3A_152 = arith.constant 0 : i32
          %dma_wait3A_153 = tpu.memref_slice %arg10[%dma_wait3A_151, %dma_wait3A_152] : memref<10000x128xf32, #tpu.memory_space<vmem_shared>> -> memref<10000x128xf32, #tpu.memory_space<vmem_shared>>
          tpu.wait_indirect_dma semaphore(%run_scoped3A_141 : memref<!tpu.dma_semaphore, #tpu.memory_space<semaphore_mem>>) src(%arg7 : memref<64x128xf32, #tpu.memory_space<vmem>>) dst(%dma_wait3A_153 : memref<10000x128xf32, #tpu.memory_space<vmem_shared>>)
          tpu.yield
        }) : () -> ()
      } else {
      }
      %eq3A_122 = arith.constant 1 : i32
      %eq3A_123 = arith.cmpi eq, %select_n3A_110, %eq3A_122 : i32
      %convert_element_type3A_124 = arith.extui %eq3A_123 : i1 to i32
      %cond3A_125 = arith.constant 0 : i32
      %cond3A_126 = arith.cmpi ne, %convert_element_type3A_124, %cond3A_125 : i32
      scf.if %cond3A_126 {
        %add3A_127 = arith.addi %select_n3A, %while3A_95 : i32
        %dma_wait3A = arith.constant 0 : i32
        %dma_wait3A_128 = arith.constant 0 : i32
        %dma_wait3A_129 = tpu.memref_slice %arg3[%add3A_127, %dma_wait3A, %dma_wait3A_128] : memref<2500x1x64xi32, #tpu.memory_space<hbm>> -> memref<1x1x64xi32, #tpu.memory_space<hbm>>
        %dma_wait3A_130 = tpu.memref_squeeze %dma_wait3A_129 : memref<1x1x64xi32, #tpu.memory_space<hbm>> -> memref<1x64xi32, #tpu.memory_space<hbm>>
        %dma_wait3A_131 = arith.constant 0 : i32
        %dma_wait3A_132 = arith.constant 0 : i32
        %dma_wait3A_133 = tpu.memref_slice %arg3[%add3A_127, %dma_wait3A_131, %dma_wait3A_132] : memref<2500x1x64xi32, #tpu.memory_space<hbm>> -> memref<1x1x64xi32, #tpu.memory_space<hbm>>
        %dma_wait3A_134 = tpu.memref_squeeze %dma_wait3A_133 : memref<1x1x64xi32, #tpu.memory_space<hbm>> -> memref<1x64xi32, #tpu.memory_space<hbm>>
        tpu.wait_dma2 semaphore(%arg12 : memref<!tpu.dma_semaphore, #tpu.memory_space<semaphore_mem>>) src(%dma_wait3A_134 : memref<1x64xi32, #tpu.memory_space<hbm>>) dst(%arg6 : memref<1x64xi32, #tpu.memory_space<vmem>>)
        %mul3A_135 = arith.constant 64 : i32
        %mul3A_136 = arith.muli %add3A_127, %mul3A_135 : i32
        %dma_wait3A_137 = arith.constant 0 : i32
        %dma_wait3A_138 = tpu.memref_slice %arg2[%mul3A_136, %dma_wait3A_137] : memref<160000x128xf32, #tpu.memory_space<hbm>> -> memref<64x128xf32, #tpu.memory_space<hbm>>
        %dma_wait3A_139 = arith.constant 0 : i32
        %dma_wait3A_140 = tpu.memref_slice %arg2[%mul3A_136, %dma_wait3A_139] : memref<160000x128xf32, #tpu.memory_space<hbm>> -> memref<64x128xf32, #tpu.memory_space<hbm>>
        tpu.wait_dma2 semaphore(%arg14 : memref<!tpu.dma_semaphore, #tpu.memory_space<semaphore_mem>>) src(%dma_wait3A_140 : memref<64x128xf32, #tpu.memory_space<hbm>>) dst(%arg8 : memref<64x128xf32, #tpu.memory_space<vmem>>)
        %run_scoped3A = arith.constant 0 : i32
        "tpu.region"() ({
          %run_scoped3A_141 = tpu.sem_alloc : memref<!tpu.dma_semaphore, #tpu.memory_space<semaphore_mem>>
          %dma_start3A_142 = arith.constant 0 : i32
          %dma_start3A_143 = tpu.memref_slice %arg6[%run_scoped3A, %dma_start3A_142] : memref<1x64xi32, #tpu.memory_space<vmem>> -> memref<1x64xi32, #tpu.memory_space<vmem>>
          %dma_start3A_144 = tpu.memref_squeeze %dma_start3A_143 : memref<1x64xi32, #tpu.memory_space<vmem>> -> memref<64xi32, #tpu.memory_space<vmem>>
          %dma_start3A_145 = arith.constant 0 : i32
          %dma_start3A_146 = arith.constant 0 : i32
          %dma_start3A_147 = tpu.memref_slice %arg10[%dma_start3A_145, %dma_start3A_146] : memref<10000x128xf32, #tpu.memory_space<vmem_shared>> -> memref<10000x128xf32, #tpu.memory_space<vmem_shared>>
          tpu.enqueue_indirect_dma source(%arg8 : memref<64x128xf32, #tpu.memory_space<vmem>>) target(%dma_start3A_147 : memref<10000x128xf32, #tpu.memory_space<vmem_shared>>) offsets(%dma_start3A_144 : memref<64xi32, #tpu.memory_space<vmem>>) semaphore(%run_scoped3A_141 : memref<!tpu.dma_semaphore, #tpu.memory_space<semaphore_mem>>) {add = true}
          %dma_wait3A_148 = arith.constant 0 : i32
          %dma_wait3A_149 = tpu.memref_slice %arg6[%run_scoped3A, %dma_wait3A_148] : memref<1x64xi32, #tpu.memory_space<vmem>> -> memref<1x64xi32, #tpu.memory_space<vmem>>
          %dma_wait3A_150 = tpu.memref_squeeze %dma_wait3A_149 : memref<1x64xi32, #tpu.memory_space<vmem>> -> memref<64xi32, #tpu.memory_space<vmem>>
          %dma_wait3A_151 = arith.constant 0 : i32
          %dma_wait3A_152 = arith.constant 0 : i32
          %dma_wait3A_153 = tpu.memref_slice %arg10[%dma_wait3A_151, %dma_wait3A_152] : memref<10000x128xf32, #tpu.memory_space<vmem_shared>> -> memref<10000x128xf32, #tpu.memory_space<vmem_shared>>
          tpu.wait_indirect_dma semaphore(%run_scoped3A_141 : memref<!tpu.dma_semaphore, #tpu.memory_space<semaphore_mem>>) src(%arg8 : memref<64x128xf32, #tpu.memory_space<vmem>>) dst(%dma_wait3A_153 : memref<10000x128xf32, #tpu.memory_space<vmem_shared>>)
          tpu.yield
        }) : () -> ()
      } else {
      }
    }
    %while3A_84 = arith.constant 1 : i32
    scf.for %while3A_95 = %while3A_82 to %while3A_78 step %while3A_84  : i32 {
      %jit3A_96 = arith.constant 2 : i32
      %eq3A_97 = arith.constant 0 : i32
      %eq3A_98 = arith.cmpi eq, %jit3A_96, %eq3A_97 : i32
      %jit3A_99 = arith.constant 1 : i32
      %select_n3A_100 = arith.select %eq3A_98, %jit3A_99, %jit3A_96 : i32
      %rem3A_101 = arith.remsi %while3A_95, %select_n3A_100 : i32
      %ne3A_102 = arith.constant 0 : i32
      %ne3A_103 = arith.cmpi ne, %rem3A_101, %ne3A_102 : i32
      %lt3A = arith.constant 0 : i32
      %lt3A_104 = arith.cmpi slt, %rem3A_101, %lt3A : i32
      %lt3A_105 = arith.constant 0 : i32
      %lt3A_106 = arith.cmpi slt, %select_n3A_100, %lt3A_105 : i32
      %ne3A_107 = arith.xori %lt3A_104, %lt3A_106 : i1
      %and3A_108 = arith.andi %ne3A_107, %ne3A_103 : i1
      %add3A_109 = arith.addi %rem3A_101, %select_n3A_100 : i32
      %select_n3A_110 = arith.select %and3A_108, %add3A_109, %rem3A_101 : i32
      %add3A_111 = arith.constant 1 : i32
      %add3A_112 = arith.addi %while3A_95, %add3A_111 : i32
      %lt3A_113 = arith.cmpi slt, %add3A_112, %sub3A_60 : i32
      %convert_element_type3A_114 = arith.extui %lt3A_113 : i1 to i32
      %cond3A_115 = arith.constant 0 : i32
      %cond3A_116 = arith.cmpi ne, %convert_element_type3A_114, %cond3A_115 : i32
      scf.if %cond3A_116 {
        %eq3A_127 = arith.constant 0 : i32
        %eq3A_128 = arith.cmpi eq, %select_n3A_110, %eq3A_127 : i32
        %convert_element_type3A_129 = arith.extui %eq3A_128 : i1 to i32
        %cond3A_130 = arith.constant 0 : i32
        %cond3A_131 = arith.cmpi ne, %convert_element_type3A_129, %cond3A_130 : i32
        scf.if %cond3A_131 {
          %add3A_137 = arith.constant 1 : i32
          %add3A_138 = arith.addi %while3A_95, %add3A_137 : i32
          %add3A_139 = arith.addi %select_n3A, %add3A_138 : i32
          %dma_start3A_140 = arith.constant 0 : i32
          %dma_start3A_141 = arith.constant 0 : i32
          %dma_start3A_142 = tpu.memref_slice %arg3[%add3A_139, %dma_start3A_140, %dma_start3A_141] : memref<2500x1x64xi32, #tpu.memory_space<hbm>> -> memref<1x1x64xi32, #tpu.memory_space<hbm>>
          %dma_start3A_143 = tpu.memref_squeeze %dma_start3A_142 : memref<1x1x64xi32, #tpu.memory_space<hbm>> -> memref<1x64xi32, #tpu.memory_space<hbm>>
          %dma_start3A_144 = arith.constant 0 : i32
          %dma_start3A_145 = arith.constant 0 : i32
          %dma_start3A_146 = tpu.memref_slice %arg3[%add3A_139, %dma_start3A_144, %dma_start3A_145] : memref<2500x1x64xi32, #tpu.memory_space<hbm>> -> memref<1x1x64xi32, #tpu.memory_space<hbm>>
          %dma_start3A_147 = tpu.memref_squeeze %dma_start3A_146 : memref<1x1x64xi32, #tpu.memory_space<hbm>> -> memref<1x64xi32, #tpu.memory_space<hbm>>
          tpu.enqueue_dma source(%dma_start3A_147 : memref<1x64xi32, #tpu.memory_space<hbm>>) target(%arg6 : memref<1x64xi32, #tpu.memory_space<vmem>>) target_semaphore(%arg12 : memref<!tpu.dma_semaphore, #tpu.memory_space<semaphore_mem>>)
          %mul3A_148 = arith.constant 64 : i32
          %mul3A_149 = arith.muli %add3A_139, %mul3A_148 : i32
          %dma_start3A_150 = arith.constant 0 : i32
          %dma_start3A_151 = tpu.memref_slice %arg2[%mul3A_149, %dma_start3A_150] : memref<160000x128xf32, #tpu.memory_space<hbm>> -> memref<64x128xf32, #tpu.memory_space<hbm>>
          %dma_start3A_152 = arith.constant 0 : i32
          %dma_start3A_153 = tpu.memref_slice %arg2[%mul3A_149, %dma_start3A_152] : memref<160000x128xf32, #tpu.memory_space<hbm>> -> memref<64x128xf32, #tpu.memory_space<hbm>>
          tpu.enqueue_dma source(%dma_start3A_153 : memref<64x128xf32, #tpu.memory_space<hbm>>) target(%arg8 : memref<64x128xf32, #tpu.memory_space<vmem>>) target_semaphore(%arg14 : memref<!tpu.dma_semaphore, #tpu.memory_space<semaphore_mem>>)
        } else {
        }
        %eq3A_132 = arith.constant 1 : i32
        %eq3A_133 = arith.cmpi eq, %select_n3A_110, %eq3A_132 : i32
        %convert_element_type3A_134 = arith.extui %eq3A_133 : i1 to i32
        %cond3A_135 = arith.constant 0 : i32
        %cond3A_136 = arith.cmpi ne, %convert_element_type3A_134, %cond3A_135 : i32
        scf.if %cond3A_136 {
          %add3A_137 = arith.constant 1 : i32
          %add3A_138 = arith.addi %while3A_95, %add3A_137 : i32
          %add3A_139 = arith.addi %select_n3A, %add3A_138 : i32
          %dma_start3A_140 = arith.constant 0 : i32
          %dma_start3A_141 = arith.constant 0 : i32
          %dma_start3A_142 = tpu.memref_slice %arg3[%add3A_139, %dma_start3A_140, %dma_start3A_141] : memref<2500x1x64xi32, #tpu.memory_space<hbm>> -> memref<1x1x64xi32, #tpu.memory_space<hbm>>
          %dma_start3A_143 = tpu.memref_squeeze %dma_start3A_142 : memref<1x1x64xi32, #tpu.memory_space<hbm>> -> memref<1x64xi32, #tpu.memory_space<hbm>>
          %dma_start3A_144 = arith.constant 0 : i32
          %dma_start3A_145 = arith.constant 0 : i32
          %dma_start3A_146 = tpu.memref_slice %arg3[%add3A_139, %dma_start3A_144, %dma_start3A_145] : memref<2500x1x64xi32, #tpu.memory_space<hbm>> -> memref<1x1x64xi32, #tpu.memory_space<hbm>>
          %dma_start3A_147 = tpu.memref_squeeze %dma_start3A_146 : memref<1x1x64xi32, #tpu.memory_space<hbm>> -> memref<1x64xi32, #tpu.memory_space<hbm>>
          tpu.enqueue_dma source(%dma_start3A_147 : memref<1x64xi32, #tpu.memory_space<hbm>>) target(%arg5 : memref<1x64xi32, #tpu.memory_space<vmem>>) target_semaphore(%arg11 : memref<!tpu.dma_semaphore, #tpu.memory_space<semaphore_mem>>)
          %mul3A_148 = arith.constant 64 : i32
          %mul3A_149 = arith.muli %add3A_139, %mul3A_148 : i32
          %dma_start3A_150 = arith.constant 0 : i32
          %dma_start3A_151 = tpu.memref_slice %arg2[%mul3A_149, %dma_start3A_150] : memref<160000x128xf32, #tpu.memory_space<hbm>> -> memref<64x128xf32, #tpu.memory_space<hbm>>
          %dma_start3A_152 = arith.constant 0 : i32
          %dma_start3A_153 = tpu.memref_slice %arg2[%mul3A_149, %dma_start3A_152] : memref<160000x128xf32, #tpu.memory_space<hbm>> -> memref<64x128xf32, #tpu.memory_space<hbm>>
          tpu.enqueue_dma source(%dma_start3A_153 : memref<64x128xf32, #tpu.memory_space<hbm>>) target(%arg7 : memref<64x128xf32, #tpu.memory_space<vmem>>) target_semaphore(%arg13 : memref<!tpu.dma_semaphore, #tpu.memory_space<semaphore_mem>>)
        } else {
        }
      } else {
      }
      %eq3A_117 = arith.constant 0 : i32
      %eq3A_118 = arith.cmpi eq, %select_n3A_110, %eq3A_117 : i32
      %convert_element_type3A_119 = arith.extui %eq3A_118 : i1 to i32
      %cond3A_120 = arith.constant 0 : i32
      %cond3A_121 = arith.cmpi ne, %convert_element_type3A_119, %cond3A_120 : i32
      scf.if %cond3A_121 {
        %add3A_127 = arith.addi %select_n3A, %while3A_95 : i32
        %dma_wait3A = arith.constant 0 : i32
        %dma_wait3A_128 = arith.constant 0 : i32
        %dma_wait3A_129 = tpu.memref_slice %arg3[%add3A_127, %dma_wait3A, %dma_wait3A_128] : memref<2500x1x64xi32, #tpu.memory_space<hbm>> -> memref<1x1x64xi32, #tpu.memory_space<hbm>>
        %dma_wait3A_130 = tpu.memref_squeeze %dma_wait3A_129 : memref<1x1x64xi32, #tpu.memory_space<hbm>> -> memref<1x64xi32, #tpu.memory_space<hbm>>
        %dma_wait3A_131 = arith.constant 0 : i32
        %dma_wait3A_132 = arith.constant 0 : i32
        %dma_wait3A_133 = tpu.memref_slice %arg3[%add3A_127, %dma_wait3A_131, %dma_wait3A_132] : memref<2500x1x64xi32, #tpu.memory_space<hbm>> -> memref<1x1x64xi32, #tpu.memory_space<hbm>>
        %dma_wait3A_134 = tpu.memref_squeeze %dma_wait3A_133 : memref<1x1x64xi32, #tpu.memory_space<hbm>> -> memref<1x64xi32, #tpu.memory_space<hbm>>
        tpu.wait_dma2 semaphore(%arg11 : memref<!tpu.dma_semaphore, #tpu.memory_space<semaphore_mem>>) src(%dma_wait3A_134 : memref<1x64xi32, #tpu.memory_space<hbm>>) dst(%arg5 : memref<1x64xi32, #tpu.memory_space<vmem>>)
        %mul3A_135 = arith.constant 64 : i32
        %mul3A_136 = arith.muli %add3A_127, %mul3A_135 : i32
        %dma_wait3A_137 = arith.constant 0 : i32
        %dma_wait3A_138 = tpu.memref_slice %arg2[%mul3A_136, %dma_wait3A_137] : memref<160000x128xf32, #tpu.memory_space<hbm>> -> memref<64x128xf32, #tpu.memory_space<hbm>>
        %dma_wait3A_139 = arith.constant 0 : i32
        %dma_wait3A_140 = tpu.memref_slice %arg2[%mul3A_136, %dma_wait3A_139] : memref<160000x128xf32, #tpu.memory_space<hbm>> -> memref<64x128xf32, #tpu.memory_space<hbm>>
        tpu.wait_dma2 semaphore(%arg13 : memref<!tpu.dma_semaphore, #tpu.memory_space<semaphore_mem>>) src(%dma_wait3A_140 : memref<64x128xf32, #tpu.memory_space<hbm>>) dst(%arg7 : memref<64x128xf32, #tpu.memory_space<vmem>>)
        %run_scoped3A = arith.constant 0 : i32
        "tpu.region"() ({
          %run_scoped3A_141 = tpu.sem_alloc : memref<!tpu.dma_semaphore, #tpu.memory_space<semaphore_mem>>
          %dma_start3A_142 = arith.constant 0 : i32
          %dma_start3A_143 = tpu.memref_slice %arg5[%run_scoped3A, %dma_start3A_142] : memref<1x64xi32, #tpu.memory_space<vmem>> -> memref<1x64xi32, #tpu.memory_space<vmem>>
          %dma_start3A_144 = tpu.memref_squeeze %dma_start3A_143 : memref<1x64xi32, #tpu.memory_space<vmem>> -> memref<64xi32, #tpu.memory_space<vmem>>
          %dma_start3A_145 = arith.constant 0 : i32
          %dma_start3A_146 = arith.constant 0 : i32
          %dma_start3A_147 = tpu.memref_slice %arg10[%dma_start3A_145, %dma_start3A_146] : memref<10000x128xf32, #tpu.memory_space<vmem_shared>> -> memref<10000x128xf32, #tpu.memory_space<vmem_shared>>
          tpu.enqueue_indirect_dma source(%arg7 : memref<64x128xf32, #tpu.memory_space<vmem>>) target(%dma_start3A_147 : memref<10000x128xf32, #tpu.memory_space<vmem_shared>>) offsets(%dma_start3A_144 : memref<64xi32, #tpu.memory_space<vmem>>) semaphore(%run_scoped3A_141 : memref<!tpu.dma_semaphore, #tpu.memory_space<semaphore_mem>>) {add = true}
          %dma_wait3A_148 = arith.constant 0 : i32
          %dma_wait3A_149 = tpu.memref_slice %arg5[%run_scoped3A, %dma_wait3A_148] : memref<1x64xi32, #tpu.memory_space<vmem>> -> memref<1x64xi32, #tpu.memory_space<vmem>>
          %dma_wait3A_150 = tpu.memref_squeeze %dma_wait3A_149 : memref<1x64xi32, #tpu.memory_space<vmem>> -> memref<64xi32, #tpu.memory_space<vmem>>
          %dma_wait3A_151 = arith.constant 0 : i32
          %dma_wait3A_152 = arith.constant 0 : i32
          %dma_wait3A_153 = tpu.memref_slice %arg10[%dma_wait3A_151, %dma_wait3A_152] : memref<10000x128xf32, #tpu.memory_space<vmem_shared>> -> memref<10000x128xf32, #tpu.memory_space<vmem_shared>>
          tpu.wait_indirect_dma semaphore(%run_scoped3A_141 : memref<!tpu.dma_semaphore, #tpu.memory_space<semaphore_mem>>) src(%arg7 : memref<64x128xf32, #tpu.memory_space<vmem>>) dst(%dma_wait3A_153 : memref<10000x128xf32, #tpu.memory_space<vmem_shared>>)
          tpu.yield
        }) : () -> ()
      } else {
      }
      %eq3A_122 = arith.constant 1 : i32
      %eq3A_123 = arith.cmpi eq, %select_n3A_110, %eq3A_122 : i32
      %convert_element_type3A_124 = arith.extui %eq3A_123 : i1 to i32
      %cond3A_125 = arith.constant 0 : i32
      %cond3A_126 = arith.cmpi ne, %convert_element_type3A_124, %cond3A_125 : i32
      scf.if %cond3A_126 {
        %add3A_127 = arith.addi %select_n3A, %while3A_95 : i32
        %dma_wait3A = arith.constant 0 : i32
        %dma_wait3A_128 = arith.constant 0 : i32
        %dma_wait3A_129 = tpu.memref_slice %arg3[%add3A_127, %dma_wait3A, %dma_wait3A_128] : memref<2500x1x64xi32, #tpu.memory_space<hbm>> -> memref<1x1x64xi32, #tpu.memory_space<hbm>>
        %dma_wait3A_130 = tpu.memref_squeeze %dma_wait3A_129 : memref<1x1x64xi32, #tpu.memory_space<hbm>> -> memref<1x64xi32, #tpu.memory_space<hbm>>
        %dma_wait3A_131 = arith.constant 0 : i32
        %dma_wait3A_132 = arith.constant 0 : i32
        %dma_wait3A_133 = tpu.memref_slice %arg3[%add3A_127, %dma_wait3A_131, %dma_wait3A_132] : memref<2500x1x64xi32, #tpu.memory_space<hbm>> -> memref<1x1x64xi32, #tpu.memory_space<hbm>>
        %dma_wait3A_134 = tpu.memref_squeeze %dma_wait3A_133 : memref<1x1x64xi32, #tpu.memory_space<hbm>> -> memref<1x64xi32, #tpu.memory_space<hbm>>
        tpu.wait_dma2 semaphore(%arg12 : memref<!tpu.dma_semaphore, #tpu.memory_space<semaphore_mem>>) src(%dma_wait3A_134 : memref<1x64xi32, #tpu.memory_space<hbm>>) dst(%arg6 : memref<1x64xi32, #tpu.memory_space<vmem>>)
        %mul3A_135 = arith.constant 64 : i32
        %mul3A_136 = arith.muli %add3A_127, %mul3A_135 : i32
        %dma_wait3A_137 = arith.constant 0 : i32
        %dma_wait3A_138 = tpu.memref_slice %arg2[%mul3A_136, %dma_wait3A_137] : memref<160000x128xf32, #tpu.memory_space<hbm>> -> memref<64x128xf32, #tpu.memory_space<hbm>>
        %dma_wait3A_139 = arith.constant 0 : i32
        %dma_wait3A_140 = tpu.memref_slice %arg2[%mul3A_136, %dma_wait3A_139] : memref<160000x128xf32, #tpu.memory_space<hbm>> -> memref<64x128xf32, #tpu.memory_space<hbm>>
        tpu.wait_dma2 semaphore(%arg14 : memref<!tpu.dma_semaphore, #tpu.memory_space<semaphore_mem>>) src(%dma_wait3A_140 : memref<64x128xf32, #tpu.memory_space<hbm>>) dst(%arg8 : memref<64x128xf32, #tpu.memory_space<vmem>>)
        %run_scoped3A = arith.constant 0 : i32
        "tpu.region"() ({
          %run_scoped3A_141 = tpu.sem_alloc : memref<!tpu.dma_semaphore, #tpu.memory_space<semaphore_mem>>
          %dma_start3A_142 = arith.constant 0 : i32
          %dma_start3A_143 = tpu.memref_slice %arg6[%run_scoped3A, %dma_start3A_142] : memref<1x64xi32, #tpu.memory_space<vmem>> -> memref<1x64xi32, #tpu.memory_space<vmem>>
          %dma_start3A_144 = tpu.memref_squeeze %dma_start3A_143 : memref<1x64xi32, #tpu.memory_space<vmem>> -> memref<64xi32, #tpu.memory_space<vmem>>
          %dma_start3A_145 = arith.constant 0 : i32
          %dma_start3A_146 = arith.constant 0 : i32
          %dma_start3A_147 = tpu.memref_slice %arg10[%dma_start3A_145, %dma_start3A_146] : memref<10000x128xf32, #tpu.memory_space<vmem_shared>> -> memref<10000x128xf32, #tpu.memory_space<vmem_shared>>
          tpu.enqueue_indirect_dma source(%arg8 : memref<64x128xf32, #tpu.memory_space<vmem>>) target(%dma_start3A_147 : memref<10000x128xf32, #tpu.memory_space<vmem_shared>>) offsets(%dma_start3A_144 : memref<64xi32, #tpu.memory_space<vmem>>) semaphore(%run_scoped3A_141 : memref<!tpu.dma_semaphore, #tpu.memory_space<semaphore_mem>>) {add = true}
          %dma_wait3A_148 = arith.constant 0 : i32
          %dma_wait3A_149 = tpu.memref_slice %arg6[%run_scoped3A, %dma_wait3A_148] : memref<1x64xi32, #tpu.memory_space<vmem>> -> memref<1x64xi32, #tpu.memory_space<vmem>>
          %dma_wait3A_150 = tpu.memref_squeeze %dma_wait3A_149 : memref<1x64xi32, #tpu.memory_space<vmem>> -> memref<64xi32, #tpu.memory_space<vmem>>
          %dma_wait3A_151 = arith.constant 0 : i32
          %dma_wait3A_152 = arith.constant 0 : i32
          %dma_wait3A_153 = tpu.memref_slice %arg10[%dma_wait3A_151, %dma_wait3A_152] : memref<10000x128xf32, #tpu.memory_space<vmem_shared>> -> memref<10000x128xf32, #tpu.memory_space<vmem_shared>>
          tpu.wait_indirect_dma semaphore(%run_scoped3A_141 : memref<!tpu.dma_semaphore, #tpu.memory_space<semaphore_mem>>) src(%arg8 : memref<64x128xf32, #tpu.memory_space<vmem>>) dst(%dma_wait3A_153 : memref<10000x128xf32, #tpu.memory_space<vmem_shared>>)
          tpu.yield
        }) : () -> ()
      } else {
      }
    }
    %barrier3A_85 = arith.constant 0 : index
    tpu.barrier barrier_id(%barrier3A_85)
    %mul3A_86 = arith.constant 624 : i32
    %mul3A_87 = arith.muli %arg1, %mul3A_86 : i32
    %mul3A_88 = arith.constant 624 : i32
    %mul3A_89 = arith.muli %arg1, %mul3A_88 : i32
    "tpu.region"() ({
      %run_scoped3A = tpu.sem_alloc : memref<!tpu.dma_semaphore, #tpu.memory_space<semaphore_mem>>
      %dma_start3A_95 = arith.constant 0 : i32
      %dma_start3A_96 = tpu.memref_slice %arg4[%arg0, %mul3A_89, %dma_start3A_95] : memref<2x10000x128xf32, #tpu.memory_space<hbm>> -> memref<1x624x128xf32, #tpu.memory_space<hbm>>
      %dma_start3A_97 = tpu.memref_squeeze %dma_start3A_96 : memref<1x624x128xf32, #tpu.memory_space<hbm>> -> memref<624x128xf32, #tpu.memory_space<hbm>>
      %dma_start3A_98 = arith.constant 0 : i32
      %dma_start3A_99 = tpu.memref_slice %arg10[%mul3A_87, %dma_start3A_98] : memref<10000x128xf32, #tpu.memory_space<vmem_shared>> -> memref<624x128xf32, #tpu.memory_space<vmem_shared>>
      tpu.enqueue_dma source(%dma_start3A_99 : memref<624x128xf32, #tpu.memory_space<vmem_shared>>) target(%dma_start3A_97 : memref<624x128xf32, #tpu.memory_space<hbm>>) target_semaphore(%run_scoped3A : memref<!tpu.dma_semaphore, #tpu.memory_space<semaphore_mem>>)
      %dma_wait3A = arith.constant 0 : i32
      %dma_wait3A_100 = tpu.memref_slice %arg4[%arg0, %mul3A_89, %dma_wait3A] : memref<2x10000x128xf32, #tpu.memory_space<hbm>> -> memref<1x624x128xf32, #tpu.memory_space<hbm>>
      %dma_wait3A_101 = tpu.memref_squeeze %dma_wait3A_100 : memref<1x624x128xf32, #tpu.memory_space<hbm>> -> memref<624x128xf32, #tpu.memory_space<hbm>>
      %dma_wait3A_102 = arith.constant 0 : i32
      %dma_wait3A_103 = tpu.memref_slice %arg10[%mul3A_87, %dma_wait3A_102] : memref<10000x128xf32, #tpu.memory_space<vmem_shared>> -> memref<624x128xf32, #tpu.memory_space<vmem_shared>>
      tpu.wait_dma2 semaphore(%run_scoped3A : memref<!tpu.dma_semaphore, #tpu.memory_space<semaphore_mem>>) src(%dma_wait3A_103 : memref<624x128xf32, #tpu.memory_space<vmem_shared>>) dst(%dma_wait3A_101 : memref<624x128xf32, #tpu.memory_space<hbm>>)
      tpu.yield
    }) : () -> ()
    %eq3A_90 = arith.constant 0 : i32
    %eq3A_91 = arith.cmpi eq, %arg1, %eq3A_90 : i32
    %convert_element_type3A_92 = arith.extui %eq3A_91 : i1 to i32
    %cond3A_93 = arith.constant 0 : i32
    %cond3A_94 = arith.cmpi ne, %convert_element_type3A_92, %cond3A_93 : i32
    scf.if %cond3A_94 {
      "tpu.region"() ({
        %run_scoped3A = tpu.sem_alloc : memref<!tpu.dma_semaphore, #tpu.memory_space<semaphore_mem>>
        %dma_start3A_95 = arith.constant 9984 : i32
        %dma_start3A_96 = arith.constant 0 : i32
        %dma_start3A_97 = tpu.memref_slice %arg4[%arg0, %dma_start3A_95, %dma_start3A_96] : memref<2x10000x128xf32, #tpu.memory_space<hbm>> -> memref<1x16x128xf32, #tpu.memory_space<hbm>>
        %dma_start3A_98 = tpu.memref_squeeze %dma_start3A_97 : memref<1x16x128xf32, #tpu.memory_space<hbm>> -> memref<16x128xf32, #tpu.memory_space<hbm>>
        %dma_start3A_99 = arith.constant 9984 : i32
        %dma_start3A_100 = arith.constant 0 : i32
        %dma_start3A_101 = tpu.memref_slice %arg10[%dma_start3A_99, %dma_start3A_100] : memref<10000x128xf32, #tpu.memory_space<vmem_shared>> -> memref<16x128xf32, #tpu.memory_space<vmem_shared>>
        tpu.enqueue_dma source(%dma_start3A_101 : memref<16x128xf32, #tpu.memory_space<vmem_shared>>) target(%dma_start3A_98 : memref<16x128xf32, #tpu.memory_space<hbm>>) target_semaphore(%run_scoped3A : memref<!tpu.dma_semaphore, #tpu.memory_space<semaphore_mem>>)
        %dma_wait3A = arith.constant 9984 : i32
        %dma_wait3A_102 = arith.constant 0 : i32
        %dma_wait3A_103 = tpu.memref_slice %arg4[%arg0, %dma_wait3A, %dma_wait3A_102] : memref<2x10000x128xf32, #tpu.memory_space<hbm>> -> memref<1x16x128xf32, #tpu.memory_space<hbm>>
        %dma_wait3A_104 = tpu.memref_squeeze %dma_wait3A_103 : memref<1x16x128xf32, #tpu.memory_space<hbm>> -> memref<16x128xf32, #tpu.memory_space<hbm>>
        %dma_wait3A_105 = arith.constant 9984 : i32
        %dma_wait3A_106 = arith.constant 0 : i32
        %dma_wait3A_107 = tpu.memref_slice %arg10[%dma_wait3A_105, %dma_wait3A_106] : memref<10000x128xf32, #tpu.memory_space<vmem_shared>> -> memref<16x128xf32, #tpu.memory_space<vmem_shared>>
        tpu.wait_dma2 semaphore(%run_scoped3A : memref<!tpu.dma_semaphore, #tpu.memory_space<semaphore_mem>>) src(%dma_wait3A_107 : memref<16x128xf32, #tpu.memory_space<vmem_shared>>) dst(%dma_wait3A_104 : memref<16x128xf32, #tpu.memory_space<hbm>>)
        tpu.yield
      }) : () -> ()
    } else {
    }
    return
  }
}

module attributes {stable_mosaic.version = 14 : i64} {
  func.func @_pre_body(%arg0: i32, %arg1: memref<400x256xf32, #tpu.memory_space<vmem>>, %arg2: memref<400x1xf32, #tpu.memory_space<vmem>>, %arg3: memref<4x32xf32, #tpu.memory_space<vmem>>, %arg4: memref<560x512xf32, #tpu.memory_space<vmem>>, %arg5: memref<1x512xf32, #tpu.memory_space<vmem>>, %arg6: memref<400x256xf32, #tpu.memory_space<vmem>>, %arg7: memref<400x256xf32, #tpu.memory_space<vmem>>) attributes {dimension_semantics = [#tpu.dimension_semantics<arbitrary>], iteration_bounds = array<i64: 25>, scalar_prefetch = 0 : i64, scratch_operands = 0 : i64, tpu.core_type = #tpu.core_type<tc>, window_params = [{transform_indices = @transform_0, window_bounds = array<i64: 400, 256>}, {transform_indices = @transform_1, window_bounds = array<i64: 400, 1>}, {pipeline_mode = #tpu.pipeline_mode<synchronous>, transform_indices = @transform_2, window_bounds = array<i64: 4, 32>}, {pipeline_mode = #tpu.pipeline_mode<synchronous>, transform_indices = @transform_3, window_bounds = array<i64: 560, 512>}, {pipeline_mode = #tpu.pipeline_mode<synchronous>, transform_indices = @transform_4, window_bounds = array<i64: 1, 512>}, {transform_indices = @transform_5, window_bounds = array<i64: 400, 256>}, {transform_indices = @transform_6, window_bounds = array<i64: 400, 256>}]} {
    %get3A = arith.constant 0 : index
    %get3A_0 = arith.constant 0 : index
    %get3A_1 = vector.load %arg1[%get3A, %get3A_0] : memref<400x256xf32, #tpu.memory_space<vmem>>, vector<400x256xf32>
    %get3A_2 = arith.constant 0 : index
    %get3A_3 = arith.constant 0 : index
    %get3A_4 = vector.load %arg4[%get3A_2, %get3A_3] : memref<560x512xf32, #tpu.memory_space<vmem>>, vector<256x512xf32>
    %get3A_5 = arith.constant 256 : index
    %get3A_6 = arith.constant 0 : index
    %get3A_7 = vector.load %arg4[%get3A_5, %get3A_6] : memref<560x512xf32, #tpu.memory_space<vmem>>, vector<256x512xf32>
    %get3A_8 = arith.constant 528 : index
    %get3A_9 = arith.constant 0 : index
    %get3A_10 = vector.load %arg4[%get3A_8, %get3A_9] : memref<560x512xf32, #tpu.memory_space<vmem>>, vector<32x512xf32>
    %get3A_11 = arith.constant 0 : index
    %get3A_12 = arith.constant 0 : index
    %get3A_13 = vector.load %arg3[%get3A_11, %get3A_12] : memref<4x32xf32, #tpu.memory_space<vmem>>, vector<4x32xf32>
    %dot_general3A = arith.constant dense<0.000000e+00> : vector<4x512xf32>
    %dot_general3A_14 = tpu.matmul %get3A_13, %get3A_10, %dot_general3A {dimension_numbers = #tpu.dot_dimension_numbers<[1], [0], [0], [1], [0, 0, 1, 1], [], []>, transpose_lhs_hint = false} : vector<4x32xf32>, vector<32x512xf32>, vector<4x512xf32> -> vector<4x512xf32>
    %get3A_15 = arith.constant 0 : index
    %get3A_16 = arith.constant 0 : index
    %get3A_17 = vector.load %arg2[%get3A_15, %get3A_16] : memref<400x1xf32, #tpu.memory_space<vmem>>, vector<400x1xf32>
    %iota3A = tpu.iota {dimensions = array<i32: 1>} : vector<1x4xi32>
    %convert_element_type3A = arith.sitofp %iota3A : vector<1x4xi32> to vector<1x4xf32>
    %eq3A = vector.broadcast %get3A_17 : vector<400x1xf32> to vector<400x4xf32>
    %eq3A_18 = vector.broadcast %convert_element_type3A : vector<1x4xf32> to vector<400x4xf32>
    %eq3A_19 = arith.cmpf oeq, %eq3A, %eq3A_18 : vector<400x4xf32>
    %convert_element_type3A_20 = arith.extui %eq3A_19 : vector<400x4xi1> to vector<400x4xi32>
    %convert_element_type3A_21 = arith.sitofp %convert_element_type3A_20 : vector<400x4xi32> to vector<400x4xf32>
    %dot_general3A_22 = arith.constant dense<0.000000e+00> : vector<400x512xf32>
    %dot_general3A_23 = tpu.matmul %get3A_1, %get3A_4, %dot_general3A_22 {dimension_numbers = #tpu.dot_dimension_numbers<[1], [0], [0], [1], [0, 0, 1, 1], [], []>, transpose_lhs_hint = false} : vector<400x256xf32>, vector<256x512xf32>, vector<400x512xf32> -> vector<400x512xf32>
    %dot_general3A_24 = arith.constant dense<0.000000e+00> : vector<400x512xf32>
    %dot_general3A_25 = tpu.matmul %convert_element_type3A_21, %dot_general3A_14, %dot_general3A_24 {dimension_numbers = #tpu.dot_dimension_numbers<[1], [0], [0], [1], [0, 0, 1, 1], [], []>, transpose_lhs_hint = false} : vector<400x4xf32>, vector<4x512xf32>, vector<400x512xf32> -> vector<400x512xf32>
    %add3A = arith.addf %dot_general3A_23, %dot_general3A_25 : vector<400x512xf32>
    %get3A_26 = arith.constant 0 : index
    %get3A_27 = arith.constant 0 : index
    %get3A_28 = vector.load %arg5[%get3A_26, %get3A_27] : memref<1x512xf32, #tpu.memory_space<vmem>>, vector<1x512xf32>
    %add3A_29 = vector.broadcast %get3A_28 : vector<1x512xf32> to vector<400x512xf32>
    %add3A_30 = arith.addf %add3A, %add3A_29 : vector<400x512xf32>
    %convert_element_type3A_31 = arith.truncf %add3A_30 : vector<400x512xf32> to vector<400x512xbf16>
    %slice3A = vector.extract_strided_slice %convert_element_type3A_31 {offsets = [0, 0], sizes = [400, 256], strides = [1, 1]} : vector<400x512xbf16> to vector<400x256xbf16>
    %bitcast_convert_type3A = tpu.bitcast %slice3A : vector<400x256xbf16> -> vector<400x256xi16>
    %convert_element_type3A_32 = arith.extui %bitcast_convert_type3A : vector<400x256xi16> to vector<400x256xi32>
    %slice3A_33 = vector.extract_strided_slice %convert_element_type3A_31 {offsets = [0, 256], sizes = [400, 256], strides = [1, 1]} : vector<400x512xbf16> to vector<400x256xbf16>
    %bitcast_convert_type3A_34 = tpu.bitcast %slice3A_33 : vector<400x256xbf16> -> vector<400x256xi16>
    %convert_element_type3A_35 = arith.extui %bitcast_convert_type3A_34 : vector<400x256xi16> to vector<400x256xi32>
    %shift_left3A = arith.constant 16 : i32
    %shift_left3A_36 = vector.broadcast %shift_left3A : i32 to vector<400x256xi32>
    %shift_left3A_37 = arith.shli %convert_element_type3A_35, %shift_left3A_36 : vector<400x256xi32>
    %or3A = arith.ori %convert_element_type3A_32, %shift_left3A_37 : vector<400x256xi32>
    %bitcast_convert_type3A_38 = tpu.bitcast %or3A : vector<400x256xi32> -> vector<400x256xf32>
    %swap3A = arith.constant 0 : index
    %swap3A_39 = arith.constant 0 : index
    %swap3A_40 = vector.load %arg6[%swap3A, %swap3A_39] : memref<400x256xf32, #tpu.memory_space<vmem>>, vector<400x256xf32>
    tpu.vector_store %arg6[%swap3A, %swap3A_39], %bitcast_convert_type3A_38 {strides = array<i32>} : memref<400x256xf32, #tpu.memory_space<vmem>>, vector<400x256xf32>,
    %dot_general3A_41 = arith.constant dense<0.000000e+00> : vector<400x512xf32>
    %dot_general3A_42 = tpu.matmul %get3A_1, %get3A_7, %dot_general3A_41 {dimension_numbers = #tpu.dot_dimension_numbers<[1], [0], [0], [1], [0, 0, 1, 1], [], []>, transpose_lhs_hint = false} : vector<400x256xf32>, vector<256x512xf32>, vector<400x512xf32> -> vector<400x512xf32>
    %convert_element_type3A_43 = arith.truncf %dot_general3A_42 : vector<400x512xf32> to vector<400x512xbf16>
    %slice3A_44 = vector.extract_strided_slice %convert_element_type3A_43 {offsets = [0, 0], sizes = [400, 256], strides = [1, 1]} : vector<400x512xbf16> to vector<400x256xbf16>
    %bitcast_convert_type3A_45 = tpu.bitcast %slice3A_44 : vector<400x256xbf16> -> vector<400x256xi16>
    %convert_element_type3A_46 = arith.extui %bitcast_convert_type3A_45 : vector<400x256xi16> to vector<400x256xi32>
    %slice3A_47 = vector.extract_strided_slice %convert_element_type3A_43 {offsets = [0, 256], sizes = [400, 256], strides = [1, 1]} : vector<400x512xbf16> to vector<400x256xbf16>
    %bitcast_convert_type3A_48 = tpu.bitcast %slice3A_47 : vector<400x256xbf16> -> vector<400x256xi16>
    %convert_element_type3A_49 = arith.extui %bitcast_convert_type3A_48 : vector<400x256xi16> to vector<400x256xi32>
    %shift_left3A_50 = arith.constant 16 : i32
    %shift_left3A_51 = vector.broadcast %shift_left3A_50 : i32 to vector<400x256xi32>
    %shift_left3A_52 = arith.shli %convert_element_type3A_49, %shift_left3A_51 : vector<400x256xi32>
    %or3A_53 = arith.ori %convert_element_type3A_46, %shift_left3A_52 : vector<400x256xi32>
    %bitcast_convert_type3A_54 = tpu.bitcast %or3A_53 : vector<400x256xi32> -> vector<400x256xf32>
    %swap3A_55 = arith.constant 0 : index
    %swap3A_56 = arith.constant 0 : index
    %swap3A_57 = vector.load %arg7[%swap3A_55, %swap3A_56] : memref<400x256xf32, #tpu.memory_space<vmem>>, vector<400x256xf32>
    tpu.vector_store %arg7[%swap3A_55, %swap3A_56], %bitcast_convert_type3A_54 {strides = array<i32>} : memref<400x256xf32, #tpu.memory_space<vmem>>, vector<400x256xf32>,
    return
  }
  func.func @transform_0(%arg0: i32) -> (i32, i32) {
    %c0_i32 = arith.constant 0 : i32
    %c0_i32_0 = arith.constant 0 : i32
    return %arg0, %c0_i32 : i32, i32
  }
  func.func @transform_1(%arg0: i32) -> (i32, i32) {
    %c0_i32 = arith.constant 0 : i32
    %c0_i32_0 = arith.constant 0 : i32
    return %arg0, %c0_i32 : i32, i32
  }
  func.func @transform_2(%arg0: i32) -> (i32, i32) {
    %c0_i32 = arith.constant 0 : i32
    %c0_i32_0 = arith.constant 0 : i32
    %c0_i32_1 = arith.constant 0 : i32
    return %c0_i32, %c0_i32_0 : i32, i32
  }
  func.func @transform_3(%arg0: i32) -> (i32, i32) {
    %c0_i32 = arith.constant 0 : i32
    %c0_i32_0 = arith.constant 0 : i32
    %c0_i32_1 = arith.constant 0 : i32
    return %c0_i32, %c0_i32_0 : i32, i32
  }
  func.func @transform_4(%arg0: i32) -> (i32, i32) {
    %c0_i32 = arith.constant 0 : i32
    %c0_i32_0 = arith.constant 0 : i32
    %c0_i32_1 = arith.constant 0 : i32
    return %c0_i32, %c0_i32_0 : i32, i32
  }
  func.func @transform_5(%arg0: i32) -> (i32, i32) {
    %c0_i32 = arith.constant 0 : i32
    %c0_i32_0 = arith.constant 0 : i32
    return %arg0, %c0_i32 : i32, i32
  }
  func.func @transform_6(%arg0: i32) -> (i32, i32) {
    %c0_i32 = arith.constant 0 : i32
    %c0_i32_0 = arith.constant 0 : i32
    return %arg0, %c0_i32 : i32, i32
  }
}

module attributes {stable_mosaic.version = 14 : i64} {
  func.func @_edge_body(%arg0: i32, %arg1: memref<1600x256xf32, #tpu.memory_space<vmem>>, %arg2: memref<1600x256xf32, #tpu.memory_space<vmem>>, %arg3: memref<1600x16xf32, #tpu.memory_space<vmem>>, %arg4: memref<16x512xf32, #tpu.memory_space<vmem>>, %arg5: memref<1x512xf32, #tpu.memory_space<vmem>>, %arg6: memref<512x512xbf16, #tpu.memory_space<vmem>>, %arg7: memref<512x128xbf16, #tpu.memory_space<vmem>>, %arg8: memref<1x128xf32, #tpu.memory_space<vmem>>, %arg9: memref<1x128xf32, #tpu.memory_space<vmem>>, %arg10: memref<1x128xf32, #tpu.memory_space<vmem>>, %arg11: memref<1600x128xf32, #tpu.memory_space<vmem>>) attributes {dimension_semantics = [#tpu.dimension_semantics<arbitrary>], iteration_bounds = array<i64: 100>, scalar_prefetch = 0 : i64, scratch_operands = 0 : i64, tpu.core_type = #tpu.core_type<tc>, window_params = [{transform_indices = @transform_0, window_bounds = array<i64: 1600, 256>}, {transform_indices = @transform_1, window_bounds = array<i64: 1600, 256>}, {transform_indices = @transform_2, window_bounds = array<i64: 1600, 16>}, {pipeline_mode = #tpu.pipeline_mode<synchronous>, transform_indices = @transform_3, window_bounds = array<i64: 16, 512>}, {pipeline_mode = #tpu.pipeline_mode<synchronous>, transform_indices = @transform_4, window_bounds = array<i64: 1, 512>}, {pipeline_mode = #tpu.pipeline_mode<synchronous>, transform_indices = @transform_5, window_bounds = array<i64: 512, 512>}, {pipeline_mode = #tpu.pipeline_mode<synchronous>, transform_indices = @transform_6, window_bounds = array<i64: 512, 128>}, {pipeline_mode = #tpu.pipeline_mode<synchronous>, transform_indices = @transform_7, window_bounds = array<i64: 1, 128>}, {pipeline_mode = #tpu.pipeline_mode<synchronous>, transform_indices = @transform_8, window_bounds = array<i64: 1, 128>}, {pipeline_mode = #tpu.pipeline_mode<synchronous>, transform_indices = @transform_9, window_bounds = array<i64: 1, 128>}, {transform_indices = @transform_10, window_bounds = array<i64: 1600, 128>}]} {
    %get3A = arith.constant 0 : index
    %get3A_0 = arith.constant 0 : index
    %get3A_1 = vector.load %arg1[%get3A, %get3A_0] : memref<1600x256xf32, #tpu.memory_space<vmem>>, vector<1600x256xf32>
    %bitcast_convert_type3A = tpu.bitcast %get3A_1 : vector<1600x256xf32> -> vector<1600x256xi32>
    %shift_left3A = arith.constant 16 : i32
    %shift_left3A_2 = vector.broadcast %shift_left3A : i32 to vector<1600x256xi32>
    %shift_left3A_3 = arith.shli %bitcast_convert_type3A, %shift_left3A_2 : vector<1600x256xi32>
    %bitcast_convert_type3A_4 = tpu.bitcast %shift_left3A_3 : vector<1600x256xi32> -> vector<1600x256xf32>
    %and3A = arith.constant -65536 : i32
    %and3A_5 = vector.broadcast %and3A : i32 to vector<1600x256xi32>
    %and3A_6 = arith.andi %bitcast_convert_type3A, %and3A_5 : vector<1600x256xi32>
    %bitcast_convert_type3A_7 = tpu.bitcast %and3A_6 : vector<1600x256xi32> -> vector<1600x256xf32>
    %get3A_8 = arith.constant 0 : index
    %get3A_9 = arith.constant 0 : index
    %get3A_10 = vector.load %arg2[%get3A_8, %get3A_9] : memref<1600x256xf32, #tpu.memory_space<vmem>>, vector<1600x256xf32>
    %bitcast_convert_type3A_11 = tpu.bitcast %get3A_10 : vector<1600x256xf32> -> vector<1600x256xi32>
    %shift_left3A_12 = arith.constant 16 : i32
    %shift_left3A_13 = vector.broadcast %shift_left3A_12 : i32 to vector<1600x256xi32>
    %shift_left3A_14 = arith.shli %bitcast_convert_type3A_11, %shift_left3A_13 : vector<1600x256xi32>
    %bitcast_convert_type3A_15 = tpu.bitcast %shift_left3A_14 : vector<1600x256xi32> -> vector<1600x256xf32>
    %and3A_16 = arith.constant -65536 : i32
    %and3A_17 = vector.broadcast %and3A_16 : i32 to vector<1600x256xi32>
    %and3A_18 = arith.andi %bitcast_convert_type3A_11, %and3A_17 : vector<1600x256xi32>
    %bitcast_convert_type3A_19 = tpu.bitcast %and3A_18 : vector<1600x256xi32> -> vector<1600x256xf32>
    %get3A_20 = arith.constant 0 : index
    %get3A_21 = arith.constant 0 : index
    %get3A_22 = vector.load %arg3[%get3A_20, %get3A_21] : memref<1600x16xf32, #tpu.memory_space<vmem>>, vector<1600x16xf32>
    %get3A_23 = arith.constant 0 : index
    %get3A_24 = arith.constant 0 : index
    %get3A_25 = vector.load %arg4[%get3A_23, %get3A_24] : memref<16x512xf32, #tpu.memory_space<vmem>>, vector<16x512xf32>
    %dot_general3A = arith.constant dense<0.000000e+00> : vector<1600x512xf32>
    %dot_general3A_26 = tpu.matmul %get3A_22, %get3A_25, %dot_general3A {dimension_numbers = #tpu.dot_dimension_numbers<[1], [0], [0], [1], [0, 0, 1, 1], [], []>, transpose_lhs_hint = false} : vector<1600x16xf32>, vector<16x512xf32>, vector<1600x512xf32> -> vector<1600x512xf32>
    %add3A = arith.addf %bitcast_convert_type3A_4, %bitcast_convert_type3A_15 : vector<1600x256xf32>
    %slice3A = vector.extract_strided_slice %dot_general3A_26 {offsets = [0, 0], sizes = [1600, 256], strides = [1, 1]} : vector<1600x512xf32> to vector<1600x256xf32>
    %add3A_27 = arith.addf %add3A, %slice3A : vector<1600x256xf32>
    %max3A = arith.constant 0.000000e+00 : f32
    %max3A_28 = vector.broadcast %max3A : f32 to vector<1600x256xf32>
    %max3A_29 = arith.maximumf %add3A_27, %max3A_28 : vector<1600x256xf32>
    %convert_element_type3A = arith.truncf %max3A_29 : vector<1600x256xf32> to vector<1600x256xbf16>
    %add3A_30 = arith.addf %bitcast_convert_type3A_7, %bitcast_convert_type3A_19 : vector<1600x256xf32>
    %slice3A_31 = vector.extract_strided_slice %dot_general3A_26 {offsets = [0, 256], sizes = [1600, 256], strides = [1, 1]} : vector<1600x512xf32> to vector<1600x256xf32>
    %add3A_32 = arith.addf %add3A_30, %slice3A_31 : vector<1600x256xf32>
    %max3A_33 = arith.constant 0.000000e+00 : f32
    %max3A_34 = vector.broadcast %max3A_33 : f32 to vector<1600x256xf32>
    %max3A_35 = arith.maximumf %add3A_32, %max3A_34 : vector<1600x256xf32>
    %convert_element_type3A_36 = arith.truncf %max3A_35 : vector<1600x256xf32> to vector<1600x256xbf16>
    %get3A_37 = arith.constant 0 : index
    %get3A_38 = arith.constant 0 : index
    %get3A_39 = vector.load %arg6[%get3A_37, %get3A_38] : memref<512x512xbf16, #tpu.memory_space<vmem>>, vector<256x512xbf16>
    %dot_general3A_40 = arith.constant dense<0.000000e+00> : vector<1600x512xf32>
    %dot_general3A_41 = tpu.matmul %convert_element_type3A, %get3A_39, %dot_general3A_40 {dimension_numbers = #tpu.dot_dimension_numbers<[1], [0], [0], [1], [0, 0, 1, 1], [], []>, transpose_lhs_hint = false} : vector<1600x256xbf16>, vector<256x512xbf16>, vector<1600x512xf32> -> vector<1600x512xf32>
    %get3A_42 = arith.constant 256 : index
    %get3A_43 = arith.constant 0 : index
    %get3A_44 = vector.load %arg6[%get3A_42, %get3A_43] : memref<512x512xbf16, #tpu.memory_space<vmem>>, vector<256x512xbf16>
    %dot_general3A_45 = arith.constant dense<0.000000e+00> : vector<1600x512xf32>
    %dot_general3A_46 = tpu.matmul %convert_element_type3A_36, %get3A_44, %dot_general3A_45 {dimension_numbers = #tpu.dot_dimension_numbers<[1], [0], [0], [1], [0, 0, 1, 1], [], []>, transpose_lhs_hint = false} : vector<1600x256xbf16>, vector<256x512xbf16>, vector<1600x512xf32> -> vector<1600x512xf32>
    %add3A_47 = arith.addf %dot_general3A_41, %dot_general3A_46 : vector<1600x512xf32>
    %get3A_48 = arith.constant 0 : index
    %get3A_49 = arith.constant 0 : index
    %get3A_50 = vector.load %arg5[%get3A_48, %get3A_49] : memref<1x512xf32, #tpu.memory_space<vmem>>, vector<1x512xf32>
    %add3A_51 = vector.broadcast %get3A_50 : vector<1x512xf32> to vector<1600x512xf32>
    %add3A_52 = arith.addf %add3A_47, %add3A_51 : vector<1600x512xf32>
    %max3A_53 = arith.constant 0.000000e+00 : f32
    %max3A_54 = vector.broadcast %max3A_53 : f32 to vector<1600x512xf32>
    %max3A_55 = arith.maximumf %add3A_52, %max3A_54 : vector<1600x512xf32>
    %convert_element_type3A_56 = arith.truncf %max3A_55 : vector<1600x512xf32> to vector<1600x512xbf16>
    %get3A_57 = arith.constant 0 : index
    %get3A_58 = arith.constant 0 : index
    %get3A_59 = vector.load %arg7[%get3A_57, %get3A_58] : memref<512x128xbf16, #tpu.memory_space<vmem>>, vector<512x128xbf16>
    %dot_general3A_60 = arith.constant dense<0.000000e+00> : vector<1600x128xf32>
    %dot_general3A_61 = tpu.matmul %convert_element_type3A_56, %get3A_59, %dot_general3A_60 {dimension_numbers = #tpu.dot_dimension_numbers<[1], [0], [0], [1], [0, 0, 1, 1], [], []>, transpose_lhs_hint = false} : vector<1600x512xbf16>, vector<512x128xbf16>, vector<1600x128xf32> -> vector<1600x128xf32>
    %get3A_62 = arith.constant 0 : index
    %get3A_63 = arith.constant 0 : index
    %get3A_64 = vector.load %arg8[%get3A_62, %get3A_63] : memref<1x128xf32, #tpu.memory_space<vmem>>, vector<1x128xf32>
    %add3A_65 = vector.broadcast %get3A_64 : vector<1x128xf32> to vector<1600x128xf32>
    %add3A_66 = arith.addf %dot_general3A_61, %add3A_65 : vector<1600x128xf32>
    %reduce_sum3A = arith.constant dense<0.000000e+00> : vector<1600xf32>
    %reduce_sum3A_67 = vector.multi_reduction <add>, %add3A_66, %reduce_sum3A [1] : vector<1600x128xf32> to vector<1600xf32>
    %broadcast_in_dim3A = vector.shape_cast %reduce_sum3A_67 : vector<1600xf32> to vector<1600x1xf32>
    %div3A = arith.constant 1.280000e+02 : f32
    %div3A_68 = vector.broadcast %div3A : f32 to vector<1600x1xf32>
    %div3A_69 = arith.divf %broadcast_in_dim3A, %div3A_68 : vector<1600x1xf32>
    %sub3A = vector.broadcast %div3A_69 : vector<1600x1xf32> to vector<1600x128xf32>
    %sub3A_70 = arith.subf %add3A_66, %sub3A : vector<1600x128xf32>
    %integer_pow3A = arith.mulf %sub3A_70, %sub3A_70 : vector<1600x128xf32>
    %reduce_sum3A_71 = arith.constant dense<0.000000e+00> : vector<1600xf32>
    %reduce_sum3A_72 = vector.multi_reduction <add>, %integer_pow3A, %reduce_sum3A_71 [1] : vector<1600x128xf32> to vector<1600xf32>
    %broadcast_in_dim3A_73 = vector.shape_cast %reduce_sum3A_72 : vector<1600xf32> to vector<1600x1xf32>
    %div3A_74 = arith.constant 1.280000e+02 : f32
    %div3A_75 = vector.broadcast %div3A_74 : f32 to vector<1600x1xf32>
    %div3A_76 = arith.divf %broadcast_in_dim3A_73, %div3A_75 : vector<1600x1xf32>
    %sub3A_77 = vector.broadcast %div3A_69 : vector<1600x1xf32> to vector<1600x128xf32>
    %sub3A_78 = arith.subf %add3A_66, %sub3A_77 : vector<1600x128xf32>
    %add3A_79 = arith.constant 9.99999974E-6 : f32
    %add3A_80 = vector.broadcast %add3A_79 : f32 to vector<1600x1xf32>
    %add3A_81 = arith.addf %div3A_76, %add3A_80 : vector<1600x1xf32>
    %rsqrt3A = math.rsqrt %add3A_81 : vector<1600x1xf32>
    %mul3A = vector.broadcast %rsqrt3A : vector<1600x1xf32> to vector<1600x128xf32>
    %mul3A_82 = arith.mulf %sub3A_78, %mul3A : vector<1600x128xf32>
    %get3A_83 = arith.constant 0 : index
    %get3A_84 = arith.constant 0 : index
    %get3A_85 = vector.load %arg9[%get3A_83, %get3A_84] : memref<1x128xf32, #tpu.memory_space<vmem>>, vector<1x128xf32>
    %mul3A_86 = vector.broadcast %get3A_85 : vector<1x128xf32> to vector<1600x128xf32>
    %mul3A_87 = arith.mulf %mul3A_82, %mul3A_86 : vector<1600x128xf32>
    %get3A_88 = arith.constant 0 : index
    %get3A_89 = arith.constant 0 : index
    %get3A_90 = vector.load %arg10[%get3A_88, %get3A_89] : memref<1x128xf32, #tpu.memory_space<vmem>>, vector<1x128xf32>
    %add3A_91 = vector.broadcast %get3A_90 : vector<1x128xf32> to vector<1600x128xf32>
    %add3A_92 = arith.addf %mul3A_87, %add3A_91 : vector<1600x128xf32>
    %swap3A = arith.constant 0 : index
    %swap3A_93 = arith.constant 0 : index
    %swap3A_94 = vector.load %arg11[%swap3A, %swap3A_93] : memref<1600x128xf32, #tpu.memory_space<vmem>>, vector<1600x128xf32>
    tpu.vector_store %arg11[%swap3A, %swap3A_93], %add3A_92 {strides = array<i32>} : memref<1600x128xf32, #tpu.memory_space<vmem>>, vector<1600x128xf32>,
    return
  }
  func.func @transform_0(%arg0: i32) -> (i32, i32) {
    %c0_i32 = arith.constant 0 : i32
    %c0_i32_0 = arith.constant 0 : i32
    return %arg0, %c0_i32 : i32, i32
  }
  func.func @transform_1(%arg0: i32) -> (i32, i32) {
    %c0_i32 = arith.constant 0 : i32
    %c0_i32_0 = arith.constant 0 : i32
    return %arg0, %c0_i32 : i32, i32
  }
  func.func @transform_2(%arg0: i32) -> (i32, i32) {
    %c0_i32 = arith.constant 0 : i32
    %c0_i32_0 = arith.constant 0 : i32
    return %arg0, %c0_i32 : i32, i32
  }
  func.func @transform_3(%arg0: i32) -> (i32, i32) {
    %c0_i32 = arith.constant 0 : i32
    %c0_i32_0 = arith.constant 0 : i32
    %c0_i32_1 = arith.constant 0 : i32
    return %c0_i32, %c0_i32_0 : i32, i32
  }
  func.func @transform_4(%arg0: i32) -> (i32, i32) {
    %c0_i32 = arith.constant 0 : i32
    %c0_i32_0 = arith.constant 0 : i32
    %c0_i32_1 = arith.constant 0 : i32
    return %c0_i32, %c0_i32_0 : i32, i32
  }
  func.func @transform_5(%arg0: i32) -> (i32, i32) {
    %c0_i32 = arith.constant 0 : i32
    %c0_i32_0 = arith.constant 0 : i32
    %c0_i32_1 = arith.constant 0 : i32
    return %c0_i32, %c0_i32_0 : i32, i32
  }
  func.func @transform_6(%arg0: i32) -> (i32, i32) {
    %c0_i32 = arith.constant 0 : i32
    %c0_i32_0 = arith.constant 0 : i32
    %c0_i32_1 = arith.constant 0 : i32
    return %c0_i32, %c0_i32_0 : i32, i32
  }
  func.func @transform_7(%arg0: i32) -> (i32, i32) {
    %c0_i32 = arith.constant 0 : i32
    %c0_i32_0 = arith.constant 0 : i32
    %c0_i32_1 = arith.constant 0 : i32
    return %c0_i32, %c0_i32_0 : i32, i32
  }
  func.func @transform_8(%arg0: i32) -> (i32, i32) {
    %c0_i32 = arith.constant 0 : i32
    %c0_i32_0 = arith.constant 0 : i32
    %c0_i32_1 = arith.constant 0 : i32
    return %c0_i32, %c0_i32_0 : i32, i32
  }
  func.func @transform_9(%arg0: i32) -> (i32, i32) {
    %c0_i32 = arith.constant 0 : i32
    %c0_i32_0 = arith.constant 0 : i32
    %c0_i32_1 = arith.constant 0 : i32
    return %c0_i32, %c0_i32_0 : i32, i32
  }
  func.func @transform_10(%arg0: i32) -> (i32, i32) {
    %c0_i32 = arith.constant 0 : i32
    %c0_i32_0 = arith.constant 0 : i32
    return %arg0, %c0_i32 : i32, i32
  }
}

module attributes {stable_mosaic.version = 14 : i64} {
  func.func @_node_body(%arg0: i32, %arg1: memref<400x256xf32, #tpu.memory_space<vmem>>, %arg2: memref<2x400x128xf32, #tpu.memory_space<vmem>>, %arg3: memref<400x1xf32, #tpu.memory_space<vmem>>, %arg4: memref<4x32xf32, #tpu.memory_space<vmem>>, %arg5: memref<416x512xf32, #tpu.memory_space<vmem>>, %arg6: memref<1x512xf32, #tpu.memory_space<vmem>>, %arg7: memref<512x512xf32, #tpu.memory_space<vmem>>, %arg8: memref<1x512xf32, #tpu.memory_space<vmem>>, %arg9: memref<512x256xf32, #tpu.memory_space<vmem>>, %arg10: memref<1x256xf32, #tpu.memory_space<vmem>>, %arg11: memref<1x256xf32, #tpu.memory_space<vmem>>, %arg12: memref<1x256xf32, #tpu.memory_space<vmem>>, %arg13: memref<400x256xf32, #tpu.memory_space<vmem>>) attributes {dimension_semantics = [#tpu.dimension_semantics<arbitrary>], iteration_bounds = array<i64: 25>, scalar_prefetch = 0 : i64, scratch_operands = 0 : i64, tpu.core_type = #tpu.core_type<tc>, window_params = [{transform_indices = @transform_0, window_bounds = array<i64: 400, 256>}, {transform_indices = @transform_1, window_bounds = array<i64: 2, 400, 128>}, {transform_indices = @transform_2, window_bounds = array<i64: 400, 1>}, {pipeline_mode = #tpu.pipeline_mode<synchronous>, transform_indices = @transform_3, window_bounds = array<i64: 4, 32>}, {pipeline_mode = #tpu.pipeline_mode<synchronous>, transform_indices = @transform_4, window_bounds = array<i64: 416, 512>}, {pipeline_mode = #tpu.pipeline_mode<synchronous>, transform_indices = @transform_5, window_bounds = array<i64: 1, 512>}, {pipeline_mode = #tpu.pipeline_mode<synchronous>, transform_indices = @transform_6, window_bounds = array<i64: 512, 512>}, {pipeline_mode = #tpu.pipeline_mode<synchronous>, transform_indices = @transform_7, window_bounds = array<i64: 1, 512>}, {pipeline_mode = #tpu.pipeline_mode<synchronous>, transform_indices = @transform_8, window_bounds = array<i64: 512, 256>}, {pipeline_mode = #tpu.pipeline_mode<synchronous>, transform_indices = @transform_9, window_bounds = array<i64: 1, 256>}, {pipeline_mode = #tpu.pipeline_mode<synchronous>, transform_indices = @transform_10, window_bounds = array<i64: 1, 256>}, {pipeline_mode = #tpu.pipeline_mode<synchronous>, transform_indices = @transform_11, window_bounds = array<i64: 1, 256>}, {transform_indices = @transform_12, window_bounds = array<i64: 400, 256>}]} {
    %get3A = arith.constant 0 : index
    %get3A_0 = arith.constant 0 : index
    %get3A_1 = arith.constant 0 : index
    %get3A_2 = vector.load %arg2[%get3A, %get3A_0, %get3A_1] : memref<2x400x128xf32, #tpu.memory_space<vmem>>, vector<1x400x128xf32>
    %get3A_3 = vector.shape_cast %get3A_2 : vector<1x400x128xf32> to vector<400x128xf32>
    %get3A_4 = arith.constant 1 : index
    %get3A_5 = arith.constant 0 : index
    %get3A_6 = arith.constant 0 : index
    %get3A_7 = vector.load %arg2[%get3A_4, %get3A_5, %get3A_6] : memref<2x400x128xf32, #tpu.memory_space<vmem>>, vector<1x400x128xf32>
    %get3A_8 = vector.shape_cast %get3A_7 : vector<1x400x128xf32> to vector<400x128xf32>
    %add3A = arith.addf %get3A_3, %get3A_8 : vector<400x128xf32>
    %get3A_9 = arith.constant 0 : index
    %get3A_10 = arith.constant 0 : index
    %get3A_11 = vector.load %arg5[%get3A_9, %get3A_10] : memref<416x512xf32, #tpu.memory_space<vmem>>, vector<256x512xf32>
    %get3A_12 = arith.constant 256 : index
    %get3A_13 = arith.constant 0 : index
    %get3A_14 = vector.load %arg5[%get3A_12, %get3A_13] : memref<416x512xf32, #tpu.memory_space<vmem>>, vector<128x512xf32>
    %get3A_15 = arith.constant 384 : index
    %get3A_16 = arith.constant 0 : index
    %get3A_17 = vector.load %arg5[%get3A_15, %get3A_16] : memref<416x512xf32, #tpu.memory_space<vmem>>, vector<32x512xf32>
    %get3A_18 = arith.constant 0 : index
    %get3A_19 = arith.constant 0 : index
    %get3A_20 = vector.load %arg4[%get3A_18, %get3A_19] : memref<4x32xf32, #tpu.memory_space<vmem>>, vector<4x32xf32>
    %dot_general3A = arith.constant dense<0.000000e+00> : vector<4x512xf32>
    %dot_general3A_21 = tpu.matmul %get3A_20, %get3A_17, %dot_general3A {dimension_numbers = #tpu.dot_dimension_numbers<[1], [0], [0], [1], [0, 0, 1, 1], [], []>, transpose_lhs_hint = false} : vector<4x32xf32>, vector<32x512xf32>, vector<4x512xf32> -> vector<4x512xf32>
    %get3A_22 = arith.constant 0 : index
    %get3A_23 = arith.constant 0 : index
    %get3A_24 = vector.load %arg3[%get3A_22, %get3A_23] : memref<400x1xf32, #tpu.memory_space<vmem>>, vector<400x1xf32>
    %iota3A = tpu.iota {dimensions = array<i32: 1>} : vector<1x4xi32>
    %convert_element_type3A = arith.sitofp %iota3A : vector<1x4xi32> to vector<1x4xf32>
    %eq3A = vector.broadcast %get3A_24 : vector<400x1xf32> to vector<400x4xf32>
    %eq3A_25 = vector.broadcast %convert_element_type3A : vector<1x4xf32> to vector<400x4xf32>
    %eq3A_26 = arith.cmpf oeq, %eq3A, %eq3A_25 : vector<400x4xf32>
    %convert_element_type3A_27 = arith.extui %eq3A_26 : vector<400x4xi1> to vector<400x4xi32>
    %convert_element_type3A_28 = arith.sitofp %convert_element_type3A_27 : vector<400x4xi32> to vector<400x4xf32>
    %get3A_29 = arith.constant 0 : index
    %get3A_30 = arith.constant 0 : index
    %get3A_31 = vector.load %arg1[%get3A_29, %get3A_30] : memref<400x256xf32, #tpu.memory_space<vmem>>, vector<400x256xf32>
    %dot_general3A_32 = arith.constant dense<0.000000e+00> : vector<400x512xf32>
    %dot_general3A_33 = tpu.matmul %get3A_31, %get3A_11, %dot_general3A_32 {dimension_numbers = #tpu.dot_dimension_numbers<[1], [0], [0], [1], [0, 0, 1, 1], [], []>, transpose_lhs_hint = false} : vector<400x256xf32>, vector<256x512xf32>, vector<400x512xf32> -> vector<400x512xf32>
    %dot_general3A_34 = arith.constant dense<0.000000e+00> : vector<400x512xf32>
    %dot_general3A_35 = tpu.matmul %add3A, %get3A_14, %dot_general3A_34 {dimension_numbers = #tpu.dot_dimension_numbers<[1], [0], [0], [1], [0, 0, 1, 1], [], []>, transpose_lhs_hint = false} : vector<400x128xf32>, vector<128x512xf32>, vector<400x512xf32> -> vector<400x512xf32>
    %add3A_36 = arith.addf %dot_general3A_33, %dot_general3A_35 : vector<400x512xf32>
    %dot_general3A_37 = arith.constant dense<0.000000e+00> : vector<400x512xf32>
    %dot_general3A_38 = tpu.matmul %convert_element_type3A_28, %dot_general3A_21, %dot_general3A_37 {dimension_numbers = #tpu.dot_dimension_numbers<[1], [0], [0], [1], [0, 0, 1, 1], [], []>, transpose_lhs_hint = false} : vector<400x4xf32>, vector<4x512xf32>, vector<400x512xf32> -> vector<400x512xf32>
    %add3A_39 = arith.addf %add3A_36, %dot_general3A_38 : vector<400x512xf32>
    %get3A_40 = arith.constant 0 : index
    %get3A_41 = arith.constant 0 : index
    %get3A_42 = vector.load %arg6[%get3A_40, %get3A_41] : memref<1x512xf32, #tpu.memory_space<vmem>>, vector<1x512xf32>
    %add3A_43 = vector.broadcast %get3A_42 : vector<1x512xf32> to vector<400x512xf32>
    %add3A_44 = arith.addf %add3A_39, %add3A_43 : vector<400x512xf32>
    %max3A = arith.constant 0.000000e+00 : f32
    %max3A_45 = vector.broadcast %max3A : f32 to vector<400x512xf32>
    %max3A_46 = arith.maximumf %add3A_44, %max3A_45 : vector<400x512xf32>
    %get3A_47 = arith.constant 0 : index
    %get3A_48 = arith.constant 0 : index
    %get3A_49 = vector.load %arg7[%get3A_47, %get3A_48] : memref<512x512xf32, #tpu.memory_space<vmem>>, vector<512x512xf32>
    %dot_general3A_50 = arith.constant dense<0.000000e+00> : vector<400x512xf32>
    %dot_general3A_51 = tpu.matmul %max3A_46, %get3A_49, %dot_general3A_50 {dimension_numbers = #tpu.dot_dimension_numbers<[1], [0], [0], [1], [0, 0, 1, 1], [], []>, transpose_lhs_hint = false} : vector<400x512xf32>, vector<512x512xf32>, vector<400x512xf32> -> vector<400x512xf32>
    %get3A_52 = arith.constant 0 : index
    %get3A_53 = arith.constant 0 : index
    %get3A_54 = vector.load %arg8[%get3A_52, %get3A_53] : memref<1x512xf32, #tpu.memory_space<vmem>>, vector<1x512xf32>
    %add3A_55 = vector.broadcast %get3A_54 : vector<1x512xf32> to vector<400x512xf32>
    %add3A_56 = arith.addf %dot_general3A_51, %add3A_55 : vector<400x512xf32>
    %max3A_57 = arith.constant 0.000000e+00 : f32
    %max3A_58 = vector.broadcast %max3A_57 : f32 to vector<400x512xf32>
    %max3A_59 = arith.maximumf %add3A_56, %max3A_58 : vector<400x512xf32>
    %get3A_60 = arith.constant 0 : index
    %get3A_61 = arith.constant 0 : index
    %get3A_62 = vector.load %arg9[%get3A_60, %get3A_61] : memref<512x256xf32, #tpu.memory_space<vmem>>, vector<512x256xf32>
    %dot_general3A_63 = arith.constant dense<0.000000e+00> : vector<400x256xf32>
    %dot_general3A_64 = tpu.matmul %max3A_59, %get3A_62, %dot_general3A_63 {dimension_numbers = #tpu.dot_dimension_numbers<[1], [0], [0], [1], [0, 0, 1, 1], [], []>, transpose_lhs_hint = false} : vector<400x512xf32>, vector<512x256xf32>, vector<400x256xf32> -> vector<400x256xf32>
    %get3A_65 = arith.constant 0 : index
    %get3A_66 = arith.constant 0 : index
    %get3A_67 = vector.load %arg10[%get3A_65, %get3A_66] : memref<1x256xf32, #tpu.memory_space<vmem>>, vector<1x256xf32>
    %add3A_68 = vector.broadcast %get3A_67 : vector<1x256xf32> to vector<400x256xf32>
    %add3A_69 = arith.addf %dot_general3A_64, %add3A_68 : vector<400x256xf32>
    %reduce_sum3A = arith.constant dense<0.000000e+00> : vector<400xf32>
    %reduce_sum3A_70 = vector.multi_reduction <add>, %add3A_69, %reduce_sum3A [1] : vector<400x256xf32> to vector<400xf32>
    %broadcast_in_dim3A = vector.shape_cast %reduce_sum3A_70 : vector<400xf32> to vector<400x1xf32>
    %div3A = arith.constant 2.560000e+02 : f32
    %div3A_71 = vector.broadcast %div3A : f32 to vector<400x1xf32>
    %div3A_72 = arith.divf %broadcast_in_dim3A, %div3A_71 : vector<400x1xf32>
    %sub3A = vector.broadcast %div3A_72 : vector<400x1xf32> to vector<400x256xf32>
    %sub3A_73 = arith.subf %add3A_69, %sub3A : vector<400x256xf32>
    %integer_pow3A = arith.mulf %sub3A_73, %sub3A_73 : vector<400x256xf32>
    %reduce_sum3A_74 = arith.constant dense<0.000000e+00> : vector<400xf32>
    %reduce_sum3A_75 = vector.multi_reduction <add>, %integer_pow3A, %reduce_sum3A_74 [1] : vector<400x256xf32> to vector<400xf32>
    %broadcast_in_dim3A_76 = vector.shape_cast %reduce_sum3A_75 : vector<400xf32> to vector<400x1xf32>
    %div3A_77 = arith.constant 2.560000e+02 : f32
    %div3A_78 = vector.broadcast %div3A_77 : f32 to vector<400x1xf32>
    %div3A_79 = arith.divf %broadcast_in_dim3A_76, %div3A_78 : vector<400x1xf32>
    %sub3A_80 = vector.broadcast %div3A_72 : vector<400x1xf32> to vector<400x256xf32>
    %sub3A_81 = arith.subf %add3A_69, %sub3A_80 : vector<400x256xf32>
    %add3A_82 = arith.constant 9.99999974E-6 : f32
    %add3A_83 = vector.broadcast %add3A_82 : f32 to vector<400x1xf32>
    %add3A_84 = arith.addf %div3A_79, %add3A_83 : vector<400x1xf32>
    %rsqrt3A = math.rsqrt %add3A_84 : vector<400x1xf32>
    %mul3A = vector.broadcast %rsqrt3A : vector<400x1xf32> to vector<400x256xf32>
    %mul3A_85 = arith.mulf %sub3A_81, %mul3A : vector<400x256xf32>
    %get3A_86 = arith.constant 0 : index
    %get3A_87 = arith.constant 0 : index
    %get3A_88 = vector.load %arg11[%get3A_86, %get3A_87] : memref<1x256xf32, #tpu.memory_space<vmem>>, vector<1x256xf32>
    %mul3A_89 = vector.broadcast %get3A_88 : vector<1x256xf32> to vector<400x256xf32>
    %mul3A_90 = arith.mulf %mul3A_85, %mul3A_89 : vector<400x256xf32>
    %get3A_91 = arith.constant 0 : index
    %get3A_92 = arith.constant 0 : index
    %get3A_93 = vector.load %arg12[%get3A_91, %get3A_92] : memref<1x256xf32, #tpu.memory_space<vmem>>, vector<1x256xf32>
    %add3A_94 = vector.broadcast %get3A_93 : vector<1x256xf32> to vector<400x256xf32>
    %add3A_95 = arith.addf %mul3A_90, %add3A_94 : vector<400x256xf32>
    %swap3A = arith.constant 0 : index
    %swap3A_96 = arith.constant 0 : index
    %swap3A_97 = vector.load %arg13[%swap3A, %swap3A_96] : memref<400x256xf32, #tpu.memory_space<vmem>>, vector<400x256xf32>
    tpu.vector_store %arg13[%swap3A, %swap3A_96], %add3A_95 {strides = array<i32>} : memref<400x256xf32, #tpu.memory_space<vmem>>, vector<400x256xf32>,
    return
  }
  func.func @transform_0(%arg0: i32) -> (i32, i32) {
    %c0_i32 = arith.constant 0 : i32
    %c0_i32_0 = arith.constant 0 : i32
    return %arg0, %c0_i32 : i32, i32
  }
  func.func @transform_1(%arg0: i32) -> (i32, i32, i32) {
    %c0_i32 = arith.constant 0 : i32
    %c0_i32_0 = arith.constant 0 : i32
    %c0_i32_1 = arith.constant 0 : i32
    return %c0_i32, %arg0, %c0_i32_0 : i32, i32, i32
  }
  func.func @transform_2(%arg0: i32) -> (i32, i32) {
    %c0_i32 = arith.constant 0 : i32
    %c0_i32_0 = arith.constant 0 : i32
    return %arg0, %c0_i32 : i32, i32
  }
  func.func @transform_3(%arg0: i32) -> (i32, i32) {
    %c0_i32 = arith.constant 0 : i32
    %c0_i32_0 = arith.constant 0 : i32
    %c0_i32_1 = arith.constant 0 : i32
    return %c0_i32, %c0_i32_0 : i32, i32
  }
  func.func @transform_4(%arg0: i32) -> (i32, i32) {
    %c0_i32 = arith.constant 0 : i32
    %c0_i32_0 = arith.constant 0 : i32
    %c0_i32_1 = arith.constant 0 : i32
    return %c0_i32, %c0_i32_0 : i32, i32
  }
  func.func @transform_5(%arg0: i32) -> (i32, i32) {
    %c0_i32 = arith.constant 0 : i32
    %c0_i32_0 = arith.constant 0 : i32
    %c0_i32_1 = arith.constant 0 : i32
    return %c0_i32, %c0_i32_0 : i32, i32
  }
  func.func @transform_6(%arg0: i32) -> (i32, i32) {
    %c0_i32 = arith.constant 0 : i32
    %c0_i32_0 = arith.constant 0 : i32
    %c0_i32_1 = arith.constant 0 : i32
    return %c0_i32, %c0_i32_0 : i32, i32
  }
  func.func @transform_7(%arg0: i32) -> (i32, i32) {
    %c0_i32 = arith.constant 0 : i32
    %c0_i32_0 = arith.constant 0 : i32
    %c0_i32_1 = arith.constant 0 : i32
    return %c0_i32, %c0_i32_0 : i32, i32
  }
  func.func @transform_8(%arg0: i32) -> (i32, i32) {
    %c0_i32 = arith.constant 0 : i32
    %c0_i32_0 = arith.constant 0 : i32
    %c0_i32_1 = arith.constant 0 : i32
    return %c0_i32, %c0_i32_0 : i32, i32
  }
  func.func @transform_9(%arg0: i32) -> (i32, i32) {
    %c0_i32 = arith.constant 0 : i32
    %c0_i32_0 = arith.constant 0 : i32
    %c0_i32_1 = arith.constant 0 : i32
    return %c0_i32, %c0_i32_0 : i32, i32
  }
  func.func @transform_10(%arg0: i32) -> (i32, i32) {
    %c0_i32 = arith.constant 0 : i32
    %c0_i32_0 = arith.constant 0 : i32
    %c0_i32_1 = arith.constant 0 : i32
    return %c0_i32, %c0_i32_0 : i32, i32
  }
  func.func @transform_11(%arg0: i32) -> (i32, i32) {
    %c0_i32 = arith.constant 0 : i32
    %c0_i32_0 = arith.constant 0 : i32
    %c0_i32_1 = arith.constant 0 : i32
    return %c0_i32, %c0_i32_0 : i32, i32
  }
  func.func @transform_12(%arg0: i32) -> (i32, i32) {
    %c0_i32 = arith.constant 0 : i32
    %c0_i32_0 = arith.constant 0 : i32
    return %arg0, %c0_i32 : i32, i32
  }
}

</mosaic_0001>

<sc_bundles>
// kernel: kernel.10.cloned.1.call-start
scs
__scs_entry_jumppad:
0x0: {  	(pc) =	sbr.rel $0x88, $3  }
0x1: {  	(tag) =	ssettag $0x0;
	lr =	simm.s32 $0x1  }
0x2: {  	[smem:$0x3F8C] =	sst lr;
	_ =	strace $0xD0000000  }
0x3: {  	_ = 	snop  }
0x4: {  	_ = 	snop  }
0x5: {  	_ = 	snop  }
0x6: {  	_ = 	snop  }
0x7: {  	_ = 	snop  }
__scs_overlays_trampoline_lowered:
0x8: {  	[smem:$0x3F9B] =	sst s0  }
0x9: {  	[smem:$0x3F9C] =	sst s1  }
0xa: {  	[smem:$0x3F9D] =	sst s2  }
0xb: {  	[smem:$0x3F9E] =	sst s3  }
0xc: {  	[smem:$0x3F9F] =	sst s4  }
0xd: {  	[smem:$0x3FA0] =	sst s5  }
0xe: {  	[smem:$0x3FA1] =	sst s6  }
0xf: {  	[smem:$0x3FA2] =	sst s7  }
0x10: {  	[smem:$0x3FA3] =	sst s8  }
0x11: {  	[smem:$0x3FA4] =	sst s9;
	s0 =	simm.s32 @!p0 $0x0  }
0x12: {  	s1 =	sld [smem:$0x3F8A];
	s0 =	simm.s32 @p0 $0x1  }
0x13: {  	[smem:$0x3FA5] =	sst s0;
	s0 =	simm.s32 @!p1 $0x0  }
0x14: {  	s2 =	sld [smem:$0x3F89];
	s0 =	simm.s32 @p1 $0x1  }
0x15: {  	[smem:$0x3FA6] =	sst s0;
	s0 =	simm.s32 @!p2 $0x0  }
0x16: {  	s3 =	sld [smem:$0x3FDB];
	s0 =	simm.s32 @p2 $0x1  }
0x17: {  	s4 =	simm.s32 $0x1BF5;
	[smem:$0x3FA8] =	sst s0  }
0x18: {  	s0 =	sld [smem:$0x3F8B];
	_ =	swait.ge [sflag:s4], $0x0  }
0x19: {  	s7 =	sld [smem:$0x3F8C]  }
0x1a: {  	s8 =	sadd.s32 $0xFFFFE003, lr  }
0x1b: {  	s9 =	sadd.s32 $0xFFFFFEF7, lr;
	s5 =	simm.s32 $0xFFFFFFFF;
	p2 =	slt.u32 s8, $0xFFFFF086  }
0x1c: {  	p1 =	slt.u32 s9, $0xF7A;
	s5 =	simm.s32 @!p2 $0x0  }
0x1d: {  	s5 =	simm.s32 @p1 $0x1;
	p0 =	seq.s32 s7, s2  }
0x1e: {  	s7 =	smul.u32 @!p0 $0xF7A, s2;
	p2 =	seq.s32 @!p0 s5, $0x0  }
0x1f: {  	s9 =	smul.u32 $0xF7A, s1;
	s8 =	simm.s32 @!p0 $0x1BF5;
	p2 =	por !p2, p0  }
0x20: {  	[sflag:s8] =	ssyncset.s32 @!p0 $0xFFFFF086;
	s6 =	sadd.s32 @!p0 s3, s7;
	s7 =	simm.s32 @!p0 $0x108  }
0x21: {  	s3 =	sadd.s32 s3, s9;
	s6 =	sadd.s32 @!p0 $0x88, s6;
	s7 =	simm.s32 @p2 $0x1082  }
0x22: {  	[simem:s7], [sflag:s8] =	dma.local @!p0 [hbm:s6], $0xF7A  }
0x23: {  	s9 =	sor.u32 $0xD0000000, s2;
	s6 =	simm.s32 $0x108;
	_ =	swait.ge @!p0 [sflag:s8], $0x0  }
0x24: {  	s3 =	sadd.s32 $0x88, s3;
	s6 =	simm.s32 @!p1 $0x1082;
	[sflag:s4] =	ssyncset.s32 $0xFFFFF086  }
0x25: {  	[simem:s6], [sflag:s4] =	dma.local [hbm:s3], $0xF7A  }
0x26: {  	[smem:$0x3F8C] =	sst s1;
	(tag) =	ssettag s2;
	_ =	strace s9  }
0x27: {  	s1 =	sld [smem:$0x3F9C]  }
0x28: {  	s2 =	sld [smem:$0x3F9D]  }
0x29: {  	s4 =	sld [smem:$0x3F9F]  }
0x2a: {  	p0 =	seq.s32 s5, $0x0;
	s5 =	sld [smem:$0x3FA0]  }
0x2b: {  	s6 =	sld [smem:$0x3FA1]  }
0x2c: {  	s7 =	sld [smem:$0x3FA2]  }
0x2d: {  	s3 =	simm.s32 $0x108;
	s8 =	sld [smem:$0x3FA3]  }
0x2e: {  	s3 =	simm.s32 @!p0 $0x1082;
	s9 =	sld [smem:$0x3FA4]  }
0x2f: {  	lr =	sadd.s32 s0, s3;
	s0 =	sld [smem:$0x3F9B]  }
0x30: {  	s3 =	sld [smem:$0x3F9E]  }
0x31: {  	[smem:$0x3FA7] =	sst s10  }
0x32: {  	s10 =	sld [smem:$0x3FA5];
	_ =	sdelay $0x3  }
0x33: {  	p0 =	seq.s32 s10, $0x1;
	s10 =	sld [smem:$0x3FA7];
	_ =	sdelay $0x3  }
0x34: {  	[smem:$0x3FA7] =	sst s10  }
0x35: {  	s10 =	sld [smem:$0x3FA6];
	_ =	sdelay $0x3  }
0x36: {  	p1 =	seq.s32 s10, $0x1;
	s10 =	sld [smem:$0x3FA7];
	_ =	sdelay $0x3  }
0x37: {  	[smem:$0x3FA7] =	sst s10  }
0x38: {  	s10 =	sld [smem:$0x3FA8]  }
0x39: {  	_ = 	snop;
	(pc) =	sbr.ind lr, $3  }
0x3a: {  	_ = 	snop  }
0x3b: {  	_ = 	snop  }
0x3c: {  	p2 =	seq.s32 s10, $0x1;
	s10 =	sld [smem:$0x3FA7]  }
0x3d: {  	_ =	shalt  }
0x3e: {  	_ =	shalt  }
0x3f: {  	_ =	shalt  }
0x40: {  	_ =	shalt  }
0x41: {  	_ =	shalt  }
0x42: {  	_ =	shalt  }
0x43: {  	_ =	shalt  }
0x44: {  	_ =	shalt  }
0x45: {  	_ =	shalt  }
0x46: {  	_ =	shalt  }
0x47: {  	_ =	shalt  }
0x48: {  	_ =	shalt  }
0x49: {  	_ =	shalt  }
0x4a: {  	_ =	shalt  }
0x4b: {  	_ =	shalt  }
0x4c: {  	_ =	shalt  }
0x4d: {  	_ =	shalt  }
0x4e: {  	_ =	shalt  }
0x4f: {  	_ =	shalt  }
0x50: {  	_ =	shalt  }
0x51: {  	_ =	shalt  }
0x52: {  	_ =	shalt  }
0x53: {  	_ =	shalt  }
0x54: {  	_ =	shalt  }
0x55: {  	_ =	shalt  }
0x56: {  	_ =	shalt  }
0x57: {  	_ =	shalt  }
0x58: {  	_ =	shalt  }
0x59: {  	_ =	shalt  }
0x5a: {  	_ =	shalt  }
0x5b: {  	_ =	shalt  }
0x5c: {  	_ =	shalt  }
0x5d: {  	_ =	shalt  }
0x5e: {  	_ =	shalt  }
0x5f: {  	_ =	shalt  }
0x60: {  	_ =	shalt  }
0x61: {  	_ =	shalt  }
0x62: {  	_ =	shalt  }
0x63: {  	_ =	shalt  }
0x64: {  	_ =	shalt  }
0x65: {  	_ =	shalt  }
0x66: {  	_ =	shalt  }
0x67: {  	_ =	shalt  }
0x68: {  	_ =	shalt  }
0x69: {  	_ =	shalt  }
0x6a: {  	_ =	shalt  }
0x6b: {  	_ =	shalt  }
0x6c: {  	_ =	shalt  }
0x6d: {  	_ =	shalt  }
0x6e: {  	_ =	shalt  }
0x6f: {  	_ =	shalt  }
0x70: {  	_ =	shalt  }
0x71: {  	_ =	shalt  }
0x72: {  	_ =	shalt  }
0x73: {  	_ =	shalt  }
0x74: {  	_ =	shalt  }
0x75: {  	_ =	shalt  }
0x76: {  	_ =	shalt  }
0x77: {  	_ =	shalt  }
0x78: {  	_ =	shalt  }
0x79: {  	_ =	shalt  }
0x7a: {  	_ =	shalt  }
0x7b: {  	_ =	shalt  }
0x7c: {  	_ =	shalt  }
0x7d: {  	_ =	shalt  }
0x7e: {  	_ =	shalt  }
0x7f: {  	_ =	shalt  }
0x80: {  	_ =	shalt  }
0x81: {  	_ =	shalt  }
0x82: {  	_ =	shalt  }
0x83: {  	_ =	shalt  }
0x84: {  	_ =	shalt  }
0x85: {  	_ =	shalt  }
0x86: {  	_ =	shalt  }
0x87: {  	_ =	shalt  }
.Lfunc_end0:
.L_simem_size_0:
called_computation.1_lowered:
.L_overlay_start_0:
0x88: {  	s2 =	sld [smem:$0x3FD9]  }
0x89: {  	s3 =	sld [smem:$0x3FFE];
	_ =	sdelay $0x1  }
0x8a: {  	s1 =	srdreg.scid  }
0x8b: {  	s0 =	sand.u32 $0x1, s1  }
0x8c: {  	s14 =	sshll.u32 s0, $0xA;
	s2 =	sadd.s32 s3, s2  }
0x8d: {  	s2 =	sadd.s32 s2, s14  }
0x8e: {  	[smem:$0x3FB3] =	sst s2  }
0x8f: {  	_ = 	snop  }
0x90: {  	s2 =	sld [smem:$0x3FD0];
	_ =	sdelay $0x2  }
0x91: {  	s15 =	simm.s32 $0xA;
	s4 =	simm.s32 $0x10  }
0x92: {  	[smem:s4], [sflag:s15] =	dma.local [hbm:s2], $0x1  }
0x93: {  	_ =	swait.eq [sflag:s15], $0x1  }
0x94: {  	[sflag:s15] =	ssyncset.done $0x0  }
0x95: {  	[sflag:s15] =	ssyncadd.s32 $0xFFFFFFFF  }
0x96: {  	s16 =	sld [smem:$0x11];
	(tm) =	ssettm $0x1  }
0x97: {  	s17 =	sld [smem:$0x3FFB];
	_ =	sdelay $0x3  }
0x98: {  	_ =	strace s17  }
0x99: {  	s3 =	sld [smem:$0x3FFC];
	_ =	sdelay $0x3  }
0x9a: {  	_ =	strace s3  }
0x9b: {  	s3 =	sld [smem:$0x3FFD];
	_ =	sdelay $0x3  }
0x9c: {  	_ =	strace s3  }
0x9d: {  	_ =	strace $0x8FFFFFFF  }
0x9e: {  	s18 =	sld [smem:$0x3FDB];
	_ =	sdelay $0x1  }
0x9f: {  	s19 =	simm.s32 $_scs_section_size  }
0xa0: {  	s5 =	simm.s32 $_size__tile_overlayer_lowered;
	s6 =	simm.s32 $_tile_overlayer_lowered  }
0xa1: {  	s22 =	simm.s32 $0x1BFF;
	s21 =	sshll.u32 s6, $0x1;
	s3 =	sadd.s32 s19, s18  }
0xa2: {  	s7 =	simm.s32 $0x0;
	s20 =	sshll.u32 s5, $0x1;
	s5 =	sadd.s32 s21, s3  }
0xa3: {  	[timem:s7], [sflag:s22] =	dma.local [hbm:s5], s20  }
0xa4: {  	_ =	swait.ge [sflag:s22], s20  }
0xa5: {  	s4 =	ssub.s32 $0x0, s20;
	[sflag:s22] =	ssyncset.done $0x0  }
0xa6: {  	[sflag:s22] =	ssyncadd.s32 s4;
	_ =	sdelay $0x1  }
0xa7: {  	s23 =	simm.s32 $0x1B8B  }
0xa8: {  	_ =	swait.ge [sflag:s23], $0x1  }
0xa9: {  	[sflag:s23] =	ssyncset.done $0x0  }
0xaa: {  	s25 =	simm.s32 $0x1B8E;
	s24 =	sld [smem:$0x3FFE];
	[sflag:s23] =	ssyncadd.s32 $0xFFFFFFFF  }
0xab: {  	s26 =	simm.s32 $execute0_lowered;
	[smem:$0x3FD2] =	sst s25  }
0xac: {  	s5 =	sshll.u32 s26, $0x1;
	_ =	strace $0x80000049;
	[dreg:$0x1] =	wrdreg $0xFFFFFFFF  }
0xad: {  	s28 =	simm.s32 $_size_execute0_lowered;
	s3 =	sadd.s32 s3, s5;
	[dreg:$0x0] =	wrdreg $0x0  }
0xae: {  	s5 =	sshll.u32 s28, $0x1;
	[dreg:$0x2] =	wrdreg s3  }
0xaf: {  	[dreg:$0x3] =	wrdreg s5  }
0xb0: {  	[dreg:$0x4] =	wrdreg $0xC0  }
0xb1: {  	_ =	task [dreg:s7], $0x5FFFF  }
0xb2: {  	[dreg:$0x1] =	wrdreg $0xFFFFFFFF  }
0xb3: {  	[dreg:$0x0] =	wrdreg $0x60  }
0xb4: {  	[dreg:$0x2] =	wrdreg s16  }
0xb5: {  	[dreg:$0x3] =	wrdreg s24  }
0xb6: {  	[dreg:$0x4] =	wrdreg $0x4D000  }
0xb7: {  	[dreg:$0x5] =	wrdreg $0x9  }
0xb8: {  	_ =	task.clear_ibuf [dreg:s7], $0x6FFFF;
	_ =	strace $0x90000049  }
0xb9: {  	s29 =	simm.s32 $0x9;
	_ =	strace $0x8000004B  }
0xba: {  	_ =	swait.ge [sflag:s29], $0x1  }
0xbb: {  	[sflag:s29] =	ssyncadd.s32 $0xFFFFFFFF  }
0xbc: {  	_ =	strace $0x9000004B  }
0xbd: {  	_ =	sfence  }
0xbe: {  	s30 =	sld [smem:$0x0];
	_ =	sdelay $0x2  }
0xbf: {  	s31 =	sshll.u32 s1, $0xD;
	s1 =	sshrl.u32 s1, $0x2  }
0xc0: {  	s3 =	sand.u32 $0x4000, s31;
	s1 =	sadd.s32 s1, s30  }
0xc1: {  	s0 =	sor.u32 s3, s0;
	s1 =	sshll.u32 s1, $0x11  }
0xc2: {  	s0 =	sor.u32 s1, s0  }
0xc3: {  	s0 =	sadd.s32 $0x8F2B, s0  }
0xc4: {  	[sflag:s0] =	ssyncadd.remote.s32 $0x1  }
0xc5: {  	_ =	sfence.sel $0xFFFF  }
0xc6: {  	[dreg:$0x0] =	wrdreg $0xFFFFFFFF;
	(pc) =	sbr.abs _section_cstart, $3  }
0xc7: {  	[dreg:$0x1] =	wrdreg $0xFFFFFFFF  }
0xc8: {  	_ =	task.clear_ibuf [dreg:s7], $0x2FFFF;
	_ =	strace $0x9FFFFFFF  }
0xc9: {  	(tm) =	ssettm $0x7FFFFFFF  }
tec
execute0_lowered:
.L_overlay_start_1:
0x0: {  	(tag) =	ssettag $0x1  }
0x1: {  	s11 =	rddreg [dreg:$0x0]  }
0x2: {  	s4 =	rddreg [dreg:$0x1]  }
0x3: {  	s1 =	rddreg [dreg:$0x2]  }
0x4: {  	s0 =	rddreg [dreg:$0x3]  }
0x5: {  	s5 =	srdreg.scid;
	s2 =	stileid.u32  }
0x6: {  	s3 =	simm.s32 $0x0;
	s17 =	simm.s32 $0x80;
	s18 =	simm.s32 $0x2100  }
0x7: {  	s19 =	simm.s32 $0x1;
	s20 =	simm.s32 $0x3;
	s21 =	simm.s32 $0x40  }
0x8: {  	s7 =	sand.u32 $0x1, s5;
	s22 =	sshll.u32 s2, $0x1;
	s15 =	smul.u32 $0x13800, s2  }
0x9: {  	[smem:$0x7FF] =	sst s3;
	s13 =	sadd.s32 $0x2B000, s4;
	s25 =	smul.u32 $0x1388, s2  }
0xa: {  	s10 =	sadd.s32 $0x34E00, s4;
	s4 =	sadd.s32 $0x138000, s1;
	s29 =	smul.u32 $0x4E000, s2  }
0xb: {  	p0 =	sne.s32 s2, $0x0;
	s5 =	sor.u32 s7, s22;
	s14 =	smul.u32 $0x138800, s7  }
0xc: {  	_ =	strace $0x8000004A;
	s6 =	ssub.s32 $0x2, s7;
	s16 =	smul.u32 $0x9C4, s7  }
0xd: {  	s22 =	simm.s32 $0x6;
	s8 =	smul.u32 $0x9C4, s5;
	s23 =	sshrl.u32 s6, $0x1  }
0xe: {  	s12 =	ssub.s32 s6, s23;
	s15 =	sadd.s32 s15, s14;
	s14 =	sshrl.u32 s14, $0x3  }
0xf: {  	s23 =	simm.s32 $0x2;
	s5 =	sshrl.u32 s8, $0x5;
	s24 =	sadd.s32 $0x9C4, s8  }
0x10: {  	s9 =	sshrl.u32 s8, $0x1;
	s8 =	sshll.u32 s8, $0x5;
	s28 =	sshrl.u32 s15, $0x3  }
0x11: {  	s15 =	sshrl.u32 s29, $0x2;
	s6 =	sshrl.u32 s24, $0x5;
	s9 =	sand.u32 $0xFFF0, s9  }
0x12: {  	s26 =	sand.u32 $0x3FFC00, s8;
	s8 =	sadd.s32 s10, s28;
	s10 =	sadd.s32 s10, s14  }
0x13: {  	s24 =	simm.s32 $0x4;
	s5 =	ssub.s32 s6, s5;
	s6 =	sadd.s32 s13, s9  }
0x14: {  	s7 =	sadd.s32 s11, s26;
	s9 =	sadd.s32 s16, s25;
	s10 =	sadd.s32 $0x27000, s10  }
.Ltmp0:
0x15: {  	s25 =	simm.s32 $0x0;
	s16 =	sshrl.u32 s9, $0x5;
	(pc) =	sbr.rel .LBB2_1-.Ltmp0, $4  }
0x16: {  	s9 =	sadd.s32 s15, s1;
	s15 =	simm.s32 $0x5;
	p1 =	slt.s32 s5, $0x1  }
0x17: {  	s30 =	sshll.u32 s16, $0xA;
	s31 =	sshll.u32 s16, $0x4;
	s16 =	simm.s32 $0x100  }
0x18: {  	s14 =	sadd.s32 s30, s11;
	s11 =	smax.u32 s12, $0x1;
	s13 =	sadd.s32 s31, s13  }
0x19: {  	v0 =	vimm.f32 $0.0e+00;
	s12 =	sadd.s32 $0x400, s14;
	s13 =	sadd.s32 $0x10, s13;
	s14 =	simm.s32 $0x4100  }
.LBB2_14:
0x1a: {  	s28 =	sshll.u32 s2, $0x6  }
0x1b: {  	[bflag:$0x0] =	sbarrier.arrive $0xFFFF;
	s29 =	sshrl.u32 s9, $0x3;
	s28 =	sor.u32 $0x1C05, s28  }
0x1c: {  	[hbm:s8], [sflag:s28] =	dma.local [spmem:s29], $0x2700  }
0x1d: {  	s25 =	sadd.s32 $0x1, s25;
	_ =	swait.ge [sflag:s15], $0x2700  }
0x1e: {  	p2 =	sne.s32 s25, s11;
	[sflag:s15] =	ssyncset.done $0x0  }
.Ltmp1:
0x1f: {  	s29 =	sshrl.u32 @!p0 s4, $0x3;
	[sflag:s15] =	ssyncadd.s32 $0xFFFFD900;
	(pc) =	sbr.rel @!p2 .LBB2_15-.Ltmp1, $4  }
0x20: {  	[hbm:s10], [sflag:s28] =	dma.local @!p0 [spmem:s29], $0x100  }
0x21: {  	_ =	swait.ge @!p0 [sflag:s26], $0x100  }
0x22: {  	[sflag:s26] =	ssyncset.done @!p0 $0x0  }
0x23: {  	[sflag:s26] =	ssyncadd.s32 @!p0 $0xFFFFFF00  }
.LBB2_1:
0x24: {  	s26 =	simm.s32 $0x0;
	s28 =	simm.s32 $0x200  }
.LBB2_2:
0x25: {  	p2 =	sne.s32 s28, $0x2E00;
	[tilespmem:s26+$0x4170] =	vst v0  }
0x26: {  	[tilespmem:s26+$0x4100] =	vst v0  }
0x27: {  	[tilespmem:s26+$0x4110] =	vst v0  }
.Ltmp2:
0x28: {  	[tilespmem:s26+$0x4120] =	vst v0;
	(pc) =	sbr.rel @p2 .LBB2_2-.Ltmp2, $4  }
0x29: {  	[tilespmem:s26+$0x4130] =	vst v0  }
0x2a: {  	[tilespmem:s26+$0x4140] =	vst v0  }
0x2b: {  	[tilespmem:s26+$0x4150] =	vst v0  }
0x2c: {  	[tilespmem:s26+$0x4160] =	vst v0;
	s26 =	sshra.s32 s28, $0x2;
	s28 =	sadd.s32 $0x200, s28  }
0x2d: {  	[tilespmem:s26+$0x4170] =	vst v0  }
0x2e: {  	[tilespmem:s26+$0x4100] =	vst v0  }
0x2f: {  	[tilespmem:s26+$0x4110] =	vst v0  }
0x30: {  	[tilespmem:s26+$0x4120] =	vst v0  }
0x31: {  	[tilespmem:s26+$0x4130] =	vst v0  }
0x32: {  	[tilespmem:s26+$0x4140] =	vst v0  }
0x33: {  	[tilespmem:s26+$0x4150] =	vst v0  }
0x34: {  	[tilespmem:s26+$0x4160] =	vst v0;
	s31 =	sadd.s32 $0x0, s9  }
0x35: {  	[spmem:s31] =	stream.linear.scatter [tilespmem:s14], [sflag:$0x5], $0xC00, $0x38;
	[tilespmem:$0x18580] =	vst v63  }
0x36: {  	s26 =	simm.s32 $0x3000;
	_ =	swait.ge [sflag:s15], $0xC00  }
.LBB2_4:
0x37: {  	s28 =	sshra.s32 s26, $0x2;
	[sflag:s15] =	ssyncset.done $0x0;
	p2 =	sne.s32 s26, $0x4B000  }
.Ltmp3:
0x38: {  	s28 =	sadd.s32 s28, s9;
	[sflag:s15] =	ssyncadd.s32 $0xFFFFF400;
	(pc) =	sbr.rel @p2 .LBB2_4-.Ltmp3, $3  }
0x39: {  	[spmem:s28] =	stream.linear.scatter [tilespmem:s14], [sflag:$0x5], $0xC00, $0x38;
	[tilespmem:$0x18580] =	vst v63  }
0x3a: {  	s26 =	sadd.s32 $0x3000, s26;
	_ =	sdelay $0x1  }
0x3b: {  	_ =	swait.ge [sflag:s15], $0xC00  }
0x3c: {  	[sflag:s15] =	ssyncset.done $0x0  }
0x3d: {  	s26 =	simm.s32 @!p0 $0x4100;
	[sflag:s15] =	ssyncadd.s32 $0xFFFFF400  }
0x3e: {  	[spmem:s4] =	stream.linear.scatter @!p0 [tilespmem:s26], [sflag:$0x5], $0x800, $0x38;
	[tilespmem:$0x18580] =	vst v63  }
0x3f: {  	s26 =	simm.s32 @!p0 $0x5  }
0x40: {  	_ =	swait.ge @!p0 [sflag:s26], $0x800  }
0x41: {  	[sflag:s26] =	ssyncset.done @!p0 $0x0  }
.Ltmp4:
0x42: {  	[sflag:s26] =	ssyncadd.s32 @!p0 $0xFFFFF800;
	(pc) =	sbr.rel @!p1 .LBB2_6-.Ltmp4, $4  }
.Ltmp5:
0x43: {  	s28 =	simm.s32 $0x0;
	[bflag:$0x0] =	sbarrier.arrive $0xFFFF;
	(pc) =	sbr.rel @p1 .LBB2_14-.Ltmp5, $4  }
0x44: {  	[tilespmem:s28], [sflag:$0x1] =	stream.linear.gather [hbm4b:s6+s28], $0x80, $0x38;
	[tilespmem:$0x18580] =	vst v63  }
0x45: {  	s29 =	smov.u32 s13;
	s30 =	smov.u32 s12  }
0x46: {  	[tilespmem:s16], [sflag:$0x3] =	stream.linear.gather [hbm4b:s7+s28], $0x2000, $0x38;
	[tilespmem:$0x18580] =	vst v63  }
0x47: {  	_ = 	snop  }
.LBB2_12:
0x48: {  	_ =	swait.ge [sflag:s23], $0x80  }
0x49: {  	[sflag:s23] =	ssyncset.done $0x0  }
0x4a: {  	[sflag:s23] =	ssyncadd.s32 $0xFFFFFF80  }
0x4b: {  	_ =	swait.ge [sflag:s24], $0x2000  }
0x4c: {  	[sflag:s24] =	ssyncset.done $0x0  }
0x4d: {  	[sflag:s24] =	ssyncadd.s32 $0xFFFFE000  }
0x4e: {  	[spmem:s1] =	stream.indirect.scatter.add.f32 [tilespmem:s18], [sflag:$0x5], $0x80, s17, s21, $0xb8;
	[tilespmem:$0x18580] =	vst v63  }
0x4f: {  	_ =	swait.ge [sflag:s15], $0x2000  }
0x50: {  	[sflag:s15] =	ssyncset.done $0x0  }
0x51: {  	[sflag:s15] =	ssyncadd.s32 $0xFFFFE000  }
.LBB2_13:
0x52: {  	p2 =	slt.s32 s28, s5  }
.Ltmp6:
0x53: {  	_ = 	snop;
	(pc) =	sbr.rel @!p2 .LBB2_14-.Ltmp6, $2  }
0x54: {  	_ =	sdelay $0x2  }
0x55: {  	s30 =	sadd.s32 $0x400, s30;
	s29 =	sadd.s32 $0x10, s29  }
.LBB2_6:
0x56: {  	s31 =	sand.u32 $0x1, s28;
	s28 =	sadd.s32 $0x1, s28  }
0x57: {  	p2 =	sge.s32 s28, s5  }
.Ltmp7:
0x58: {  	_ = 	snop;
	(pc) =	sbr.rel @p2 .LBB2_10-.Ltmp7, $1  }
0x59: {  	_ =	sdelay $0x3  }
0x5a: {  	p2 =	seq.s32 s31, $0x1  }
.Ltmp8:
0x5b: {  	_ = 	snop;
	(pc) =	sbr.rel @!p2 .LBB2_8-.Ltmp8, $1  }
0x5c: {  	_ =	sdelay $0x3  }
0x5d: {  	[tilespmem:s3], [sflag:$0x1] =	stream.linear.gather [hbm4b:s29+s3], $0x80, $0x38;
	[tilespmem:$0x18580] =	vst v63  }
0x5e: {  	_ = 	snop  }
0x5f: {  	[tilespmem:s16], [sflag:$0x3] =	stream.linear.gather [hbm4b:s30+s3], $0x2000, $0x38;
	[tilespmem:$0x18580] =	vst v63  }
.LBB2_10:
0x60: {  	p2 =	sne.s32 s31, $0x0  }
.Ltmp9:
0x61: {  	_ = 	snop;
	(pc) =	sbr.rel @p2 .LBB2_12-.Ltmp9, $4  }
.Ltmp10:
0x62: {  	_ = 	snop;
	(pc) =	sbr.rel @!p2 .LBB2_11-.Ltmp10, $4  }
0x63: {  	_ = 	snop  }
0x64: {  	_ = 	snop  }
0x65: {  	_ = 	snop  }
0x66: {  	_ = 	snop  }
.LBB2_8:
0x67: {  	[tilespmem:s17], [sflag:$0x2] =	stream.linear.gather [hbm4b:s29+s3], $0x80, $0x38;
	[tilespmem:$0x18580] =	vst v63  }
0x68: {  	_ = 	snop  }
0x69: {  	[tilespmem:s18], [sflag:$0x4] =	stream.linear.gather [hbm4b:s30+s3], $0x2000, $0x38;
	[tilespmem:$0x18580] =	vst v63  }
.LBB2_11:
0x6a: {  	_ =	swait.ge [sflag:s19], $0x80  }
0x6b: {  	[sflag:s19] =	ssyncset.done $0x0  }
0x6c: {  	[sflag:s19] =	ssyncadd.s32 $0xFFFFFF80  }
0x6d: {  	_ =	swait.ge [sflag:s20], $0x2000  }
0x6e: {  	[sflag:s20] =	ssyncset.done $0x0  }
0x6f: {  	p2 =	seq.s32 s31, $0x0;
	[sflag:s20] =	ssyncadd.s32 $0xFFFFE000  }
0x70: {  	[spmem:s1] =	stream.indirect.scatter.add.f32 [tilespmem:s16], [sflag:$0x6], $0x80, s3, s21, $0xb8;
	[tilespmem:$0x18580] =	vst v63  }
.Ltmp11:
0x71: {  	_ = 	snop;
	(pc) =	sbr.rel @p2 .LBB2_13-.Ltmp11, $4  }
.Ltmp12:
0x72: {  	_ = 	snop;
	(pc) =	sbr.rel @!p2 .LBB2_12-.Ltmp12, $4  }
0x73: {  	_ =	swait.ge [sflag:s22], $0x2000  }
0x74: {  	[sflag:s22] =	ssyncset.done $0x0  }
0x75: {  	[sflag:s22] =	ssyncadd.s32 $0xFFFFE000  }
0x76: {  	_ = 	snop  }
.LBB2_15:
0x77: {  	_ =	sfence.sel $0x180000  }
0x78: {  	[bflag:$0x0] =	sbarrier.arrive $0xFFFF  }
0x79: {  	_ =	strace $0x9000004A  }
0x7a: {  	s0 =	sadd.s32 @!p0 $0x100000, s0;
	[bflag:$0x2] =	sbarrier.arrive $0xFFFF  }
0x7b: {  	[sflag:s0] =	ssyncadd.tile.s32 @!p0 $0x1;
	_ =	shalt  }
.Lfunc_end2:
_tile_overlayer_lowered:
.L_overlay_start_2:
0x7c: {  	(tag) =	ssettag $0x2  }
0x7d: {  	s0 =	rddreg [dreg:$0x0];
	s2 =	stileid.u32  }
0x7e: {  	s1 =	rddreg [dreg:$0x1];
	p0 =	sne.s32 s2, $0x0  }
0x7f: {  	s3 =	rddreg [dreg:$0x2];
	[bflag:$0x3] =	sbarrier.arrive $0xFFFF;
	s2 =	simm.s32 @!p0 $0x1C05  }
0x80: {  	[timem:s3], [sflag:s2] =	dma.local @!p0 [hbm:s0], s1  }
0x81: {  	s0 =	simm.s32 @!p0 $0x5  }
0x82: {  	_ =	swait.ge @!p0 [sflag:s0], s1  }
0x83: {  	s1 =	ssub.s32 @!p0 $0x0, s1;
	[sflag:s0] =	ssyncset.done @!p0 $0x0  }
0x84: {  	[sflag:s0] =	ssyncadd.s32 @!p0 s1  }
0x85: {  	[bflag:$0x3] =	sbarrier.arrive $0xFFFF  }
0x86: {  	_ =	shalt  }

// kernel: kernel.7.cloned.1.call-start
scs
__scs_entry_jumppad:
0x0: {  	(pc) =	sbr.rel $0x88, $3  }
0x1: {  	(tag) =	ssettag $0x0;
	lr =	simm.s32 $0x1  }
0x2: {  	[smem:$0x3F8C] =	sst lr;
	_ =	strace $0xD0000000  }
0x3: {  	_ = 	snop  }
0x4: {  	_ = 	snop  }
0x5: {  	_ = 	snop  }
0x6: {  	_ = 	snop  }
0x7: {  	_ = 	snop  }
__scs_overlays_trampoline_lowered:
0x8: {  	[smem:$0x3F9B] =	sst s0  }
0x9: {  	[smem:$0x3F9C] =	sst s1  }
0xa: {  	[smem:$0x3F9D] =	sst s2  }
0xb: {  	[smem:$0x3F9E] =	sst s3  }
0xc: {  	[smem:$0x3F9F] =	sst s4  }
0xd: {  	[smem:$0x3FA0] =	sst s5  }
0xe: {  	[smem:$0x3FA1] =	sst s6  }
0xf: {  	[smem:$0x3FA2] =	sst s7  }
0x10: {  	[smem:$0x3FA3] =	sst s8  }
0x11: {  	[smem:$0x3FA4] =	sst s9;
	s0 =	simm.s32 @!p0 $0x0  }
0x12: {  	s1 =	sld [smem:$0x3F8A];
	s0 =	simm.s32 @p0 $0x1  }
0x13: {  	[smem:$0x3FA5] =	sst s0;
	s0 =	simm.s32 @!p1 $0x0  }
0x14: {  	s2 =	sld [smem:$0x3F89];
	s0 =	simm.s32 @p1 $0x1  }
0x15: {  	[smem:$0x3FA6] =	sst s0;
	s0 =	simm.s32 @!p2 $0x0  }
0x16: {  	s3 =	sld [smem:$0x3FDB];
	s0 =	simm.s32 @p2 $0x1  }
0x17: {  	s4 =	simm.s32 $0x1BF5;
	[smem:$0x3FA8] =	sst s0  }
0x18: {  	s0 =	sld [smem:$0x3F8B];
	_ =	swait.ge [sflag:s4], $0x0  }
0x19: {  	s7 =	sld [smem:$0x3F8C]  }
0x1a: {  	s8 =	sadd.s32 $0xFFFFE003, lr  }
0x1b: {  	s9 =	sadd.s32 $0xFFFFFEF7, lr;
	s5 =	simm.s32 $0xFFFFFFFF;
	p2 =	slt.u32 s8, $0xFFFFF086  }
0x1c: {  	p1 =	slt.u32 s9, $0xF7A;
	s5 =	simm.s32 @!p2 $0x0  }
0x1d: {  	s5 =	simm.s32 @p1 $0x1;
	p0 =	seq.s32 s7, s2  }
0x1e: {  	s7 =	smul.u32 @!p0 $0xF7A, s2;
	p2 =	seq.s32 @!p0 s5, $0x0  }
0x1f: {  	s9 =	smul.u32 $0xF7A, s1;
	s8 =	simm.s32 @!p0 $0x1BF5;
	p2 =	por !p2, p0  }
0x20: {  	[sflag:s8] =	ssyncset.s32 @!p0 $0xFFFFF086;
	s6 =	sadd.s32 @!p0 s3, s7;
	s7 =	simm.s32 @!p0 $0x108  }
0x21: {  	s3 =	sadd.s32 s3, s9;
	s6 =	sadd.s32 @!p0 $0x88, s6;
	s7 =	simm.s32 @p2 $0x1082  }
0x22: {  	[simem:s7], [sflag:s8] =	dma.local @!p0 [hbm:s6], $0xF7A  }
0x23: {  	s9 =	sor.u32 $0xD0000000, s2;
	s6 =	simm.s32 $0x108;
	_ =	swait.ge @!p0 [sflag:s8], $0x0  }
0x24: {  	s3 =	sadd.s32 $0x88, s3;
	s6 =	simm.s32 @!p1 $0x1082;
	[sflag:s4] =	ssyncset.s32 $0xFFFFF086  }
0x25: {  	[simem:s6], [sflag:s4] =	dma.local [hbm:s3], $0xF7A  }
0x26: {  	[smem:$0x3F8C] =	sst s1;
	(tag) =	ssettag s2;
	_ =	strace s9  }
0x27: {  	s1 =	sld [smem:$0x3F9C]  }
0x28: {  	s2 =	sld [smem:$0x3F9D]  }
0x29: {  	s4 =	sld [smem:$0x3F9F]  }
0x2a: {  	p0 =	seq.s32 s5, $0x0;
	s5 =	sld [smem:$0x3FA0]  }
0x2b: {  	s6 =	sld [smem:$0x3FA1]  }
0x2c: {  	s7 =	sld [smem:$0x3FA2]  }
0x2d: {  	s3 =	simm.s32 $0x108;
	s8 =	sld [smem:$0x3FA3]  }
0x2e: {  	s3 =	simm.s32 @!p0 $0x1082;
	s9 =	sld [smem:$0x3FA4]  }
0x2f: {  	lr =	sadd.s32 s0, s3;
	s0 =	sld [smem:$0x3F9B]  }
0x30: {  	s3 =	sld [smem:$0x3F9E]  }
0x31: {  	[smem:$0x3FA7] =	sst s10  }
0x32: {  	s10 =	sld [smem:$0x3FA5];
	_ =	sdelay $0x3  }
0x33: {  	p0 =	seq.s32 s10, $0x1;
	s10 =	sld [smem:$0x3FA7];
	_ =	sdelay $0x3  }
0x34: {  	[smem:$0x3FA7] =	sst s10  }
0x35: {  	s10 =	sld [smem:$0x3FA6];
	_ =	sdelay $0x3  }
0x36: {  	p1 =	seq.s32 s10, $0x1;
	s10 =	sld [smem:$0x3FA7];
	_ =	sdelay $0x3  }
0x37: {  	[smem:$0x3FA7] =	sst s10  }
0x38: {  	s10 =	sld [smem:$0x3FA8]  }
0x39: {  	_ = 	snop;
	(pc) =	sbr.ind lr, $3  }
0x3a: {  	_ = 	snop  }
0x3b: {  	_ = 	snop  }
0x3c: {  	p2 =	seq.s32 s10, $0x1;
	s10 =	sld [smem:$0x3FA7]  }
0x3d: {  	_ =	shalt  }
0x3e: {  	_ =	shalt  }
0x3f: {  	_ =	shalt  }
0x40: {  	_ =	shalt  }
0x41: {  	_ =	shalt  }
0x42: {  	_ =	shalt  }
0x43: {  	_ =	shalt  }
0x44: {  	_ =	shalt  }
0x45: {  	_ =	shalt  }
0x46: {  	_ =	shalt  }
0x47: {  	_ =	shalt  }
0x48: {  	_ =	shalt  }
0x49: {  	_ =	shalt  }
0x4a: {  	_ =	shalt  }
0x4b: {  	_ =	shalt  }
0x4c: {  	_ =	shalt  }
0x4d: {  	_ =	shalt  }
0x4e: {  	_ =	shalt  }
0x4f: {  	_ =	shalt  }
0x50: {  	_ =	shalt  }
0x51: {  	_ =	shalt  }
0x52: {  	_ =	shalt  }
0x53: {  	_ =	shalt  }
0x54: {  	_ =	shalt  }
0x55: {  	_ =	shalt  }
0x56: {  	_ =	shalt  }
0x57: {  	_ =	shalt  }
0x58: {  	_ =	shalt  }
0x59: {  	_ =	shalt  }
0x5a: {  	_ =	shalt  }
0x5b: {  	_ =	shalt  }
0x5c: {  	_ =	shalt  }
0x5d: {  	_ =	shalt  }
0x5e: {  	_ =	shalt  }
0x5f: {  	_ =	shalt  }
0x60: {  	_ =	shalt  }
0x61: {  	_ =	shalt  }
0x62: {  	_ =	shalt  }
0x63: {  	_ =	shalt  }
0x64: {  	_ =	shalt  }
0x65: {  	_ =	shalt  }
0x66: {  	_ =	shalt  }
0x67: {  	_ =	shalt  }
0x68: {  	_ =	shalt  }
0x69: {  	_ =	shalt  }
0x6a: {  	_ =	shalt  }
0x6b: {  	_ =	shalt  }
0x6c: {  	_ =	shalt  }
0x6d: {  	_ =	shalt  }
0x6e: {  	_ =	shalt  }
0x6f: {  	_ =	shalt  }
0x70: {  	_ =	shalt  }
0x71: {  	_ =	shalt  }
0x72: {  	_ =	shalt  }
0x73: {  	_ =	shalt  }
0x74: {  	_ =	shalt  }
0x75: {  	_ =	shalt  }
0x76: {  	_ =	shalt  }
0x77: {  	_ =	shalt  }
0x78: {  	_ =	shalt  }
0x79: {  	_ =	shalt  }
0x7a: {  	_ =	shalt  }
0x7b: {  	_ =	shalt  }
0x7c: {  	_ =	shalt  }
0x7d: {  	_ =	shalt  }
0x7e: {  	_ =	shalt  }
0x7f: {  	_ =	shalt  }
0x80: {  	_ =	shalt  }
0x81: {  	_ =	shalt  }
0x82: {  	_ =	shalt  }
0x83: {  	_ =	shalt  }
0x84: {  	_ =	shalt  }
0x85: {  	_ =	shalt  }
0x86: {  	_ =	shalt  }
0x87: {  	_ =	shalt  }
.Lfunc_end0:
.L_simem_size_0:
called_computation_lowered:
.L_overlay_start_0:
0x88: {  	s2 =	sld [smem:$0x3FD9]  }
0x89: {  	s3 =	sld [smem:$0x3FFE];
	_ =	sdelay $0x1  }
0x8a: {  	s1 =	srdreg.scid  }
0x8b: {  	s0 =	sand.u32 $0x1, s1  }
0x8c: {  	s14 =	sshll.u32 s0, $0xA;
	s2 =	sadd.s32 s3, s2  }
0x8d: {  	s2 =	sadd.s32 s2, s14  }
0x8e: {  	[smem:$0x3FB3] =	sst s2  }
0x8f: {  	_ = 	snop  }
0x90: {  	s2 =	sld [smem:$0x3FD0];
	_ =	sdelay $0x2  }
0x91: {  	s15 =	simm.s32 $0xA;
	s4 =	simm.s32 $0x10  }
0x92: {  	[smem:s4], [sflag:s15] =	dma.local [hbm:s2], $0x1  }
0x93: {  	_ =	swait.eq [sflag:s15], $0x1  }
0x94: {  	[sflag:s15] =	ssyncset.done $0x0  }
0x95: {  	s16 =	sld [smem:$0x10];
	[sflag:s15] =	ssyncadd.s32 $0xFFFFFFFF  }
0x96: {  	s17 =	sld [smem:$0x11];
	(tm) =	ssettm $0x1  }
0x97: {  	s18 =	sld [smem:$0x3FFB];
	_ =	sdelay $0x3  }
0x98: {  	_ =	strace s18  }
0x99: {  	s4 =	sld [smem:$0x3FFC];
	_ =	sdelay $0x3  }
0x9a: {  	_ =	strace s4  }
0x9b: {  	s4 =	sld [smem:$0x3FFD];
	_ =	sdelay $0x3  }
0x9c: {  	_ =	strace s4  }
0x9d: {  	_ =	strace $0x8FFFFFFF  }
0x9e: {  	s19 =	sld [smem:$0x3FDB];
	_ =	sdelay $0x1  }
0x9f: {  	s5 =	simm.s32 $_scs_section_size  }
0xa0: {  	s6 =	simm.s32 $_size__tile_overlayer_lowered;
	s7 =	simm.s32 $_tile_overlayer_lowered  }
0xa1: {  	s22 =	simm.s32 $0x1BFF;
	s21 =	sshll.u32 s7, $0x1;
	s4 =	sadd.s32 s5, s19  }
0xa2: {  	s8 =	simm.s32 $0x0;
	s20 =	sshll.u32 s6, $0x1;
	s6 =	sadd.s32 s21, s4  }
0xa3: {  	[timem:s8], [sflag:s22] =	dma.local [hbm:s6], s20  }
0xa4: {  	_ =	swait.ge [sflag:s22], s20  }
0xa5: {  	s5 =	ssub.s32 $0x0, s20;
	[sflag:s22] =	ssyncset.done $0x0  }
0xa6: {  	[sflag:s22] =	ssyncadd.s32 s5;
	_ =	sdelay $0x1  }
0xa7: {  	s23 =	simm.s32 $0x1B8B  }
0xa8: {  	_ =	swait.ge [sflag:s23], $0x1  }
0xa9: {  	[sflag:s23] =	ssyncset.done $0x0  }
0xaa: {  	s25 =	simm.s32 $0x1B8E;
	s24 =	sld [smem:$0x3FFE];
	[sflag:s23] =	ssyncadd.s32 $0xFFFFFFFF  }
0xab: {  	s26 =	simm.s32 $execute0_lowered;
	[smem:$0x3FD2] =	sst s25  }
0xac: {  	s6 =	sshll.u32 s26, $0x1;
	_ =	strace $0x80000046;
	[dreg:$0x1] =	wrdreg $0xFFFFFFFF  }
0xad: {  	s28 =	simm.s32 $_size_execute0_lowered;
	s4 =	sadd.s32 s4, s6;
	[dreg:$0x0] =	wrdreg $0x0  }
0xae: {  	s6 =	sshll.u32 s28, $0x1;
	[dreg:$0x2] =	wrdreg s4  }
0xaf: {  	[dreg:$0x3] =	wrdreg s6  }
0xb0: {  	[dreg:$0x4] =	wrdreg $0xC0  }
0xb1: {  	_ =	task [dreg:s8], $0x5FFFF  }
0xb2: {  	[dreg:$0x1] =	wrdreg $0xFFFFFFFF  }
0xb3: {  	[dreg:$0x0] =	wrdreg $0x60  }
0xb4: {  	[dreg:$0x2] =	wrdreg s17  }
0xb5: {  	[dreg:$0x3] =	wrdreg s16  }
0xb6: {  	[dreg:$0x4] =	wrdreg s24  }
0xb7: {  	[dreg:$0x5] =	wrdreg $0x9  }
0xb8: {  	_ =	task.clear_ibuf [dreg:s8], $0x6FFFF;
	_ =	strace $0x90000046  }
0xb9: {  	s29 =	simm.s32 $0x9;
	_ =	strace $0x80000048  }
0xba: {  	_ =	swait.ge [sflag:s29], $0x1  }
0xbb: {  	[sflag:s29] =	ssyncadd.s32 $0xFFFFFFFF  }
0xbc: {  	_ =	strace $0x90000048  }
0xbd: {  	_ =	sfence  }
0xbe: {  	s30 =	sld [smem:$0x0];
	_ =	sdelay $0x2  }
0xbf: {  	s31 =	sshll.u32 s1, $0xD;
	s1 =	sshrl.u32 s1, $0x2  }
0xc0: {  	s3 =	sand.u32 $0x4000, s31;
	s1 =	sadd.s32 s1, s30  }
0xc1: {  	s0 =	sor.u32 s3, s0;
	s1 =	sshll.u32 s1, $0x11  }
0xc2: {  	s0 =	sor.u32 s1, s0  }
0xc3: {  	s0 =	sadd.s32 $0x8F2B, s0  }
0xc4: {  	[sflag:s0] =	ssyncadd.remote.s32 $0x1  }
0xc5: {  	_ =	sfence.sel $0xFFFF  }
0xc6: {  	[dreg:$0x0] =	wrdreg $0xFFFFFFFF;
	(pc) =	sbr.abs _section_cstart, $3  }
0xc7: {  	[dreg:$0x1] =	wrdreg $0xFFFFFFFF  }
0xc8: {  	_ =	task.clear_ibuf [dreg:s8], $0x2FFFF;
	_ =	strace $0x9FFFFFFF  }
0xc9: {  	(tm) =	ssettm $0x7FFFFFFF  }
tec
execute0_lowered:
.L_overlay_start_1:
0x0: {  	(tag) =	ssettag $0x1  }
0x1: {  	s2 =	rddreg [dreg:$0x0]  }
0x2: {  	s0 =	srdreg.scid;
	s3 =	rddreg [dreg:$0x1]  }
0x3: {  	s4 =	stileid.u32;
	s6 =	rddreg [dreg:$0x2]  }
0x4: {  	s11 =	simm.s32 $0xD;
	s13 =	simm.s32 $0x4F00;
	s30 =	simm.s32 $0x8F00  }
0x5: {  	s31 =	simm.s32 $0x18F00;
	s14 =	simm.s32 $0x3;
	s15 =	simm.s32 $0x6  }
0x6: {  	s16 =	simm.s32 $0x9;
	s17 =	simm.s32 $0xC;
	s18 =	simm.s32 $0x2  }
0x7: {  	s28 =	simm.s32 $0xA;
	s29 =	simm.s32 $0x0;
	s0 =	sand.u32 $0x1, s0  }
0x8: {  	s1 =	sshll.u32 s4, $0x1;
	s5 =	smul.u32 $0x1388, s4;
	s4 =	simm.s32 $0x0  }
0x9: {  	s1 =	sor.u32 s0, s1;
	s7 =	smul.u32 $0x9C4, s0;
	s0 =	ssub.s32 $0x2, s0  }
0xa: {  	[smem:$0x7FF] =	sst s4;
	s1 =	smul.u32 $0x9C4, s1;
	s20 =	sshrl.u32 s0, $0x1  }
0xb: {  	_ =	strace $0x80000047;
	s5 =	sadd.s32 s7, s5;
	s0 =	ssub.s32 s0, s20  }
0xc: {  	s20 =	simm.s32 $0xCF00;
	s8 =	sshrl.u32 s1, $0x1;
	s5 =	sshll.u32 s5, $0x6  }
0xd: {  	s21 =	sadd.s32 $0x9C4, s1;
	s1 =	sshrl.u32 s1, $0x5;
	s0 =	smax.u32 s0, $0x1  }
0xe: {  	s19 =	sand.u32 $0xFFF0, s8;
	s5 =	sand.u32 $0xFFF800, s5;
	s22 =	sshrl.u32 s21, $0x5  }
0xf: {  	[dreg:$0x6] =	wrdreg s0;
	s21 =	simm.s32 $0x10F00;
	s7 =	sadd.s32 s19, s6  }
0x10: {  	s6 =	sadd.s32 s5, s6;
	s5 =	ssub.s32 s22, s1;
	s19 =	simm.s32 $0x5  }
0x11: {  	s22 =	simm.s32 $0x8;
	s23 =	sadd.s32 $0x34E00, s7;
	s24 =	sadd.s32 $0x2B000, s7  }
.Ltmp0:
0x12: {  	s25 =	sadd.s32 $0x3EC00, s6;
	[dreg:$0x4] =	wrdreg s23;
	(pc) =	sbr.rel .LBB2_1-.Ltmp0, $4  }
0x13: {  	s26 =	sadd.s32 $0x520C00, s6;
	p0 =	slt.s32 s5, $0x1;
	[dreg:$0x5] =	wrdreg s24  }
0x14: {  	v2 =	vlaneseq.u32;
	p1 =	seq.s32 s5, $0x4E;
	p2 =	sne.s32 s5, $0x4F;
	[dreg:$0x7] =	wrdreg s25  }
0x15: {  	vm0 =	vmmov $0xffff;
	v1 =	vshrl.u32 v2, $0x3;
	s7 =	simm.s32 $0x14F00;
	[dreg:$0x8] =	wrdreg s26;
	s23 =	simm.s32 $0xB  }
0x16: {  	v0 =	vand.u32 $0x7, v2;
	v2 =	vor.u32 $0x8, v2;
	v1 =	vmul.u32 $0x8, v1;
	s24 =	simm.s32 $0x1;
	s25 =	simm.s32 $0x4;
	s26 =	simm.s32 $0x7  }
.LBB2_13:
0x17: {  	s0 =	simm.s32 $0xC;
	s1 =	simm.s32 $0x9;
	s6 =	simm.s32 $0xB  }
0x18: {  	s9 =	simm.s32 $0x8;
	s10 =	simm.s32 $0xA;
	s8 =	simm.s32 $0x7  }
.LBB2_16:
0x19: {  	_ =	swait.ge [sflag:s8], $0x4000  }
0x1a: {  	[sflag:s8] =	ssyncset.done $0x0  }
0x1b: {  	[sflag:s8] =	ssyncadd.s32 $0xFFFFC000  }
0x1c: {  	_ =	swait.ge [sflag:s10], $0x4000  }
0x1d: {  	[sflag:s10] =	ssyncset.done $0x0  }
0x1e: {  	[sflag:s10] =	ssyncadd.s32 $0xFFFFC000  }
0x1f: {  	_ =	swait.ge [sflag:s9], $0x4000  }
0x20: {  	[sflag:s9] =	ssyncset.done $0x0  }
0x21: {  	[sflag:s9] =	ssyncadd.s32 $0xFFFFC000  }
0x22: {  	_ =	swait.ge [sflag:s6], $0x4000  }
0x23: {  	[sflag:s6] =	ssyncset.done $0x0  }
0x24: {  	[sflag:s6] =	ssyncadd.s32 $0xFFFFC000  }
0x25: {  	_ =	swait.ge [sflag:s1], $0x4000  }
0x26: {  	[sflag:s1] =	ssyncset.done $0x0  }
0x27: {  	[sflag:s1] =	ssyncadd.s32 $0xFFFFC000  }
0x28: {  	_ =	swait.ge [sflag:s0], $0x4000  }
0x29: {  	[sflag:s0] =	ssyncset.done $0x0  }
0x2a: {  	[sflag:s0] =	ssyncadd.s32 $0xFFFFC000  }
.LBB2_17:
0x2b: {  	s29 =	sadd.s32 $0x1, s29;
	s0 =	rddreg [dreg:$0x6]  }
0x2c: {  	p3 =	sne.s32 s29, s0  }
.Ltmp1:
0x2d: {  	_ = 	snop;
	(pc) =	sbr.rel @!p3 .LBB2_18-.Ltmp1, $1  }
0x2e: {  	_ =	sdelay $0x3  }
.LBB2_1:
0x2f: {  	s0 =	rddreg [dreg:$0x4]  }
0x30: {  	[tilespmem:s4], [sflag:$0xD] =	stream.linear.gather [hbm4b:s0+s4], $0x2780, $0x38;
	[tilespmem:$0x1CF00] =	vst v63  }
0x31: {  	_ =	swait.ge [sflag:s11], $0x2780  }
0x32: {  	[sflag:s11] =	ssyncset.done $0x0  }
0x33: {  	s1 =	simm.s32 $0x2780;
	s12 =	rddreg [dreg:$0x5];
	[sflag:s11] =	ssyncadd.s32 $0xFFFFD880  }
0x34: {  	[tilespmem:s1], [sflag:$0xD] =	stream.linear.gather [hbm4b:s12+s4], $0x2780, $0x38;
	[tilespmem:$0x1CF00] =	vst v63  }
0x35: {  	_ =	swait.ge [sflag:s11], $0x2780  }
0x36: {  	[sflag:s11] =	ssyncset.done $0x0  }
0x37: {  	[sflag:s11] =	ssyncadd.s32 $0xFFFFD880  }
0x38: {  	v3 =	vld [tilespmem:$0x0];
	_ =	sdelay $0x4  }
0x39: {  	v4 =	vshll.u32 v3, $0x1  }
0x3a: {  	v3 =	vand.u32 $0x7, v3;
	v4 =	vand.u32 $0xFFFFFFF0, v4  }
0x3b: {  	v3 =	vor.u32 v3, v4  }
0x3c: {  	v4 =	vperm.xlane v3, v0;
	_ =	sdelay $0x1  }
0x3d: {  	v3 =	vperm.xlane v3, v2;
	v4 =	vadd.s32 v1, v4;
	_ =	sdelay $0x1  }
0x3e: {  	v3 =	vadd.s32 v1, v3;
	_ =	sdelay $0x2  }
0x3f: {  	[tilespmem:s13], [sflag:$0x1] =	stream.indirect_vreg.gather [hbm4b:s2+s4], $0x80, v4, vm0, $0xb8;
	[tilespmem:$0x1CF00] =	vst v63  }
0x40: {  	s1 =	simm.s32 $0x5700  }
0x41: {  	[tilespmem:s1], [sflag:$0x1] =	stream.indirect_vreg.gather [hbm4b:s2+s4], $0x80, v3, vm0, $0xb8;
	[tilespmem:$0x1CF00] =	vst v63  }
0x42: {  	v3 =	vld [tilespmem:$0x10];
	_ =	sdelay $0x4  }
0x43: {  	v41 =	vshll.u32 v3, $0x1  }
0x44: {  	v3 =	vand.u32 $0x7, v3;
	v4 =	vand.u32 $0xFFFFFFF0, v41  }
0x45: {  	v3 =	vor.u32 v3, v4  }
0x46: {  	v4 =	vperm.xlane v3, v0;
	_ =	sdelay $0x1  }
0x47: {  	v3 =	vperm.xlane v3, v2;
	v4 =	vadd.s32 v1, v4;
	_ =	sdelay $0x1  }
0x48: {  	v3 =	vadd.s32 v1, v3;
	_ =	sdelay $0x1  }
0x49: {  	s6 =	simm.s32 $0x5F00  }
0x4a: {  	[tilespmem:s6], [sflag:$0x1] =	stream.indirect_vreg.gather [hbm4b:s2+s4], $0x80, v4, vm0, $0xb8;
	[tilespmem:$0x1CF00] =	vst v63  }
0x4b: {  	s8 =	simm.s32 $0x6700  }
0x4c: {  	[tilespmem:s8], [sflag:$0x1] =	stream.indirect_vreg.gather [hbm4b:s2+s4], $0x80, v3, vm0, $0xb8;
	[tilespmem:$0x1CF00] =	vst v63  }
0x4d: {  	v3 =	vld [tilespmem:$0x20];
	_ =	sdelay $0x4  }
0x4e: {  	v42 =	vshll.u32 v3, $0x1  }
0x4f: {  	v3 =	vand.u32 $0x7, v3;
	v4 =	vand.u32 $0xFFFFFFF0, v42  }
0x50: {  	v3 =	vor.u32 v3, v4  }
0x51: {  	v4 =	vperm.xlane v3, v0;
	_ =	sdelay $0x1  }
0x52: {  	v3 =	vperm.xlane v3, v2;
	v4 =	vadd.s32 v1, v4;
	_ =	sdelay $0x1  }
0x53: {  	v3 =	vadd.s32 v1, v3;
	_ =	sdelay $0x1  }
0x54: {  	s9 =	simm.s32 $0x6F00  }
0x55: {  	[tilespmem:s9], [sflag:$0x1] =	stream.indirect_vreg.gather [hbm4b:s2+s4], $0x80, v4, vm0, $0xb8;
	[tilespmem:$0x1CF00] =	vst v63  }
0x56: {  	s10 =	simm.s32 $0x7700  }
0x57: {  	[tilespmem:s10], [sflag:$0x1] =	stream.indirect_vreg.gather [hbm4b:s2+s4], $0x80, v3, vm0, $0xb8;
	[tilespmem:$0x1CF00] =	vst v63  }
0x58: {  	v3 =	vld [tilespmem:$0x30];
	_ =	sdelay $0x4  }
0x59: {  	v43 =	vshll.u32 v3, $0x1  }
0x5a: {  	v3 =	vand.u32 $0x7, v3;
	v4 =	vand.u32 $0xFFFFFFF0, v43  }
0x5b: {  	v3 =	vor.u32 v3, v4  }
0x5c: {  	v4 =	vperm.xlane v3, v0;
	_ =	sdelay $0x1  }
0x5d: {  	v3 =	vperm.xlane v3, v2;
	v4 =	vadd.s32 v1, v4;
	_ =	sdelay $0x1  }
0x5e: {  	v3 =	vadd.s32 v1, v3;
	_ =	sdelay $0x1  }
0x5f: {  	s12 =	simm.s32 $0x7F00  }
0x60: {  	[tilespmem:s12], [sflag:$0x1] =	stream.indirect_vreg.gather [hbm4b:s2+s4], $0x80, v4, vm0, $0xb8;
	[tilespmem:$0x1CF00] =	vst v63  }
0x61: {  	s1 =	simm.s32 $0x8700  }
0x62: {  	[tilespmem:s1], [sflag:$0x1] =	stream.indirect_vreg.gather [hbm4b:s2+s4], $0x80, v3, vm0, $0xb8;
	[tilespmem:$0x1CF00] =	vst v63  }
0x63: {  	v3 =	vld [tilespmem:$0x2780];
	_ =	sdelay $0x4  }
0x64: {  	v44 =	vshll.u32 v3, $0x1  }
0x65: {  	v3 =	vand.u32 $0x7, v3;
	v4 =	vand.u32 $0xFFFFFFF0, v44  }
0x66: {  	v3 =	vor.u32 v3, v4  }
0x67: {  	v4 =	vperm.xlane v3, v0;
	_ =	sdelay $0x1  }
0x68: {  	v3 =	vperm.xlane v3, v2;
	v4 =	vadd.s32 v1, v4;
	_ =	sdelay $0x1  }
0x69: {  	v3 =	vadd.s32 v1, v3;
	_ =	sdelay $0x2  }
0x6a: {  	[tilespmem:s21], [sflag:$0x4] =	stream.indirect_vreg.gather [hbm4b:s3+s4], $0x80, v4, vm0, $0xb8;
	[tilespmem:$0x1CF00] =	vst v63  }
0x6b: {  	s6 =	simm.s32 $0x11700  }
0x6c: {  	[tilespmem:s6], [sflag:$0x4] =	stream.indirect_vreg.gather [hbm4b:s3+s4], $0x80, v3, vm0, $0xb8;
	[tilespmem:$0x1CF00] =	vst v63  }
0x6d: {  	v3 =	vld [tilespmem:$0x2790];
	_ =	sdelay $0x4  }
0x6e: {  	v45 =	vshll.u32 v3, $0x1  }
0x6f: {  	v3 =	vand.u32 $0x7, v3;
	v4 =	vand.u32 $0xFFFFFFF0, v45  }
0x70: {  	v3 =	vor.u32 v3, v4  }
0x71: {  	v4 =	vperm.xlane v3, v0;
	_ =	sdelay $0x1  }
0x72: {  	v3 =	vperm.xlane v3, v2;
	v4 =	vadd.s32 v1, v4;
	_ =	sdelay $0x1  }
0x73: {  	v3 =	vadd.s32 v1, v3;
	_ =	sdelay $0x1  }
0x74: {  	s8 =	simm.s32 $0x11F00  }
0x75: {  	[tilespmem:s8], [sflag:$0x4] =	stream.indirect_vreg.gather [hbm4b:s3+s4], $0x80, v4, vm0, $0xb8;
	[tilespmem:$0x1CF00] =	vst v63  }
0x76: {  	s9 =	simm.s32 $0x12700  }
0x77: {  	[tilespmem:s9], [sflag:$0x4] =	stream.indirect_vreg.gather [hbm4b:s3+s4], $0x80, v3, vm0, $0xb8;
	[tilespmem:$0x1CF00] =	vst v63  }
0x78: {  	v3 =	vld [tilespmem:$0x27A0];
	_ =	sdelay $0x4  }
0x79: {  	v46 =	vshll.u32 v3, $0x1  }
0x7a: {  	v3 =	vand.u32 $0x7, v3;
	v4 =	vand.u32 $0xFFFFFFF0, v46  }
0x7b: {  	v3 =	vor.u32 v3, v4  }
0x7c: {  	v4 =	vperm.xlane v3, v0;
	_ =	sdelay $0x1  }
0x7d: {  	v3 =	vperm.xlane v3, v2;
	v4 =	vadd.s32 v1, v4;
	_ =	sdelay $0x1  }
0x7e: {  	v3 =	vadd.s32 v1, v3;
	_ =	sdelay $0x1  }
0x7f: {  	s10 =	simm.s32 $0x12F00  }
0x80: {  	[tilespmem:s10], [sflag:$0x4] =	stream.indirect_vreg.gather [hbm4b:s3+s4], $0x80, v4, vm0, $0xb8;
	[tilespmem:$0x1CF00] =	vst v63  }
0x81: {  	s12 =	simm.s32 $0x13700  }
0x82: {  	[tilespmem:s12], [sflag:$0x4] =	stream.indirect_vreg.gather [hbm4b:s3+s4], $0x80, v3, vm0, $0xb8;
	[tilespmem:$0x1CF00] =	vst v63  }
0x83: {  	v3 =	vld [tilespmem:$0x27B0];
	_ =	sdelay $0x4  }
0x84: {  	v47 =	vshll.u32 v3, $0x1  }
0x85: {  	v3 =	vand.u32 $0x7, v3;
	v4 =	vand.u32 $0xFFFFFFF0, v47  }
0x86: {  	v3 =	vor.u32 v3, v4  }
0x87: {  	v4 =	vperm.xlane v3, v0;
	_ =	sdelay $0x1  }
0x88: {  	v3 =	vperm.xlane v3, v2;
	v4 =	vadd.s32 v1, v4;
	_ =	sdelay $0x1  }
0x89: {  	v3 =	vadd.s32 v1, v3;
	_ =	sdelay $0x1  }
0x8a: {  	s1 =	simm.s32 $0x13F00  }
0x8b: {  	[tilespmem:s1], [sflag:$0x4] =	stream.indirect_vreg.gather [hbm4b:s3+s4], $0x80, v4, vm0, $0xb8;
	[tilespmem:$0x1CF00] =	vst v63  }
0x8c: {  	s6 =	simm.s32 $0x14700  }
0x8d: {  	[tilespmem:s6], [sflag:$0x4] =	stream.indirect_vreg.gather [hbm4b:s3+s4], $0x80, v3, vm0, $0xb8;
	[tilespmem:$0x1CF00] =	vst v63  }
0x8e: {  	v3 =	vld [tilespmem:$0x80];
	_ =	sdelay $0x4  }
0x8f: {  	v48 =	vshll.u32 v3, $0x1  }
0x90: {  	v3 =	vand.u32 $0x7, v3;
	v4 =	vand.u32 $0xFFFFFFF0, v48  }
0x91: {  	v3 =	vor.u32 v3, v4  }
0x92: {  	v4 =	vperm.xlane v3, v0;
	_ =	sdelay $0x1  }
0x93: {  	v3 =	vperm.xlane v3, v2;
	v4 =	vadd.s32 v1, v4;
	_ =	sdelay $0x1  }
0x94: {  	v3 =	vadd.s32 v1, v3;
	_ =	sdelay $0x2  }
0x95: {  	[tilespmem:s30], [sflag:$0x2] =	stream.indirect_vreg.gather [hbm4b:s2+s4], $0x80, v4, vm0, $0xb8;
	[tilespmem:$0x1CF00] =	vst v63  }
0x96: {  	s8 =	simm.s32 $0x9700  }
0x97: {  	[tilespmem:s8], [sflag:$0x2] =	stream.indirect_vreg.gather [hbm4b:s2+s4], $0x80, v3, vm0, $0xb8;
	[tilespmem:$0x1CF00] =	vst v63  }
0x98: {  	v3 =	vld [tilespmem:$0x90];
	_ =	sdelay $0x4  }
0x99: {  	v49 =	vshll.u32 v3, $0x1  }
0x9a: {  	v3 =	vand.u32 $0x7, v3;
	v4 =	vand.u32 $0xFFFFFFF0, v49  }
0x9b: {  	v3 =	vor.u32 v3, v4  }
0x9c: {  	v4 =	vperm.xlane v3, v0;
	_ =	sdelay $0x1  }
0x9d: {  	v3 =	vperm.xlane v3, v2;
	v4 =	vadd.s32 v1, v4;
	_ =	sdelay $0x1  }
0x9e: {  	v3 =	vadd.s32 v1, v3;
	_ =	sdelay $0x1  }
0x9f: {  	s9 =	simm.s32 $0x9F00  }
0xa0: {  	[tilespmem:s9], [sflag:$0x2] =	stream.indirect_vreg.gather [hbm4b:s2+s4], $0x80, v4, vm0, $0xb8;
	[tilespmem:$0x1CF00] =	vst v63  }
0xa1: {  	s10 =	simm.s32 $0xA700  }
0xa2: {  	[tilespmem:s10], [sflag:$0x2] =	stream.indirect_vreg.gather [hbm4b:s2+s4], $0x80, v3, vm0, $0xb8;
	[tilespmem:$0x1CF00] =	vst v63  }
0xa3: {  	v3 =	vld [tilespmem:$0xA0];
	_ =	sdelay $0x4  }
0xa4: {  	v50 =	vshll.u32 v3, $0x1  }
0xa5: {  	v3 =	vand.u32 $0x7, v3;
	v4 =	vand.u32 $0xFFFFFFF0, v50  }
0xa6: {  	v3 =	vor.u32 v3, v4  }
0xa7: {  	v4 =	vperm.xlane v3, v0;
	_ =	sdelay $0x1  }
0xa8: {  	v3 =	vperm.xlane v3, v2;
	v4 =	vadd.s32 v1, v4;
	_ =	sdelay $0x1  }
0xa9: {  	v3 =	vadd.s32 v1, v3;
	_ =	sdelay $0x1  }
0xaa: {  	s12 =	simm.s32 $0xAF00  }
0xab: {  	[tilespmem:s12], [sflag:$0x2] =	stream.indirect_vreg.gather [hbm4b:s2+s4], $0x80, v4, vm0, $0xb8;
	[tilespmem:$0x1CF00] =	vst v63  }
0xac: {  	s1 =	simm.s32 $0xB700  }
0xad: {  	[tilespmem:s1], [sflag:$0x2] =	stream.indirect_vreg.gather [hbm4b:s2+s4], $0x80, v3, vm0, $0xb8;
	[tilespmem:$0x1CF00] =	vst v63  }
0xae: {  	v3 =	vld [tilespmem:$0xB0];
	_ =	sdelay $0x4  }
0xaf: {  	v51 =	vshll.u32 v3, $0x1  }
0xb0: {  	v3 =	vand.u32 $0x7, v3;
	v4 =	vand.u32 $0xFFFFFFF0, v51  }
0xb1: {  	v3 =	vor.u32 v3, v4  }
0xb2: {  	v4 =	vperm.xlane v3, v0;
	_ =	sdelay $0x1  }
0xb3: {  	v3 =	vperm.xlane v3, v2;
	v4 =	vadd.s32 v1, v4;
	_ =	sdelay $0x1  }
0xb4: {  	v3 =	vadd.s32 v1, v3;
	_ =	sdelay $0x1  }
0xb5: {  	s6 =	simm.s32 $0xBF00  }
0xb6: {  	[tilespmem:s6], [sflag:$0x2] =	stream.indirect_vreg.gather [hbm4b:s2+s4], $0x80, v4, vm0, $0xb8;
	[tilespmem:$0x1CF00] =	vst v63  }
0xb7: {  	s8 =	simm.s32 $0xC700  }
0xb8: {  	[tilespmem:s8], [sflag:$0x2] =	stream.indirect_vreg.gather [hbm4b:s2+s4], $0x80, v3, vm0, $0xb8;
	[tilespmem:$0x1CF00] =	vst v63  }
0xb9: {  	v3 =	vld [tilespmem:$0x2800];
	_ =	sdelay $0x4  }
0xba: {  	v52 =	vshll.u32 v3, $0x1  }
0xbb: {  	v3 =	vand.u32 $0x7, v3;
	v4 =	vand.u32 $0xFFFFFFF0, v52  }
0xbc: {  	v3 =	vor.u32 v3, v4  }
0xbd: {  	v4 =	vperm.xlane v3, v0;
	_ =	sdelay $0x1  }
0xbe: {  	v3 =	vperm.xlane v3, v2;
	v4 =	vadd.s32 v1, v4;
	_ =	sdelay $0x1  }
0xbf: {  	v3 =	vadd.s32 v1, v3;
	_ =	sdelay $0x2  }
0xc0: {  	[tilespmem:s7], [sflag:$0x5] =	stream.indirect_vreg.gather [hbm4b:s3+s4], $0x80, v4, vm0, $0xb8;
	[tilespmem:$0x1CF00] =	vst v63  }
0xc1: {  	s9 =	simm.s32 $0x15700  }
0xc2: {  	[tilespmem:s9], [sflag:$0x5] =	stream.indirect_vreg.gather [hbm4b:s3+s4], $0x80, v3, vm0, $0xb8;
	[tilespmem:$0x1CF00] =	vst v63  }
0xc3: {  	v3 =	vld [tilespmem:$0x2810];
	_ =	sdelay $0x4  }
0xc4: {  	v53 =	vshll.u32 v3, $0x1  }
0xc5: {  	v3 =	vand.u32 $0x7, v3;
	v4 =	vand.u32 $0xFFFFFFF0, v53  }
0xc6: {  	v3 =	vor.u32 v3, v4  }
0xc7: {  	v4 =	vperm.xlane v3, v0;
	_ =	sdelay $0x1  }
0xc8: {  	v3 =	vperm.xlane v3, v2;
	v4 =	vadd.s32 v1, v4;
	_ =	sdelay $0x1  }
0xc9: {  	v3 =	vadd.s32 v1, v3;
	_ =	sdelay $0x1  }
0xca: {  	s10 =	simm.s32 $0x15F00  }
0xcb: {  	[tilespmem:s10], [sflag:$0x5] =	stream.indirect_vreg.gather [hbm4b:s3+s4], $0x80, v4, vm0, $0xb8;
	[tilespmem:$0x1CF00] =	vst v63  }
0xcc: {  	s12 =	simm.s32 $0x16700  }
0xcd: {  	[tilespmem:s12], [sflag:$0x5] =	stream.indirect_vreg.gather [hbm4b:s3+s4], $0x80, v3, vm0, $0xb8;
	[tilespmem:$0x1CF00] =	vst v63  }
0xce: {  	v3 =	vld [tilespmem:$0x2820];
	_ =	sdelay $0x4  }
0xcf: {  	v54 =	vshll.u32 v3, $0x1  }
0xd0: {  	v3 =	vand.u32 $0x7, v3;
	v4 =	vand.u32 $0xFFFFFFF0, v54  }
0xd1: {  	v3 =	vor.u32 v3, v4  }
0xd2: {  	v4 =	vperm.xlane v3, v0;
	_ =	sdelay $0x1  }
0xd3: {  	v3 =	vperm.xlane v3, v2;
	v4 =	vadd.s32 v1, v4;
	_ =	sdelay $0x1  }
0xd4: {  	v3 =	vadd.s32 v1, v3;
	_ =	sdelay $0x1  }
0xd5: {  	s1 =	simm.s32 $0x16F00  }
0xd6: {  	[tilespmem:s1], [sflag:$0x5] =	stream.indirect_vreg.gather [hbm4b:s3+s4], $0x80, v4, vm0, $0xb8;
	[tilespmem:$0x1CF00] =	vst v63  }
0xd7: {  	s6 =	simm.s32 $0x17700  }
0xd8: {  	[tilespmem:s6], [sflag:$0x5] =	stream.indirect_vreg.gather [hbm4b:s3+s4], $0x80, v3, vm0, $0xb8;
	[tilespmem:$0x1CF00] =	vst v63  }
0xd9: {  	v3 =	vld [tilespmem:$0x2830];
	_ =	sdelay $0x4  }
0xda: {  	v55 =	vshll.u32 v3, $0x1  }
0xdb: {  	v3 =	vand.u32 $0x7, v3;
	v4 =	vand.u32 $0xFFFFFFF0, v55  }
0xdc: {  	v3 =	vor.u32 v3, v4  }
0xdd: {  	v4 =	vperm.xlane v3, v0;
	_ =	sdelay $0x1  }
0xde: {  	v3 =	vperm.xlane v3, v2;
	v4 =	vadd.s32 v1, v4;
	_ =	sdelay $0x1  }
0xdf: {  	v3 =	vadd.s32 v1, v3;
	_ =	sdelay $0x1  }
0xe0: {  	s8 =	simm.s32 $0x17F00  }
0xe1: {  	[tilespmem:s8], [sflag:$0x5] =	stream.indirect_vreg.gather [hbm4b:s3+s4], $0x80, v4, vm0, $0xb8;
	[tilespmem:$0x1CF00] =	vst v63  }
0xe2: {  	s9 =	simm.s32 $0x18700  }
0xe3: {  	[tilespmem:s9], [sflag:$0x5] =	stream.indirect_vreg.gather [hbm4b:s3+s4], $0x80, v3, vm0, $0xb8;
	[tilespmem:$0x1CF00] =	vst v63  }
0xe4: {  	v3 =	vld [tilespmem:$0x100];
	_ =	sdelay $0x4  }
0xe5: {  	v56 =	vshll.u32 v3, $0x1  }
0xe6: {  	v3 =	vand.u32 $0x7, v3;
	v4 =	vand.u32 $0xFFFFFFF0, v56  }
0xe7: {  	v3 =	vor.u32 v3, v4  }
0xe8: {  	v4 =	vperm.xlane v3, v0;
	_ =	sdelay $0x1  }
0xe9: {  	v3 =	vperm.xlane v3, v2;
	v4 =	vadd.s32 v1, v4;
	_ =	sdelay $0x1  }
0xea: {  	v3 =	vadd.s32 v1, v3;
	_ =	sdelay $0x2  }
0xeb: {  	[tilespmem:s20], [sflag:$0x3] =	stream.indirect_vreg.gather [hbm4b:s2+s4], $0x80, v4, vm0, $0xb8;
	[tilespmem:$0x1CF00] =	vst v63  }
0xec: {  	s10 =	simm.s32 $0xD700  }
0xed: {  	[tilespmem:s10], [sflag:$0x3] =	stream.indirect_vreg.gather [hbm4b:s2+s4], $0x80, v3, vm0, $0xb8;
	[tilespmem:$0x1CF00] =	vst v63  }
0xee: {  	v3 =	vld [tilespmem:$0x110];
	_ =	sdelay $0x4  }
0xef: {  	v57 =	vshll.u32 v3, $0x1  }
0xf0: {  	v3 =	vand.u32 $0x7, v3;
	v4 =	vand.u32 $0xFFFFFFF0, v57  }
0xf1: {  	v3 =	vor.u32 v3, v4  }
0xf2: {  	v4 =	vperm.xlane v3, v0;
	_ =	sdelay $0x1  }
0xf3: {  	v3 =	vperm.xlane v3, v2;
	v4 =	vadd.s32 v1, v4;
	_ =	sdelay $0x1  }
0xf4: {  	v3 =	vadd.s32 v1, v3;
	_ =	sdelay $0x1  }
0xf5: {  	s12 =	simm.s32 $0xDF00  }
0xf6: {  	[tilespmem:s12], [sflag:$0x3] =	stream.indirect_vreg.gather [hbm4b:s2+s4], $0x80, v4, vm0, $0xb8;
	[tilespmem:$0x1CF00] =	vst v63  }
0xf7: {  	s1 =	simm.s32 $0xE700  }
0xf8: {  	[tilespmem:s1], [sflag:$0x3] =	stream.indirect_vreg.gather [hbm4b:s2+s4], $0x80, v3, vm0, $0xb8;
	[tilespmem:$0x1CF00] =	vst v63  }
0xf9: {  	v3 =	vld [tilespmem:$0x120];
	_ =	sdelay $0x4  }
0xfa: {  	v58 =	vshll.u32 v3, $0x1  }
0xfb: {  	v3 =	vand.u32 $0x7, v3;
	v4 =	vand.u32 $0xFFFFFFF0, v58  }
0xfc: {  	v3 =	vor.u32 v3, v4  }
0xfd: {  	v4 =	vperm.xlane v3, v0;
	_ =	sdelay $0x1  }
0xfe: {  	v3 =	vperm.xlane v3, v2;
	v4 =	vadd.s32 v1, v4;
	_ =	sdelay $0x1  }
0xff: {  	v3 =	vadd.s32 v1, v3;
	_ =	sdelay $0x1  }
0x100: {  	s6 =	simm.s32 $0xEF00  }
0x101: {  	[tilespmem:s6], [sflag:$0x3] =	stream.indirect_vreg.gather [hbm4b:s2+s4], $0x80, v4, vm0, $0xb8;
	[tilespmem:$0x1CF00] =	vst v63  }
0x102: {  	s8 =	simm.s32 $0xF700  }
0x103: {  	[tilespmem:s8], [sflag:$0x3] =	stream.indirect_vreg.gather [hbm4b:s2+s4], $0x80, v3, vm0, $0xb8;
	[tilespmem:$0x1CF00] =	vst v63  }
0x104: {  	v3 =	vld [tilespmem:$0x130];
	_ =	sdelay $0x4  }
0x105: {  	v59 =	vshll.u32 v3, $0x1  }
0x106: {  	v3 =	vand.u32 $0x7, v3;
	v4 =	vand.u32 $0xFFFFFFF0, v59  }
0x107: {  	v3 =	vor.u32 v3, v4  }
0x108: {  	v4 =	vperm.xlane v3, v0;
	_ =	sdelay $0x1  }
0x109: {  	v3 =	vperm.xlane v3, v2;
	v4 =	vadd.s32 v1, v4;
	_ =	sdelay $0x1  }
0x10a: {  	v3 =	vadd.s32 v1, v3;
	_ =	sdelay $0x1  }
0x10b: {  	s9 =	simm.s32 $0xFF00  }
0x10c: {  	[tilespmem:s9], [sflag:$0x3] =	stream.indirect_vreg.gather [hbm4b:s2+s4], $0x80, v4, vm0, $0xb8;
	[tilespmem:$0x1CF00] =	vst v63  }
0x10d: {  	s10 =	simm.s32 $0x10700  }
0x10e: {  	[tilespmem:s10], [sflag:$0x3] =	stream.indirect_vreg.gather [hbm4b:s2+s4], $0x80, v3, vm0, $0xb8;
	[tilespmem:$0x1CF00] =	vst v63  }
0x10f: {  	v3 =	vld [tilespmem:$0x2880];
	_ =	sdelay $0x4  }
0x110: {  	v60 =	vshll.u32 v3, $0x1  }
0x111: {  	v3 =	vand.u32 $0x7, v3;
	v4 =	vand.u32 $0xFFFFFFF0, v60  }
0x112: {  	v3 =	vor.u32 v3, v4  }
0x113: {  	v4 =	vperm.xlane v3, v0;
	_ =	sdelay $0x1  }
0x114: {  	v3 =	vperm.xlane v3, v2;
	v4 =	vadd.s32 v1, v4;
	_ =	sdelay $0x1  }
0x115: {  	v3 =	vadd.s32 v1, v3;
	_ =	sdelay $0x2  }
0x116: {  	[tilespmem:s31], [sflag:$0x6] =	stream.indirect_vreg.gather [hbm4b:s3+s4], $0x80, v4, vm0, $0xb8;
	[tilespmem:$0x1CF00] =	vst v63  }
0x117: {  	s12 =	simm.s32 $0x19700  }
0x118: {  	[tilespmem:s12], [sflag:$0x6] =	stream.indirect_vreg.gather [hbm4b:s3+s4], $0x80, v3, vm0, $0xb8;
	[tilespmem:$0x1CF00] =	vst v63  }
0x119: {  	v3 =	vld [tilespmem:$0x2890];
	_ =	sdelay $0x4  }
0x11a: {  	v61 =	vshll.u32 v3, $0x1  }
0x11b: {  	v3 =	vand.u32 $0x7, v3;
	v4 =	vand.u32 $0xFFFFFFF0, v61  }
0x11c: {  	v3 =	vor.u32 v3, v4  }
0x11d: {  	v4 =	vperm.xlane v3, v0;
	_ =	sdelay $0x1  }
0x11e: {  	v3 =	vperm.xlane v3, v2;
	v4 =	vadd.s32 v1, v4;
	_ =	sdelay $0x1  }
0x11f: {  	v3 =	vadd.s32 v1, v3;
	_ =	sdelay $0x1  }
0x120: {  	s1 =	simm.s32 $0x19F00  }
0x121: {  	[tilespmem:s1], [sflag:$0x6] =	stream.indirect_vreg.gather [hbm4b:s3+s4], $0x80, v4, vm0, $0xb8;
	[tilespmem:$0x1CF00] =	vst v63  }
0x122: {  	s6 =	simm.s32 $0x1A700  }
0x123: {  	[tilespmem:s6], [sflag:$0x6] =	stream.indirect_vreg.gather [hbm4b:s3+s4], $0x80, v3, vm0, $0xb8;
	[tilespmem:$0x1CF00] =	vst v63  }
0x124: {  	v3 =	vld [tilespmem:$0x28A0];
	_ =	sdelay $0x4  }
0x125: {  	v62 =	vshll.u32 v3, $0x1  }
0x126: {  	v3 =	vand.u32 $0x7, v3;
	v4 =	vand.u32 $0xFFFFFFF0, v62  }
0x127: {  	v3 =	vor.u32 v3, v4  }
0x128: {  	v4 =	vperm.xlane v3, v0;
	_ =	sdelay $0x1  }
0x129: {  	v3 =	vperm.xlane v3, v2;
	v4 =	vadd.s32 v1, v4;
	_ =	sdelay $0x1  }
0x12a: {  	v3 =	vadd.s32 v1, v3;
	_ =	sdelay $0x1  }
0x12b: {  	s8 =	simm.s32 $0x1AF00  }
0x12c: {  	[tilespmem:s8], [sflag:$0x6] =	stream.indirect_vreg.gather [hbm4b:s3+s4], $0x80, v4, vm0, $0xb8;
	[tilespmem:$0x1CF00] =	vst v63  }
0x12d: {  	s9 =	simm.s32 $0x1B700  }
0x12e: {  	[tilespmem:s9], [sflag:$0x6] =	stream.indirect_vreg.gather [hbm4b:s3+s4], $0x80, v3, vm0, $0xb8;
	[tilespmem:$0x1CF00] =	vst v63  }
0x12f: {  	v3 =	vld [tilespmem:$0x28B0];
	_ =	sdelay $0x4  }
0x130: {  	v63 =	vshll.u32 v3, $0x1  }
0x131: {  	v3 =	vand.u32 $0x7, v3;
	v4 =	vand.u32 $0xFFFFFFF0, v63  }
0x132: {  	v3 =	vor.u32 v3, v4  }
0x133: {  	v4 =	vperm.xlane v3, v0;
	_ =	sdelay $0x1  }
0x134: {  	v3 =	vperm.xlane v3, v2;
	v4 =	vadd.s32 v1, v4;
	_ =	sdelay $0x1  }
0x135: {  	v3 =	vadd.s32 v1, v3  }
.Ltmp2:
0x136: {  	_ = 	snop;
	(pc) =	sbr.rel @p0 .LBB2_12-.Ltmp2, $4  }
0x137: {  	s10 =	simm.s32 $0x1BF00  }
0x138: {  	[tilespmem:s10], [sflag:$0x6] =	stream.indirect_vreg.gather [hbm4b:s3+s4], $0x80, v4, vm0, $0xb8;
	[tilespmem:$0x1CF00] =	vst v63  }
0x139: {  	s12 =	simm.s32 $0x1C700  }
0x13a: {  	[tilespmem:s12], [sflag:$0x6] =	stream.indirect_vreg.gather [hbm4b:s3+s4], $0x80, v3, vm0, $0xb8;
	[tilespmem:$0x1CF00] =	vst v63  }
.Ltmp3:
0x13b: {  	(pc) =	sbr.rel .LBB2_3-.Ltmp3, $3  }
0x13c: {  	_ =	sdelay $0x1  }
0x13d: {  	s1 =	simm.s32 $0x1B0;
	s12 =	rddreg [dreg:$0x8]  }
0x13e: {  	s0 =	simm.s32 $0x2930;
	s9 =	rddreg [dreg:$0x7];
	s10 =	simm.s32 $0x0  }
.LBB2_11:
0x13f: {  	s10 =	sadd.s32 $0x1, s10  }
0x140: {  	p3 =	slt.s32 s10, s5  }
.Ltmp4:
0x141: {  	_ = 	snop;
	(pc) =	sbr.rel @!p3 .LBB2_12-.Ltmp4, $3  }
0x142: {  	_ =	sdelay $0x1  }
0x143: {  	s9 =	sadd.s32 $0x800, s9  }
0x144: {  	s1 =	sadd.s32 $0x80, s1;
	s12 =	sadd.s32 $0x800, s12;
	s0 =	sadd.s32 $0x80, s0  }
.LBB2_3:
0x145: {  	s6 =	smulhi.u32 $0xAAAAAAAB, s10;
	_ =	sdelay $0x1  }
0x146: {  	s6 =	sshrl.u32 s6, $0x1  }
0x147: {  	s6 =	smul.u32 $0x3, s6;
	_ =	sdelay $0x1  }
0x148: {  	s8 =	ssub.s32 s10, s6  }
0x149: {  	p3 =	seq.s32 s8, $0x2  }
.Ltmp5:
0x14a: {  	_ = 	snop;
	(pc) =	sbr.rel @p3 .LBB2_9-.Ltmp5, $2  }
0x14b: {  	_ =	sdelay $0x2  }
0x14c: {  	s6 =	sadd.s32 $0x3, s10  }
0x14d: {  	p3 =	seq.s32 s8, $0x1  }
.Ltmp6:
0x14e: {  	_ = 	snop;
	(pc) =	sbr.rel @!p3 .LBB2_5-.Ltmp6, $1  }
0x14f: {  	_ =	sdelay $0x3  }
0x150: {  	_ =	swait.ge [sflag:s18], $0x4000  }
0x151: {  	[sflag:s18] =	ssyncset.done $0x0  }
0x152: {  	[sflag:s18] =	ssyncadd.s32 $0xFFFFC000  }
0x153: {  	p3 =	sge.s32 s6, s5;
	_ =	swait.ge [sflag:s19], $0x4000  }
.Ltmp7:
0x154: {  	[sflag:s19] =	ssyncset.done $0x0;
	(pc) =	sbr.rel @p3 .LBB2_11-.Ltmp7, $4  }
0x155: {  	[sflag:s19] =	ssyncadd.s32 $0xFFFFC000  }
0x156: {  	[hbm4b:s9+s4] =	stream.linear.scatter [tilespmem:s30], [sflag:$0x8], $0x4000, $0x38;
	[tilespmem:$0x1CF00] =	vst v63  }
0x157: {  	_ = 	snop  }
0x158: {  	[hbm4b:s12+s4] =	stream.linear.scatter [tilespmem:s7], [sflag:$0xB], $0x4000, $0x38;
	[tilespmem:$0x1CF00] =	vst v63  }
0x159: {  	_ =	swait.ge [sflag:s22], $0x4000  }
0x15a: {  	[sflag:s22] =	ssyncset.done $0x0  }
0x15b: {  	[sflag:s22] =	ssyncadd.s32 $0xFFFFC000  }
0x15c: {  	_ =	swait.ge [sflag:s23], $0x4000  }
0x15d: {  	[sflag:s23] =	ssyncset.done $0x0  }
0x15e: {  	[sflag:s23] =	ssyncadd.s32 $0xFFFFC000  }
0x15f: {  	v3 =	vld [tilespmem:s1+$0xFFFFFFD0];
	_ =	sdelay $0x4  }
0x160: {  	v4 =	vshll.u32 v3, $0x1  }
0x161: {  	v3 =	vand.u32 $0x7, v3;
	v4 =	vand.u32 $0xFFFFFFF0, v4  }
0x162: {  	v3 =	vor.u32 v3, v4  }
0x163: {  	v4 =	vperm.xlane v3, v0;
	_ =	sdelay $0x1  }
0x164: {  	v3 =	vperm.xlane v3, v2;
	v4 =	vadd.s32 v1, v4;
	_ =	sdelay $0x1  }
0x165: {  	v3 =	vadd.s32 v1, v3;
	_ =	sdelay $0x2  }
0x166: {  	[tilespmem:s30], [sflag:$0x2] =	stream.indirect_vreg.gather [hbm4b:s2+s4], $0x80, v4, vm0, $0xb8;
	[tilespmem:$0x1CF00] =	vst v63  }
0x167: {  	s6 =	simm.s32 $0x9700  }
0x168: {  	[tilespmem:s6], [sflag:$0x2] =	stream.indirect_vreg.gather [hbm4b:s2+s4], $0x80, v3, vm0, $0xb8;
	[tilespmem:$0x1CF00] =	vst v63  }
0x169: {  	v3 =	vld [tilespmem:s1+$0xFFFFFFE0];
	_ =	sdelay $0x4  }
0x16a: {  	v57 =	vshll.u32 v3, $0x1  }
0x16b: {  	v3 =	vand.u32 $0x7, v3;
	v4 =	vand.u32 $0xFFFFFFF0, v57  }
0x16c: {  	v3 =	vor.u32 v3, v4  }
0x16d: {  	v4 =	vperm.xlane v3, v0;
	_ =	sdelay $0x1  }
0x16e: {  	v3 =	vperm.xlane v3, v2;
	v4 =	vadd.s32 v1, v4;
	_ =	sdelay $0x1  }
0x16f: {  	v3 =	vadd.s32 v1, v3;
	_ =	sdelay $0x1  }
0x170: {  	s8 =	simm.s32 $0x9F00  }
0x171: {  	[tilespmem:s8], [sflag:$0x2] =	stream.indirect_vreg.gather [hbm4b:s2+s4], $0x80, v4, vm0, $0xb8;
	[tilespmem:$0x1CF00] =	vst v63  }
0x172: {  	s8 =	simm.s32 $0xA700  }
0x173: {  	[tilespmem:s8], [sflag:$0x2] =	stream.indirect_vreg.gather [hbm4b:s2+s4], $0x80, v3, vm0, $0xb8;
	[tilespmem:$0x1CF00] =	vst v63  }
0x174: {  	v3 =	vld [tilespmem:s1+$0xFFFFFFF0];
	_ =	sdelay $0x4  }
0x175: {  	v58 =	vshll.u32 v3, $0x1  }
0x176: {  	v3 =	vand.u32 $0x7, v3;
	v4 =	vand.u32 $0xFFFFFFF0, v58  }
0x177: {  	v3 =	vor.u32 v3, v4  }
0x178: {  	v4 =	vperm.xlane v3, v0;
	_ =	sdelay $0x1  }
0x179: {  	v3 =	vperm.xlane v3, v2;
	v4 =	vadd.s32 v1, v4;
	_ =	sdelay $0x1  }
0x17a: {  	v3 =	vadd.s32 v1, v3;
	_ =	sdelay $0x1  }
0x17b: {  	s8 =	simm.s32 $0xAF00  }
0x17c: {  	[tilespmem:s8], [sflag:$0x2] =	stream.indirect_vreg.gather [hbm4b:s2+s4], $0x80, v4, vm0, $0xb8;
	[tilespmem:$0x1CF00] =	vst v63  }
0x17d: {  	s8 =	simm.s32 $0xB700  }
0x17e: {  	[tilespmem:s8], [sflag:$0x2] =	stream.indirect_vreg.gather [hbm4b:s2+s4], $0x80, v3, vm0, $0xb8;
	[tilespmem:$0x1CF00] =	vst v63  }
0x17f: {  	v3 =	vld [tilespmem:s1+$0x0];
	_ =	sdelay $0x4  }
0x180: {  	v59 =	vshll.u32 v3, $0x1  }
0x181: {  	v3 =	vand.u32 $0x7, v3;
	v4 =	vand.u32 $0xFFFFFFF0, v59  }
0x182: {  	v3 =	vor.u32 v3, v4  }
0x183: {  	v4 =	vperm.xlane v3, v0;
	_ =	sdelay $0x1  }
0x184: {  	v3 =	vperm.xlane v3, v2;
	v4 =	vadd.s32 v1, v4;
	_ =	sdelay $0x1  }
0x185: {  	v3 =	vadd.s32 v1, v3;
	_ =	sdelay $0x1  }
0x186: {  	s8 =	simm.s32 $0xBF00  }
0x187: {  	[tilespmem:s8], [sflag:$0x2] =	stream.indirect_vreg.gather [hbm4b:s2+s4], $0x80, v4, vm0, $0xb8;
	[tilespmem:$0x1CF00] =	vst v63  }
0x188: {  	s8 =	simm.s32 $0xC700  }
0x189: {  	[tilespmem:s8], [sflag:$0x2] =	stream.indirect_vreg.gather [hbm4b:s2+s4], $0x80, v3, vm0, $0xb8;
	[tilespmem:$0x1CF00] =	vst v63  }
0x18a: {  	v3 =	vld [tilespmem:s0+$0xFFFFFFD0];
	_ =	sdelay $0x4  }
0x18b: {  	v60 =	vshll.u32 v3, $0x1  }
0x18c: {  	v3 =	vand.u32 $0x7, v3;
	v4 =	vand.u32 $0xFFFFFFF0, v60  }
0x18d: {  	v3 =	vor.u32 v3, v4  }
0x18e: {  	v4 =	vperm.xlane v3, v0;
	_ =	sdelay $0x1  }
0x18f: {  	v3 =	vperm.xlane v3, v2;
	v4 =	vadd.s32 v1, v4;
	_ =	sdelay $0x1  }
0x190: {  	v3 =	vadd.s32 v1, v3;
	_ =	sdelay $0x2  }
0x191: {  	[tilespmem:s7], [sflag:$0x5] =	stream.indirect_vreg.gather [hbm4b:s3+s4], $0x80, v4, vm0, $0xb8;
	[tilespmem:$0x1CF00] =	vst v63  }
0x192: {  	s8 =	simm.s32 $0x15700  }
0x193: {  	[tilespmem:s8], [sflag:$0x5] =	stream.indirect_vreg.gather [hbm4b:s3+s4], $0x80, v3, vm0, $0xb8;
	[tilespmem:$0x1CF00] =	vst v63  }
0x194: {  	v3 =	vld [tilespmem:s0+$0xFFFFFFE0];
	_ =	sdelay $0x4  }
0x195: {  	v61 =	vshll.u32 v3, $0x1  }
0x196: {  	v3 =	vand.u32 $0x7, v3;
	v4 =	vand.u32 $0xFFFFFFF0, v61  }
0x197: {  	v3 =	vor.u32 v3, v4  }
0x198: {  	v4 =	vperm.xlane v3, v0;
	_ =	sdelay $0x1  }
0x199: {  	v3 =	vperm.xlane v3, v2;
	v4 =	vadd.s32 v1, v4;
	_ =	sdelay $0x1  }
0x19a: {  	v3 =	vadd.s32 v1, v3;
	_ =	sdelay $0x1  }
0x19b: {  	s8 =	simm.s32 $0x15F00  }
0x19c: {  	[tilespmem:s8], [sflag:$0x5] =	stream.indirect_vreg.gather [hbm4b:s3+s4], $0x80, v4, vm0, $0xb8;
	[tilespmem:$0x1CF00] =	vst v63  }
0x19d: {  	s8 =	simm.s32 $0x16700  }
0x19e: {  	[tilespmem:s8], [sflag:$0x5] =	stream.indirect_vreg.gather [hbm4b:s3+s4], $0x80, v3, vm0, $0xb8;
	[tilespmem:$0x1CF00] =	vst v63  }
0x19f: {  	v3 =	vld [tilespmem:s0+$0xFFFFFFF0];
	_ =	sdelay $0x4  }
0x1a0: {  	v62 =	vshll.u32 v3, $0x1  }
0x1a1: {  	v3 =	vand.u32 $0x7, v3;
	v4 =	vand.u32 $0xFFFFFFF0, v62  }
0x1a2: {  	v3 =	vor.u32 v3, v4  }
0x1a3: {  	v4 =	vperm.xlane v3, v0;
	_ =	sdelay $0x1  }
0x1a4: {  	v3 =	vperm.xlane v3, v2;
	v4 =	vadd.s32 v1, v4;
	_ =	sdelay $0x1  }
0x1a5: {  	v3 =	vadd.s32 v1, v3;
	_ =	sdelay $0x1  }
0x1a6: {  	s8 =	simm.s32 $0x16F00  }
0x1a7: {  	[tilespmem:s8], [sflag:$0x5] =	stream.indirect_vreg.gather [hbm4b:s3+s4], $0x80, v4, vm0, $0xb8;
	[tilespmem:$0x1CF00] =	vst v63  }
0x1a8: {  	s8 =	simm.s32 $0x17700  }
0x1a9: {  	[tilespmem:s8], [sflag:$0x5] =	stream.indirect_vreg.gather [hbm4b:s3+s4], $0x80, v3, vm0, $0xb8;
	[tilespmem:$0x1CF00] =	vst v63  }
0x1aa: {  	v3 =	vld [tilespmem:s0+$0x0];
	_ =	sdelay $0x4  }
0x1ab: {  	v63 =	vshll.u32 v3, $0x1  }
0x1ac: {  	v3 =	vand.u32 $0x7, v3;
	v4 =	vand.u32 $0xFFFFFFF0, v63  }
0x1ad: {  	v3 =	vor.u32 v3, v4  }
0x1ae: {  	v4 =	vperm.xlane v3, v0;
	_ =	sdelay $0x1  }
0x1af: {  	v3 =	vperm.xlane v3, v2;
	v4 =	vadd.s32 v1, v4;
	_ =	sdelay $0x1  }
0x1b0: {  	v3 =	vadd.s32 v1, v3  }
.Ltmp8:
0x1b1: {  	_ = 	snop;
	(pc) =	sbr.rel .LBB2_11-.Ltmp8, $4  }
0x1b2: {  	s8 =	simm.s32 $0x17F00  }
0x1b3: {  	[tilespmem:s8], [sflag:$0x5] =	stream.indirect_vreg.gather [hbm4b:s3+s4], $0x80, v4, vm0, $0xb8;
	[tilespmem:$0x1CF00] =	vst v63  }
0x1b4: {  	s8 =	simm.s32 $0x18700  }
0x1b5: {  	[tilespmem:s8], [sflag:$0x5] =	stream.indirect_vreg.gather [hbm4b:s3+s4], $0x80, v3, vm0, $0xb8;
	[tilespmem:$0x1CF00] =	vst v63  }
.LBB2_9:
0x1b6: {  	_ =	swait.ge [sflag:s14], $0x4000  }
0x1b7: {  	[sflag:s14] =	ssyncset.done $0x0  }
0x1b8: {  	[sflag:s14] =	ssyncadd.s32 $0xFFFFC000  }
0x1b9: {  	p3 =	sge.s32 s6, s5;
	_ =	swait.ge [sflag:s15], $0x4000  }
.Ltmp9:
0x1ba: {  	[sflag:s15] =	ssyncset.done $0x0;
	(pc) =	sbr.rel @p3 .LBB2_11-.Ltmp9, $4  }
0x1bb: {  	[sflag:s15] =	ssyncadd.s32 $0xFFFFC000  }
0x1bc: {  	[hbm4b:s9+s4] =	stream.linear.scatter [tilespmem:s20], [sflag:$0x9], $0x4000, $0x38;
	[tilespmem:$0x1CF00] =	vst v63  }
0x1bd: {  	_ = 	snop  }
0x1be: {  	[hbm4b:s12+s4] =	stream.linear.scatter [tilespmem:s31], [sflag:$0xC], $0x4000, $0x38;
	[tilespmem:$0x1CF00] =	vst v63  }
0x1bf: {  	_ =	swait.ge [sflag:s16], $0x4000  }
0x1c0: {  	[sflag:s16] =	ssyncset.done $0x0  }
0x1c1: {  	[sflag:s16] =	ssyncadd.s32 $0xFFFFC000  }
0x1c2: {  	_ =	swait.ge [sflag:s17], $0x4000  }
0x1c3: {  	[sflag:s17] =	ssyncset.done $0x0  }
0x1c4: {  	[sflag:s17] =	ssyncadd.s32 $0xFFFFC000  }
0x1c5: {  	v3 =	vld [tilespmem:s1+$0xFFFFFFD0];
	_ =	sdelay $0x4  }
0x1c6: {  	v4 =	vshll.u32 v3, $0x1  }
0x1c7: {  	v3 =	vand.u32 $0x7, v3;
	v4 =	vand.u32 $0xFFFFFFF0, v4  }
0x1c8: {  	v3 =	vor.u32 v3, v4  }
0x1c9: {  	v4 =	vperm.xlane v3, v0;
	_ =	sdelay $0x1  }
0x1ca: {  	v3 =	vperm.xlane v3, v2;
	v4 =	vadd.s32 v1, v4;
	_ =	sdelay $0x1  }
0x1cb: {  	v3 =	vadd.s32 v1, v3;
	_ =	sdelay $0x2  }
0x1cc: {  	[tilespmem:s20], [sflag:$0x3] =	stream.indirect_vreg.gather [hbm4b:s2+s4], $0x80, v4, vm0, $0xb8;
	[tilespmem:$0x1CF00] =	vst v63  }
0x1cd: {  	s6 =	simm.s32 $0xD700  }
0x1ce: {  	[tilespmem:s6], [sflag:$0x3] =	stream.indirect_vreg.gather [hbm4b:s2+s4], $0x80, v3, vm0, $0xb8;
	[tilespmem:$0x1CF00] =	vst v63  }
0x1cf: {  	v3 =	vld [tilespmem:s1+$0xFFFFFFE0];
	_ =	sdelay $0x4  }
0x1d0: {  	v57 =	vshll.u32 v3, $0x1  }
0x1d1: {  	v3 =	vand.u32 $0x7, v3;
	v4 =	vand.u32 $0xFFFFFFF0, v57  }
0x1d2: {  	v3 =	vor.u32 v3, v4  }
0x1d3: {  	v4 =	vperm.xlane v3, v0;
	_ =	sdelay $0x1  }
0x1d4: {  	v3 =	vperm.xlane v3, v2;
	v4 =	vadd.s32 v1, v4;
	_ =	sdelay $0x1  }
0x1d5: {  	v3 =	vadd.s32 v1, v3;
	_ =	sdelay $0x1  }
0x1d6: {  	s8 =	simm.s32 $0xDF00  }
0x1d7: {  	[tilespmem:s8], [sflag:$0x3] =	stream.indirect_vreg.gather [hbm4b:s2+s4], $0x80, v4, vm0, $0xb8;
	[tilespmem:$0x1CF00] =	vst v63  }
0x1d8: {  	s8 =	simm.s32 $0xE700  }
0x1d9: {  	[tilespmem:s8], [sflag:$0x3] =	stream.indirect_vreg.gather [hbm4b:s2+s4], $0x80, v3, vm0, $0xb8;
	[tilespmem:$0x1CF00] =	vst v63  }
0x1da: {  	v3 =	vld [tilespmem:s1+$0xFFFFFFF0];
	_ =	sdelay $0x4  }
0x1db: {  	v58 =	vshll.u32 v3, $0x1  }
0x1dc: {  	v3 =	vand.u32 $0x7, v3;
	v4 =	vand.u32 $0xFFFFFFF0, v58  }
0x1dd: {  	v3 =	vor.u32 v3, v4  }
0x1de: {  	v4 =	vperm.xlane v3, v0;
	_ =	sdelay $0x1  }
0x1df: {  	v3 =	vperm.xlane v3, v2;
	v4 =	vadd.s32 v1, v4;
	_ =	sdelay $0x1  }
0x1e0: {  	v3 =	vadd.s32 v1, v3;
	_ =	sdelay $0x1  }
0x1e1: {  	s8 =	simm.s32 $0xEF00  }
0x1e2: {  	[tilespmem:s8], [sflag:$0x3] =	stream.indirect_vreg.gather [hbm4b:s2+s4], $0x80, v4, vm0, $0xb8;
	[tilespmem:$0x1CF00] =	vst v63  }
0x1e3: {  	s8 =	simm.s32 $0xF700  }
0x1e4: {  	[tilespmem:s8], [sflag:$0x3] =	stream.indirect_vreg.gather [hbm4b:s2+s4], $0x80, v3, vm0, $0xb8;
	[tilespmem:$0x1CF00] =	vst v63  }
0x1e5: {  	v3 =	vld [tilespmem:s1+$0x0];
	_ =	sdelay $0x4  }
0x1e6: {  	v59 =	vshll.u32 v3, $0x1  }
0x1e7: {  	v3 =	vand.u32 $0x7, v3;
	v4 =	vand.u32 $0xFFFFFFF0, v59  }
0x1e8: {  	v3 =	vor.u32 v3, v4  }
0x1e9: {  	v4 =	vperm.xlane v3, v0;
	_ =	sdelay $0x1  }
0x1ea: {  	v3 =	vperm.xlane v3, v2;
	v4 =	vadd.s32 v1, v4;
	_ =	sdelay $0x1  }
0x1eb: {  	v3 =	vadd.s32 v1, v3;
	_ =	sdelay $0x1  }
0x1ec: {  	s8 =	simm.s32 $0xFF00  }
0x1ed: {  	[tilespmem:s8], [sflag:$0x3] =	stream.indirect_vreg.gather [hbm4b:s2+s4], $0x80, v4, vm0, $0xb8;
	[tilespmem:$0x1CF00] =	vst v63  }
0x1ee: {  	s8 =	simm.s32 $0x10700  }
0x1ef: {  	[tilespmem:s8], [sflag:$0x3] =	stream.indirect_vreg.gather [hbm4b:s2+s4], $0x80, v3, vm0, $0xb8;
	[tilespmem:$0x1CF00] =	vst v63  }
0x1f0: {  	v3 =	vld [tilespmem:s0+$0xFFFFFFD0];
	_ =	sdelay $0x4  }
0x1f1: {  	v60 =	vshll.u32 v3, $0x1  }
0x1f2: {  	v3 =	vand.u32 $0x7, v3;
	v4 =	vand.u32 $0xFFFFFFF0, v60  }
0x1f3: {  	v3 =	vor.u32 v3, v4  }
0x1f4: {  	v4 =	vperm.xlane v3, v0;
	_ =	sdelay $0x1  }
0x1f5: {  	v3 =	vperm.xlane v3, v2;
	v4 =	vadd.s32 v1, v4;
	_ =	sdelay $0x1  }
0x1f6: {  	v3 =	vadd.s32 v1, v3;
	_ =	sdelay $0x2  }
0x1f7: {  	[tilespmem:s31], [sflag:$0x6] =	stream.indirect_vreg.gather [hbm4b:s3+s4], $0x80, v4, vm0, $0xb8;
	[tilespmem:$0x1CF00] =	vst v63  }
0x1f8: {  	s8 =	simm.s32 $0x19700  }
0x1f9: {  	[tilespmem:s8], [sflag:$0x6] =	stream.indirect_vreg.gather [hbm4b:s3+s4], $0x80, v3, vm0, $0xb8;
	[tilespmem:$0x1CF00] =	vst v63  }
0x1fa: {  	v3 =	vld [tilespmem:s0+$0xFFFFFFE0];
	_ =	sdelay $0x4  }
0x1fb: {  	v61 =	vshll.u32 v3, $0x1  }
0x1fc: {  	v3 =	vand.u32 $0x7, v3;
	v4 =	vand.u32 $0xFFFFFFF0, v61  }
0x1fd: {  	v3 =	vor.u32 v3, v4  }
0x1fe: {  	v4 =	vperm.xlane v3, v0;
	_ =	sdelay $0x1  }
0x1ff: {  	v3 =	vperm.xlane v3, v2;
	v4 =	vadd.s32 v1, v4;
	_ =	sdelay $0x1  }
0x200: {  	v3 =	vadd.s32 v1, v3;
	_ =	sdelay $0x1  }
0x201: {  	s8 =	simm.s32 $0x19F00  }
0x202: {  	[tilespmem:s8], [sflag:$0x6] =	stream.indirect_vreg.gather [hbm4b:s3+s4], $0x80, v4, vm0, $0xb8;
	[tilespmem:$0x1CF00] =	vst v63  }
0x203: {  	s8 =	simm.s32 $0x1A700  }
0x204: {  	[tilespmem:s8], [sflag:$0x6] =	stream.indirect_vreg.gather [hbm4b:s3+s4], $0x80, v3, vm0, $0xb8;
	[tilespmem:$0x1CF00] =	vst v63  }
0x205: {  	v3 =	vld [tilespmem:s0+$0xFFFFFFF0];
	_ =	sdelay $0x4  }
0x206: {  	v62 =	vshll.u32 v3, $0x1  }
0x207: {  	v3 =	vand.u32 $0x7, v3;
	v4 =	vand.u32 $0xFFFFFFF0, v62  }
0x208: {  	v3 =	vor.u32 v3, v4  }
0x209: {  	v4 =	vperm.xlane v3, v0;
	_ =	sdelay $0x1  }
0x20a: {  	v3 =	vperm.xlane v3, v2;
	v4 =	vadd.s32 v1, v4;
	_ =	sdelay $0x1  }
0x20b: {  	v3 =	vadd.s32 v1, v3;
	_ =	sdelay $0x1  }
0x20c: {  	s8 =	simm.s32 $0x1AF00  }
0x20d: {  	[tilespmem:s8], [sflag:$0x6] =	stream.indirect_vreg.gather [hbm4b:s3+s4], $0x80, v4, vm0, $0xb8;
	[tilespmem:$0x1CF00] =	vst v63  }
0x20e: {  	s8 =	simm.s32 $0x1B700  }
0x20f: {  	[tilespmem:s8], [sflag:$0x6] =	stream.indirect_vreg.gather [hbm4b:s3+s4], $0x80, v3, vm0, $0xb8;
	[tilespmem:$0x1CF00] =	vst v63  }
0x210: {  	v3 =	vld [tilespmem:s0+$0x0];
	_ =	sdelay $0x4  }
0x211: {  	v63 =	vshll.u32 v3, $0x1  }
0x212: {  	v3 =	vand.u32 $0x7, v3;
	v4 =	vand.u32 $0xFFFFFFF0, v63  }
0x213: {  	v3 =	vor.u32 v3, v4  }
0x214: {  	v4 =	vperm.xlane v3, v0;
	_ =	sdelay $0x1  }
0x215: {  	v3 =	vperm.xlane v3, v2;
	v4 =	vadd.s32 v1, v4;
	_ =	sdelay $0x1  }
0x216: {  	v3 =	vadd.s32 v1, v3  }
.Ltmp10:
0x217: {  	_ = 	snop;
	(pc) =	sbr.rel .LBB2_11-.Ltmp10, $4  }
0x218: {  	s8 =	simm.s32 $0x1BF00  }
0x219: {  	[tilespmem:s8], [sflag:$0x6] =	stream.indirect_vreg.gather [hbm4b:s3+s4], $0x80, v4, vm0, $0xb8;
	[tilespmem:$0x1CF00] =	vst v63  }
0x21a: {  	s8 =	simm.s32 $0x1C700  }
0x21b: {  	[tilespmem:s8], [sflag:$0x6] =	stream.indirect_vreg.gather [hbm4b:s3+s4], $0x80, v3, vm0, $0xb8;
	[tilespmem:$0x1CF00] =	vst v63  }
.LBB2_5:
0x21c: {  	_ =	swait.ge [sflag:s24], $0x4000  }
0x21d: {  	[sflag:s24] =	ssyncset.done $0x0  }
0x21e: {  	[sflag:s24] =	ssyncadd.s32 $0xFFFFC000  }
0x21f: {  	p3 =	sge.s32 s6, s5;
	_ =	swait.ge [sflag:s25], $0x4000  }
.Ltmp11:
0x220: {  	[sflag:s25] =	ssyncset.done $0x0;
	(pc) =	sbr.rel @p3 .LBB2_11-.Ltmp11, $4  }
0x221: {  	[sflag:s25] =	ssyncadd.s32 $0xFFFFC000  }
0x222: {  	[hbm4b:s9+s4] =	stream.linear.scatter [tilespmem:s13], [sflag:$0x7], $0x4000, $0x38;
	[tilespmem:$0x1CF00] =	vst v63  }
0x223: {  	_ = 	snop  }
0x224: {  	[hbm4b:s12+s4] =	stream.linear.scatter [tilespmem:s21], [sflag:$0xA], $0x4000, $0x38;
	[tilespmem:$0x1CF00] =	vst v63  }
0x225: {  	_ =	swait.ge [sflag:s26], $0x4000  }
0x226: {  	[sflag:s26] =	ssyncset.done $0x0  }
0x227: {  	[sflag:s26] =	ssyncadd.s32 $0xFFFFC000  }
0x228: {  	_ =	swait.ge [sflag:s28], $0x4000  }
0x229: {  	[sflag:s28] =	ssyncset.done $0x0  }
0x22a: {  	[sflag:s28] =	ssyncadd.s32 $0xFFFFC000  }
0x22b: {  	v3 =	vld [tilespmem:s1+$0xFFFFFFD0];
	_ =	sdelay $0x4  }
0x22c: {  	v4 =	vshll.u32 v3, $0x1  }
0x22d: {  	v3 =	vand.u32 $0x7, v3;
	v4 =	vand.u32 $0xFFFFFFF0, v4  }
0x22e: {  	v3 =	vor.u32 v3, v4  }
0x22f: {  	v4 =	vperm.xlane v3, v0;
	_ =	sdelay $0x1  }
0x230: {  	v3 =	vperm.xlane v3, v2;
	v4 =	vadd.s32 v1, v4;
	_ =	sdelay $0x1  }
0x231: {  	v3 =	vadd.s32 v1, v3;
	_ =	sdelay $0x2  }
0x232: {  	[tilespmem:s13], [sflag:$0x1] =	stream.indirect_vreg.gather [hbm4b:s2+s4], $0x80, v4, vm0, $0xb8;
	[tilespmem:$0x1CF00] =	vst v63  }
0x233: {  	s6 =	simm.s32 $0x5700  }
0x234: {  	[tilespmem:s6], [sflag:$0x1] =	stream.indirect_vreg.gather [hbm4b:s2+s4], $0x80, v3, vm0, $0xb8;
	[tilespmem:$0x1CF00] =	vst v63  }
0x235: {  	v3 =	vld [tilespmem:s1+$0xFFFFFFE0];
	_ =	sdelay $0x4  }
0x236: {  	v57 =	vshll.u32 v3, $0x1  }
0x237: {  	v3 =	vand.u32 $0x7, v3;
	v4 =	vand.u32 $0xFFFFFFF0, v57  }
0x238: {  	v3 =	vor.u32 v3, v4  }
0x239: {  	v4 =	vperm.xlane v3, v0;
	_ =	sdelay $0x1  }
0x23a: {  	v3 =	vperm.xlane v3, v2;
	v4 =	vadd.s32 v1, v4;
	_ =	sdelay $0x1  }
0x23b: {  	v3 =	vadd.s32 v1, v3;
	_ =	sdelay $0x1  }
0x23c: {  	s8 =	simm.s32 $0x5F00  }
0x23d: {  	[tilespmem:s8], [sflag:$0x1] =	stream.indirect_vreg.gather [hbm4b:s2+s4], $0x80, v4, vm0, $0xb8;
	[tilespmem:$0x1CF00] =	vst v63  }
0x23e: {  	s8 =	simm.s32 $0x6700  }
0x23f: {  	[tilespmem:s8], [sflag:$0x1] =	stream.indirect_vreg.gather [hbm4b:s2+s4], $0x80, v3, vm0, $0xb8;
	[tilespmem:$0x1CF00] =	vst v63  }
0x240: {  	v3 =	vld [tilespmem:s1+$0xFFFFFFF0];
	_ =	sdelay $0x4  }
0x241: {  	v58 =	vshll.u32 v3, $0x1  }
0x242: {  	v3 =	vand.u32 $0x7, v3;
	v4 =	vand.u32 $0xFFFFFFF0, v58  }
0x243: {  	v3 =	vor.u32 v3, v4  }
0x244: {  	v4 =	vperm.xlane v3, v0;
	_ =	sdelay $0x1  }
0x245: {  	v3 =	vperm.xlane v3, v2;
	v4 =	vadd.s32 v1, v4;
	_ =	sdelay $0x1  }
0x246: {  	v3 =	vadd.s32 v1, v3;
	_ =	sdelay $0x1  }
0x247: {  	s8 =	simm.s32 $0x6F00  }
0x248: {  	[tilespmem:s8], [sflag:$0x1] =	stream.indirect_vreg.gather [hbm4b:s2+s4], $0x80, v4, vm0, $0xb8;
	[tilespmem:$0x1CF00] =	vst v63  }
0x249: {  	s8 =	simm.s32 $0x7700  }
0x24a: {  	[tilespmem:s8], [sflag:$0x1] =	stream.indirect_vreg.gather [hbm4b:s2+s4], $0x80, v3, vm0, $0xb8;
	[tilespmem:$0x1CF00] =	vst v63  }
0x24b: {  	v3 =	vld [tilespmem:s1+$0x0];
	_ =	sdelay $0x4  }
0x24c: {  	v59 =	vshll.u32 v3, $0x1  }
0x24d: {  	v3 =	vand.u32 $0x7, v3;
	v4 =	vand.u32 $0xFFFFFFF0, v59  }
0x24e: {  	v3 =	vor.u32 v3, v4  }
0x24f: {  	v4 =	vperm.xlane v3, v0;
	_ =	sdelay $0x1  }
0x250: {  	v3 =	vperm.xlane v3, v2;
	v4 =	vadd.s32 v1, v4;
	_ =	sdelay $0x1  }
0x251: {  	v3 =	vadd.s32 v1, v3;
	_ =	sdelay $0x1  }
0x252: {  	s8 =	simm.s32 $0x7F00  }
0x253: {  	[tilespmem:s8], [sflag:$0x1] =	stream.indirect_vreg.gather [hbm4b:s2+s4], $0x80, v4, vm0, $0xb8;
	[tilespmem:$0x1CF00] =	vst v63  }
0x254: {  	s8 =	simm.s32 $0x8700  }
0x255: {  	[tilespmem:s8], [sflag:$0x1] =	stream.indirect_vreg.gather [hbm4b:s2+s4], $0x80, v3, vm0, $0xb8;
	[tilespmem:$0x1CF00] =	vst v63  }
0x256: {  	v3 =	vld [tilespmem:s0+$0xFFFFFFD0];
	_ =	sdelay $0x4  }
0x257: {  	v60 =	vshll.u32 v3, $0x1  }
0x258: {  	v3 =	vand.u32 $0x7, v3;
	v4 =	vand.u32 $0xFFFFFFF0, v60  }
0x259: {  	v3 =	vor.u32 v3, v4  }
0x25a: {  	v4 =	vperm.xlane v3, v0;
	_ =	sdelay $0x1  }
0x25b: {  	v3 =	vperm.xlane v3, v2;
	v4 =	vadd.s32 v1, v4;
	_ =	sdelay $0x1  }
0x25c: {  	v3 =	vadd.s32 v1, v3;
	_ =	sdelay $0x2  }
0x25d: {  	[tilespmem:s21], [sflag:$0x4] =	stream.indirect_vreg.gather [hbm4b:s3+s4], $0x80, v4, vm0, $0xb8;
	[tilespmem:$0x1CF00] =	vst v63  }
0x25e: {  	s8 =	simm.s32 $0x11700  }
0x25f: {  	[tilespmem:s8], [sflag:$0x4] =	stream.indirect_vreg.gather [hbm4b:s3+s4], $0x80, v3, vm0, $0xb8;
	[tilespmem:$0x1CF00] =	vst v63  }
0x260: {  	v3 =	vld [tilespmem:s0+$0xFFFFFFE0];
	_ =	sdelay $0x4  }
0x261: {  	v61 =	vshll.u32 v3, $0x1  }
0x262: {  	v3 =	vand.u32 $0x7, v3;
	v4 =	vand.u32 $0xFFFFFFF0, v61  }
0x263: {  	v3 =	vor.u32 v3, v4  }
0x264: {  	v4 =	vperm.xlane v3, v0;
	_ =	sdelay $0x1  }
0x265: {  	v3 =	vperm.xlane v3, v2;
	v4 =	vadd.s32 v1, v4;
	_ =	sdelay $0x1  }
0x266: {  	v3 =	vadd.s32 v1, v3;
	_ =	sdelay $0x1  }
0x267: {  	s8 =	simm.s32 $0x11F00  }
0x268: {  	[tilespmem:s8], [sflag:$0x4] =	stream.indirect_vreg.gather [hbm4b:s3+s4], $0x80, v4, vm0, $0xb8;
	[tilespmem:$0x1CF00] =	vst v63  }
0x269: {  	s8 =	simm.s32 $0x12700  }
0x26a: {  	[tilespmem:s8], [sflag:$0x4] =	stream.indirect_vreg.gather [hbm4b:s3+s4], $0x80, v3, vm0, $0xb8;
	[tilespmem:$0x1CF00] =	vst v63  }
0x26b: {  	v3 =	vld [tilespmem:s0+$0xFFFFFFF0];
	_ =	sdelay $0x4  }
0x26c: {  	v62 =	vshll.u32 v3, $0x1  }
0x26d: {  	v3 =	vand.u32 $0x7, v3;
	v4 =	vand.u32 $0xFFFFFFF0, v62  }
0x26e: {  	v3 =	vor.u32 v3, v4  }
0x26f: {  	v4 =	vperm.xlane v3, v0;
	_ =	sdelay $0x1  }
0x270: {  	v3 =	vperm.xlane v3, v2;
	v4 =	vadd.s32 v1, v4;
	_ =	sdelay $0x1  }
0x271: {  	v3 =	vadd.s32 v1, v3;
	_ =	sdelay $0x1  }
0x272: {  	s8 =	simm.s32 $0x12F00  }
0x273: {  	[tilespmem:s8], [sflag:$0x4] =	stream.indirect_vreg.gather [hbm4b:s3+s4], $0x80, v4, vm0, $0xb8;
	[tilespmem:$0x1CF00] =	vst v63  }
0x274: {  	s8 =	simm.s32 $0x13700  }
0x275: {  	[tilespmem:s8], [sflag:$0x4] =	stream.indirect_vreg.gather [hbm4b:s3+s4], $0x80, v3, vm0, $0xb8;
	[tilespmem:$0x1CF00] =	vst v63  }
0x276: {  	v3 =	vld [tilespmem:s0+$0x0];
	_ =	sdelay $0x4  }
0x277: {  	v63 =	vshll.u32 v3, $0x1  }
0x278: {  	v3 =	vand.u32 $0x7, v3;
	v4 =	vand.u32 $0xFFFFFFF0, v63  }
0x279: {  	v3 =	vor.u32 v3, v4  }
0x27a: {  	v4 =	vperm.xlane v3, v0;
	_ =	sdelay $0x1  }
0x27b: {  	v3 =	vperm.xlane v3, v2;
	v4 =	vadd.s32 v1, v4;
	_ =	sdelay $0x1  }
0x27c: {  	v3 =	vadd.s32 v1, v3  }
.Ltmp12:
0x27d: {  	_ = 	snop;
	(pc) =	sbr.rel .LBB2_11-.Ltmp12, $4  }
0x27e: {  	s8 =	simm.s32 $0x13F00  }
0x27f: {  	[tilespmem:s8], [sflag:$0x4] =	stream.indirect_vreg.gather [hbm4b:s3+s4], $0x80, v4, vm0, $0xb8;
	[tilespmem:$0x1CF00] =	vst v63  }
0x280: {  	s8 =	simm.s32 $0x14700  }
0x281: {  	[tilespmem:s8], [sflag:$0x4] =	stream.indirect_vreg.gather [hbm4b:s3+s4], $0x80, v3, vm0, $0xb8;
	[tilespmem:$0x1CF00] =	vst v63  }
.LBB2_12:
.Ltmp13:
0x282: {  	(pc) =	sbr.rel @p1 .LBB2_13-.Ltmp13, $1  }
0x283: {  	_ =	sdelay $0x3  }
.Ltmp14:
0x284: {  	(pc) =	sbr.rel @p2 .LBB2_17-.Ltmp14, $1  }
0x285: {  	_ =	sdelay $0x3  }
.Ltmp15:
0x286: {  	(pc) =	sbr.rel .LBB2_16-.Ltmp15, $3  }
0x287: {  	_ =	sdelay $0x1  }
0x288: {  	s0 =	simm.s32 $0xA;
	s1 =	simm.s32 $0x7;
	s6 =	simm.s32 $0xC  }
0x289: {  	s9 =	simm.s32 $0x9;
	s10 =	simm.s32 $0xB;
	s8 =	simm.s32 $0x8  }
.LBB2_18:
0x28a: {  	_ =	sfence.sel $0x180000  }
0x28b: {  	[bflag:$0x0] =	sbarrier.arrive $0xFFFF  }
0x28c: {  	_ =	strace $0x90000047  }
0x28d: {  	s0 =	stileid.u32;
	[bflag:$0x2] =	sbarrier.arrive $0xFFFF  }
0x28e: {  	p0 =	sne.s32 s0, $0x0;
	s0 =	rddreg [dreg:$0x3]  }
0x28f: {  	s0 =	sadd.s32 @!p0 $0x100000, s0  }
0x290: {  	[sflag:s0] =	ssyncadd.tile.s32 @!p0 $0x1;
	_ =	shalt  }
.Lfunc_end2:
_tile_overlayer_lowered:
.L_overlay_start_2:
0x291: {  	(tag) =	ssettag $0x2  }
0x292: {  	s0 =	rddreg [dreg:$0x0];
	s2 =	stileid.u32  }
0x293: {  	s1 =	rddreg [dreg:$0x1];
	p0 =	sne.s32 s2, $0x0  }
0x294: {  	s3 =	rddreg [dreg:$0x2];
	[bflag:$0x3] =	sbarrier.arrive $0xFFFF;
	s2 =	simm.s32 @!p0 $0x1C0D  }
0x295: {  	[timem:s3], [sflag:s2] =	dma.local @!p0 [hbm:s0], s1  }
0x296: {  	s0 =	simm.s32 @!p0 $0xD  }
0x297: {  	_ =	swait.ge @!p0 [sflag:s0], s1  }
0x298: {  	s1 =	ssub.s32 @!p0 $0x0, s1;
	[sflag:s0] =	ssyncset.done @!p0 $0x0  }
0x299: {  	[sflag:s0] =	ssyncadd.s32 @!p0 s1  }
0x29a: {  	[bflag:$0x3] =	sbarrier.arrive $0xFFFF  }
0x29b: {  	_ =	shalt  }

</sc_bundles>
